<compile_context>
chip_gen: v7x
topology: tpu7x:2x2x1
jax: 0.10.2.dev20260603
libtpu: 0.0.44.dev20260713+nightly
codegen_flags: <defaults>
</compile_context>

<pallas_src>
import functools

import jax
import jax.numpy as jnp
from jax import lax
from jax.experimental import pallas as pl
from jax.experimental.pallas import tpu as pltpu
from jax.experimental.pallas import tpu_sc as plsc

_B = 16384
_NT = 7813
_NC = 2
_NS = 16
_NW = _NC * _NS
_BPW = _B // _NW
_CH = 64
_NCHUNK = _BPW // _CH

_BLK = 4096
_GRID = _B // _BLK


def _sc_gather_body(table_hbm, idx_hbm, out_hbm,
                    idx_v, glist_v, col_v, slab_v, emb_v, sem0, sem1):
    wid = lax.axis_index("s") * _NC + lax.axis_index("c")
    base = wid * _BPW
    pltpu.sync_copy(idx_hbm.at[pl.ds(wid * (_BPW // 128), _BPW // 128)], idx_v)
    for m in range(_BPW // 16):
        v = idx_v[m // 8, pl.ds((m % 8) * 16, 16)]
        glist_v[m // 4, pl.ds((m % 4) * 16, 16)] = v >> 7
        col_v[pl.ds(m * 16, 16)] = v & 127
    sems = [sem0, sem1]

    def fire(j):
        return pltpu.async_copy(
            table_hbm.at[glist_v.at[j]],
            slab_v.at[j % 2],
            sems[j % 2],
        )

    pending = fire(0)
    for j in range(_NCHUNK):
        nxt = fire(j + 1) if j + 1 < _NCHUNK else None
        pending.wait()
        buf = j % 2
        for g in range(_CH // 16):
            r0 = j * _CH + g * 16
            i16 = g * 16 + lax.iota(jnp.int32, 16)
            k16 = col_v[pl.ds(r0, 16)]
            for c in range(4):
                c16 = jnp.full((16,), c, jnp.int32)
                emb_v[c, pl.ds(r0, 16)] = plsc.load_gather(
                    slab_v.at[buf], [i16, c16, k16]
                )
        pending = nxt
    pltpu.sync_copy(emb_v, out_hbm.at[:, pl.ds(base, _BPW)])


@jax.jit
def _sc_gather(table3, idx2d):
    mesh = plsc.VectorSubcoreMesh(core_axis_name="c", subcore_axis_name="s")
    return pl.kernel(
        _sc_gather_body,
        out_type=jax.ShapeDtypeStruct((4, _B), jnp.float32),
        mesh=mesh,
        scratch_types=[
            pltpu.VMEM((_BPW // 128, 128), jnp.int32),
            pltpu.VMEM((_NCHUNK, _CH), jnp.int32),
            pltpu.VMEM((_BPW,), jnp.int32),
            pltpu.VMEM((2, _CH, 4, 128), jnp.float32),
            pltpu.VMEM((4, _BPW), jnp.float32),
            pltpu.SemaphoreType.DMA,
            pltpu.SemaphoreType.DMA,
        ],
        compiler_params=pltpu.CompilerParams(needs_layout_passes=False),
    )(table3, idx2d)


def _tc_mlp_body(f_ref, e_ref, w1a_ref, w1b_ref, b1_ref, w2_ref, b2_ref, o_ref):
    h = jnp.dot(f_ref[...], w1a_ref[...], preferred_element_type=jnp.float32)
    h = h + lax.dot_general(
        e_ref[...], w1b_ref[...], (((0,), (0,)), ((), ())),
        preferred_element_type=jnp.float32,
    )
    h = jnp.maximum(h + b1_ref[...], 0.0)
    o_ref[...] = (
        lax.dot_general(
            w2_ref[...], h, (((0,), (1,)), ((), ())),
            preferred_element_type=jnp.float32,
        )
        + b2_ref[0, 0]
    )


def _tc_mlp(features, dom_emb_t, W1a, W1b, b1, W2, b2):
    return pl.pallas_call(
        _tc_mlp_body,
        grid=(_GRID,),
        in_specs=[
            pl.BlockSpec((_BLK, 128), lambda i: (i, 0)),
            pl.BlockSpec((4, _BLK), lambda i: (0, i)),
            pl.BlockSpec((128, 64), lambda i: (0, 0)),
            pl.BlockSpec((4, 64), lambda i: (0, 0)),
            pl.BlockSpec((1, 64), lambda i: (0, 0)),
            pl.BlockSpec((64, 1), lambda i: (0, 0)),
            pl.BlockSpec((1, 1), lambda i: (0, 0)),
        ],
        out_specs=pl.BlockSpec((1, _BLK), lambda i: (0, i)),
        out_shape=jax.ShapeDtypeStruct((1, _B), jnp.float32),
    )(features, dom_emb_t, W1a, W1b, b1, W2, b2)


def kernel(features, domain_idx, emb_table, W1, b1, W2, b2):
    table3 = (
        jnp.pad(emb_table, ((0, _NT * 128 - 1000000), (0, 0)))
        .reshape(_NT, 128, 4)
        .transpose(0, 2, 1)
    )
    idx2d = domain_idx.astype(jnp.int32).reshape(_B // 128, 128)
    dom_emb_t = _sc_gather(table3, idx2d)
    out = _tc_mlp(
        features,
        dom_emb_t,
        W1[:128],
        W1[128:],
        b1.reshape(1, 64),
        W2,
        b2.reshape(1, 1),
    )
    return out.reshape(_B)

# --- scband reference (transcript-rebuilt; emitter-appended) ---
"""Pipeline reference for scband-hnregressor-34411277975604 (READ-ONLY COPY).

The authoritative reference and input builder live on the scoring server;
editing this copy changes nothing except your own understanding.
"""

import jax, jax.numpy as jnp
import numpy as np


def setup_inputs(seed: int = 0) -> dict:
    key = jax.random.key(seed)
    k_feat, k_idx, k_emb, k_w1, k_b1, k_w2, k_b2 = jax.random.split(key, 7)
    batch = 16384
    input_dim = 128
    vocab = 1000000
    emb_dim = 4
    hidden = 64
    features = jax.random.normal(k_feat, (batch, input_dim), dtype=jnp.float32)
    domain_idx = jax.random.randint(k_idx, (batch,), 0, vocab, dtype=jnp.int64 if jax.config.jax_enable_x64 else jnp.int32).astype(jnp.int32)
    emb_table = jax.random.normal(k_emb, (vocab, emb_dim), dtype=jnp.float32)
    # Linear layers stored as (in, out) so forward is x @ W + b (same math as torch Linear)
    W1 = jax.random.normal(k_w1, (input_dim + emb_dim, hidden), dtype=jnp.float32) * 0.05
    b1 = jax.random.normal(k_b1, (hidden,), dtype=jnp.float32) * 0.05
    W2 = jax.random.normal(k_w2, (hidden, 1), dtype=jnp.float32) * 0.05
    b2 = jax.random.normal(k_b2, (1,), dtype=jnp.float32) * 0.05
    return {
        "features": features,
        "domain_idx": domain_idx,
        "emb_table": emb_table,
        "W1": W1,
        "b1": b1,
        "W2": W2,
        "b2": b2,
    }


def reference(features, domain_idx, emb_table, W1, b1, W2, b2):
    # Embedding lookup (gather)
    dom_emb = jnp.take(emb_table, domain_idx, axis=0)
    # Concatenate dense features with domain embedding
    x = jnp.concatenate([features, dom_emb], axis=1)
    # Two-layer MLP regressor
    h = jax.nn.relu(x @ W1 + b1)
    out = h @ W2 + b2
    return out.squeeze(1)

if __name__ == "__main__":
    import jax
    _d = setup_inputs()
    print(jax.jit(kernel)(*tuple(_d.values())))

</pallas_src>

<mosaic_0001>
#map = affine_map<(d0, d1) -> (0, 0, 0)>
#map1 = affine_map<(d0, d1) -> (0, 0)>
module attributes {stable_mosaic.version = 14 : i64} {
  func.func @_sc_gather_body(%arg0: i32, %arg1: i32, %arg2: memref<7813x4x128xf32, #tpu.memory_space<hbm>>, %arg3: memref<128x128xi32, #tpu.memory_space<hbm>>, %arg4: memref<4x16384xf32, #tpu.memory_space<hbm>>, %arg5: memref<4x128xi32, #tpu.memory_space<vmem>>, %arg6: memref<8x64xi32, #tpu.memory_space<vmem>>, %arg7: memref<512xi32, #tpu.memory_space<vmem>>, %arg8: memref<2x64x4x128xf32, #tpu.memory_space<vmem>>, %arg9: memref<4x512xf32, #tpu.memory_space<vmem>>, %arg10: memref<!tpu.dma_semaphore, #tpu.memory_space<semaphore_mem>>, %arg11: memref<!tpu.dma_semaphore, #tpu.memory_space<semaphore_mem>>) attributes {dimension_semantics = [#tpu.dimension_semantics<core_parallel>, #tpu.dimension_semantics<subcore_parallel>], iteration_bounds = array<i64: 2, 16>, scalar_prefetch = 0 : i64, scratch_operands = 7 : i64, tpu.core_type = #tpu.core_type<sc_vector_subcore>, window_params = [{transform_indices = #map}, {transform_indices = #map1}, {transform_indices = #map1}]} {
    %mul3A = arith.constant 2 : i32
    %mul3A_0 = arith.muli %arg1, %mul3A : i32
    %add3A = arith.addi %mul3A_0, %arg0 : i32
    %mul3A_1 = arith.constant 512 : i32
    %mul3A_2 = arith.muli %add3A, %mul3A_1 : i32
    %mul3A_3 = arith.constant 4 : i32
    %mul3A_4 = arith.muli %add3A, %mul3A_3 : i32
    "tpu.region"() ({
      %run_scoped3A = tpu.sem_alloc : memref<!tpu.dma_semaphore, #tpu.memory_space<semaphore_mem>>
      %dma_start3A_2588 = arith.constant 0 : i32
      %dma_start3A_2589 = tpu.memref_slice %arg3[%mul3A_4, %dma_start3A_2588] : memref<128x128xi32, #tpu.memory_space<hbm>> -> memref<4x128xi32, #tpu.memory_space<hbm>>
      %dma_start3A_2590 = arith.constant 0 : i32
      %dma_start3A_2591 = tpu.memref_slice %arg3[%mul3A_4, %dma_start3A_2590] : memref<128x128xi32, #tpu.memory_space<hbm>> -> memref<4x128xi32, #tpu.memory_space<hbm>>
      tpu.enqueue_dma source(%dma_start3A_2591 : memref<4x128xi32, #tpu.memory_space<hbm>>) target(%arg5 : memref<4x128xi32, #tpu.memory_space<vmem>>) target_semaphore(%run_scoped3A : memref<!tpu.dma_semaphore, #tpu.memory_space<semaphore_mem>>)
      %dma_wait3A_2592 = arith.constant 0 : i32
      %dma_wait3A_2593 = tpu.memref_slice %arg3[%mul3A_4, %dma_wait3A_2592] : memref<128x128xi32, #tpu.memory_space<hbm>> -> memref<4x128xi32, #tpu.memory_space<hbm>>
      %dma_wait3A_2594 = arith.constant 0 : i32
      %dma_wait3A_2595 = tpu.memref_slice %arg3[%mul3A_4, %dma_wait3A_2594] : memref<128x128xi32, #tpu.memory_space<hbm>> -> memref<4x128xi32, #tpu.memory_space<hbm>>
      tpu.wait_dma2 semaphore(%run_scoped3A : memref<!tpu.dma_semaphore, #tpu.memory_space<semaphore_mem>>) src(%dma_wait3A_2595 : memref<4x128xi32, #tpu.memory_space<hbm>>) dst(%arg5 : memref<4x128xi32, #tpu.memory_space<vmem>>)
      tpu.yield
    }) : () -> ()
    %get3A = arith.constant 0 : i32
    %get3A_5 = arith.index_cast %get3A : i32 to index
    %get3A_6 = arith.constant 0 : index
    %get3A_7 = tpu.vector_load %arg5[%get3A_5, %get3A_6] {strides = array<i32>} : memref<4x128xi32, #tpu.memory_space<vmem>>, vector<16xi32>,
    %shift_right_arithmetic3A = arith.constant 7 : i32
    %shift_right_arithmetic3A_8 = vector.broadcast %shift_right_arithmetic3A : i32 to vector<16xi32>
    %shift_right_arithmetic3A_9 = arith.shrsi %get3A_7, %shift_right_arithmetic3A_8 : vector<16xi32>
    %swap3A = arith.constant 0 : i32
    %swap3A_10 = arith.index_cast %swap3A : i32 to index
    %swap3A_11 = arith.constant 0 : index
    %swap3A_12 = tpu.vector_load %arg6[%swap3A_10, %swap3A_11] {strides = array<i32>} : memref<8x64xi32, #tpu.memory_space<vmem>>, vector<16xi32>,
    tpu.vector_store %arg6[%swap3A_10, %swap3A_11], %shift_right_arithmetic3A_9 {strides = array<i32>} : memref<8x64xi32, #tpu.memory_space<vmem>>, vector<16xi32>,
    %and3A = arith.constant 127 : i32
    %and3A_13 = vector.broadcast %and3A : i32 to vector<16xi32>
    %and3A_14 = arith.andi %get3A_7, %and3A_13 : vector<16xi32>
    %swap3A_15 = arith.constant 0 : index
    %swap3A_16 = tpu.vector_load %arg7[%swap3A_15] {strides = array<i32>} : memref<512xi32, #tpu.memory_space<vmem>>, vector<16xi32>,
    tpu.vector_store %arg7[%swap3A_15], %and3A_14 {strides = array<i32>} : memref<512xi32, #tpu.memory_space<vmem>>, vector<16xi32>,
    %get3A_17 = arith.constant 0 : i32
    %get3A_18 = arith.index_cast %get3A_17 : i32 to index
    %get3A_19 = arith.constant 16 : index
    %get3A_20 = tpu.vector_load %arg5[%get3A_18, %get3A_19] {strides = array<i32>} : memref<4x128xi32, #tpu.memory_space<vmem>>, vector<16xi32>,
    %shift_right_arithmetic3A_21 = arith.constant 7 : i32
    %shift_right_arithmetic3A_22 = vector.broadcast %shift_right_arithmetic3A_21 : i32 to vector<16xi32>
    %shift_right_arithmetic3A_23 = arith.shrsi %get3A_20, %shift_right_arithmetic3A_22 : vector<16xi32>
    %swap3A_24 = arith.constant 0 : i32
    %swap3A_25 = arith.index_cast %swap3A_24 : i32 to index
    %swap3A_26 = arith.constant 16 : index
    %swap3A_27 = tpu.vector_load %arg6[%swap3A_25, %swap3A_26] {strides = array<i32>} : memref<8x64xi32, #tpu.memory_space<vmem>>, vector<16xi32>,
    tpu.vector_store %arg6[%swap3A_25, %swap3A_26], %shift_right_arithmetic3A_23 {strides = array<i32>} : memref<8x64xi32, #tpu.memory_space<vmem>>, vector<16xi32>,
    %and3A_28 = arith.constant 127 : i32
    %and3A_29 = vector.broadcast %and3A_28 : i32 to vector<16xi32>
    %and3A_30 = arith.andi %get3A_20, %and3A_29 : vector<16xi32>
    %swap3A_31 = arith.constant 16 : index
    %swap3A_32 = tpu.vector_load %arg7[%swap3A_31] {strides = array<i32>} : memref<512xi32, #tpu.memory_space<vmem>>, vector<16xi32>,
    tpu.vector_store %arg7[%swap3A_31], %and3A_30 {strides = array<i32>} : memref<512xi32, #tpu.memory_space<vmem>>, vector<16xi32>,
    %get3A_33 = arith.constant 0 : i32
    %get3A_34 = arith.index_cast %get3A_33 : i32 to index
    %get3A_35 = arith.constant 32 : index
    %get3A_36 = tpu.vector_load %arg5[%get3A_34, %get3A_35] {strides = array<i32>} : memref<4x128xi32, #tpu.memory_space<vmem>>, vector<16xi32>,
    %shift_right_arithmetic3A_37 = arith.constant 7 : i32
    %shift_right_arithmetic3A_38 = vector.broadcast %shift_right_arithmetic3A_37 : i32 to vector<16xi32>
    %shift_right_arithmetic3A_39 = arith.shrsi %get3A_36, %shift_right_arithmetic3A_38 : vector<16xi32>
    %swap3A_40 = arith.constant 0 : i32
    %swap3A_41 = arith.index_cast %swap3A_40 : i32 to index
    %swap3A_42 = arith.constant 32 : index
    %swap3A_43 = tpu.vector_load %arg6[%swap3A_41, %swap3A_42] {strides = array<i32>} : memref<8x64xi32, #tpu.memory_space<vmem>>, vector<16xi32>,
    tpu.vector_store %arg6[%swap3A_41, %swap3A_42], %shift_right_arithmetic3A_39 {strides = array<i32>} : memref<8x64xi32, #tpu.memory_space<vmem>>, vector<16xi32>,
    %and3A_44 = arith.constant 127 : i32
    %and3A_45 = vector.broadcast %and3A_44 : i32 to vector<16xi32>
    %and3A_46 = arith.andi %get3A_36, %and3A_45 : vector<16xi32>
    %swap3A_47 = arith.constant 32 : index
    %swap3A_48 = tpu.vector_load %arg7[%swap3A_47] {strides = array<i32>} : memref<512xi32, #tpu.memory_space<vmem>>, vector<16xi32>,
    tpu.vector_store %arg7[%swap3A_47], %and3A_46 {strides = array<i32>} : memref<512xi32, #tpu.memory_space<vmem>>, vector<16xi32>,
    %get3A_49 = arith.constant 0 : i32
    %get3A_50 = arith.index_cast %get3A_49 : i32 to index
    %get3A_51 = arith.constant 48 : index
    %get3A_52 = tpu.vector_load %arg5[%get3A_50, %get3A_51] {strides = array<i32>} : memref<4x128xi32, #tpu.memory_space<vmem>>, vector<16xi32>,
    %shift_right_arithmetic3A_53 = arith.constant 7 : i32
    %shift_right_arithmetic3A_54 = vector.broadcast %shift_right_arithmetic3A_53 : i32 to vector<16xi32>
    %shift_right_arithmetic3A_55 = arith.shrsi %get3A_52, %shift_right_arithmetic3A_54 : vector<16xi32>
    %swap3A_56 = arith.constant 0 : i32
    %swap3A_57 = arith.index_cast %swap3A_56 : i32 to index
    %swap3A_58 = arith.constant 48 : index
    %swap3A_59 = tpu.vector_load %arg6[%swap3A_57, %swap3A_58] {strides = array<i32>} : memref<8x64xi32, #tpu.memory_space<vmem>>, vector<16xi32>,
    tpu.vector_store %arg6[%swap3A_57, %swap3A_58], %shift_right_arithmetic3A_55 {strides = array<i32>} : memref<8x64xi32, #tpu.memory_space<vmem>>, vector<16xi32>,
    %and3A_60 = arith.constant 127 : i32
    %and3A_61 = vector.broadcast %and3A_60 : i32 to vector<16xi32>
    %and3A_62 = arith.andi %get3A_52, %and3A_61 : vector<16xi32>
    %swap3A_63 = arith.constant 48 : index
    %swap3A_64 = tpu.vector_load %arg7[%swap3A_63] {strides = array<i32>} : memref<512xi32, #tpu.memory_space<vmem>>, vector<16xi32>,
    tpu.vector_store %arg7[%swap3A_63], %and3A_62 {strides = array<i32>} : memref<512xi32, #tpu.memory_space<vmem>>, vector<16xi32>,
    %get3A_65 = arith.constant 0 : i32
    %get3A_66 = arith.index_cast %get3A_65 : i32 to index
    %get3A_67 = arith.constant 64 : index
    %get3A_68 = tpu.vector_load %arg5[%get3A_66, %get3A_67] {strides = array<i32>} : memref<4x128xi32, #tpu.memory_space<vmem>>, vector<16xi32>,
    %shift_right_arithmetic3A_69 = arith.constant 7 : i32
    %shift_right_arithmetic3A_70 = vector.broadcast %shift_right_arithmetic3A_69 : i32 to vector<16xi32>
    %shift_right_arithmetic3A_71 = arith.shrsi %get3A_68, %shift_right_arithmetic3A_70 : vector<16xi32>
    %swap3A_72 = arith.constant 1 : i32
    %swap3A_73 = arith.index_cast %swap3A_72 : i32 to index
    %swap3A_74 = arith.constant 0 : index
    %swap3A_75 = tpu.vector_load %arg6[%swap3A_73, %swap3A_74] {strides = array<i32>} : memref<8x64xi32, #tpu.memory_space<vmem>>, vector<16xi32>,
    tpu.vector_store %arg6[%swap3A_73, %swap3A_74], %shift_right_arithmetic3A_71 {strides = array<i32>} : memref<8x64xi32, #tpu.memory_space<vmem>>, vector<16xi32>,
    %and3A_76 = arith.constant 127 : i32
    %and3A_77 = vector.broadcast %and3A_76 : i32 to vector<16xi32>
    %and3A_78 = arith.andi %get3A_68, %and3A_77 : vector<16xi32>
    %swap3A_79 = arith.constant 64 : index
    %swap3A_80 = tpu.vector_load %arg7[%swap3A_79] {strides = array<i32>} : memref<512xi32, #tpu.memory_space<vmem>>, vector<16xi32>,
    tpu.vector_store %arg7[%swap3A_79], %and3A_78 {strides = array<i32>} : memref<512xi32, #tpu.memory_space<vmem>>, vector<16xi32>,
    %get3A_81 = arith.constant 0 : i32
    %get3A_82 = arith.index_cast %get3A_81 : i32 to index
    %get3A_83 = arith.constant 80 : index
    %get3A_84 = tpu.vector_load %arg5[%get3A_82, %get3A_83] {strides = array<i32>} : memref<4x128xi32, #tpu.memory_space<vmem>>, vector<16xi32>,
    %shift_right_arithmetic3A_85 = arith.constant 7 : i32
    %shift_right_arithmetic3A_86 = vector.broadcast %shift_right_arithmetic3A_85 : i32 to vector<16xi32>
    %shift_right_arithmetic3A_87 = arith.shrsi %get3A_84, %shift_right_arithmetic3A_86 : vector<16xi32>
    %swap3A_88 = arith.constant 1 : i32
    %swap3A_89 = arith.index_cast %swap3A_88 : i32 to index
    %swap3A_90 = arith.constant 16 : index
    %swap3A_91 = tpu.vector_load %arg6[%swap3A_89, %swap3A_90] {strides = array<i32>} : memref<8x64xi32, #tpu.memory_space<vmem>>, vector<16xi32>,
    tpu.vector_store %arg6[%swap3A_89, %swap3A_90], %shift_right_arithmetic3A_87 {strides = array<i32>} : memref<8x64xi32, #tpu.memory_space<vmem>>, vector<16xi32>,
    %and3A_92 = arith.constant 127 : i32
    %and3A_93 = vector.broadcast %and3A_92 : i32 to vector<16xi32>
    %and3A_94 = arith.andi %get3A_84, %and3A_93 : vector<16xi32>
    %swap3A_95 = arith.constant 80 : index
    %swap3A_96 = tpu.vector_load %arg7[%swap3A_95] {strides = array<i32>} : memref<512xi32, #tpu.memory_space<vmem>>, vector<16xi32>,
    tpu.vector_store %arg7[%swap3A_95], %and3A_94 {strides = array<i32>} : memref<512xi32, #tpu.memory_space<vmem>>, vector<16xi32>,
    %get3A_97 = arith.constant 0 : i32
    %get3A_98 = arith.index_cast %get3A_97 : i32 to index
    %get3A_99 = arith.constant 96 : index
    %get3A_100 = tpu.vector_load %arg5[%get3A_98, %get3A_99] {strides = array<i32>} : memref<4x128xi32, #tpu.memory_space<vmem>>, vector<16xi32>,
    %shift_right_arithmetic3A_101 = arith.constant 7 : i32
    %shift_right_arithmetic3A_102 = vector.broadcast %shift_right_arithmetic3A_101 : i32 to vector<16xi32>
    %shift_right_arithmetic3A_103 = arith.shrsi %get3A_100, %shift_right_arithmetic3A_102 : vector<16xi32>
    %swap3A_104 = arith.constant 1 : i32
    %swap3A_105 = arith.index_cast %swap3A_104 : i32 to index
    %swap3A_106 = arith.constant 32 : index
    %swap3A_107 = tpu.vector_load %arg6[%swap3A_105, %swap3A_106] {strides = array<i32>} : memref<8x64xi32, #tpu.memory_space<vmem>>, vector<16xi32>,
    tpu.vector_store %arg6[%swap3A_105, %swap3A_106], %shift_right_arithmetic3A_103 {strides = array<i32>} : memref<8x64xi32, #tpu.memory_space<vmem>>, vector<16xi32>,
    %and3A_108 = arith.constant 127 : i32
    %and3A_109 = vector.broadcast %and3A_108 : i32 to vector<16xi32>
    %and3A_110 = arith.andi %get3A_100, %and3A_109 : vector<16xi32>
    %swap3A_111 = arith.constant 96 : index
    %swap3A_112 = tpu.vector_load %arg7[%swap3A_111] {strides = array<i32>} : memref<512xi32, #tpu.memory_space<vmem>>, vector<16xi32>,
    tpu.vector_store %arg7[%swap3A_111], %and3A_110 {strides = array<i32>} : memref<512xi32, #tpu.memory_space<vmem>>, vector<16xi32>,
    %get3A_113 = arith.constant 0 : i32
    %get3A_114 = arith.index_cast %get3A_113 : i32 to index
    %get3A_115 = arith.constant 112 : index
    %get3A_116 = tpu.vector_load %arg5[%get3A_114, %get3A_115] {strides = array<i32>} : memref<4x128xi32, #tpu.memory_space<vmem>>, vector<16xi32>,
    %shift_right_arithmetic3A_117 = arith.constant 7 : i32
    %shift_right_arithmetic3A_118 = vector.broadcast %shift_right_arithmetic3A_117 : i32 to vector<16xi32>
    %shift_right_arithmetic3A_119 = arith.shrsi %get3A_116, %shift_right_arithmetic3A_118 : vector<16xi32>
    %swap3A_120 = arith.constant 1 : i32
    %swap3A_121 = arith.index_cast %swap3A_120 : i32 to index
    %swap3A_122 = arith.constant 48 : index
    %swap3A_123 = tpu.vector_load %arg6[%swap3A_121, %swap3A_122] {strides = array<i32>} : memref<8x64xi32, #tpu.memory_space<vmem>>, vector<16xi32>,
    tpu.vector_store %arg6[%swap3A_121, %swap3A_122], %shift_right_arithmetic3A_119 {strides = array<i32>} : memref<8x64xi32, #tpu.memory_space<vmem>>, vector<16xi32>,
    %and3A_124 = arith.constant 127 : i32
    %and3A_125 = vector.broadcast %and3A_124 : i32 to vector<16xi32>
    %and3A_126 = arith.andi %get3A_116, %and3A_125 : vector<16xi32>
    %swap3A_127 = arith.constant 112 : index
    %swap3A_128 = tpu.vector_load %arg7[%swap3A_127] {strides = array<i32>} : memref<512xi32, #tpu.memory_space<vmem>>, vector<16xi32>,
    tpu.vector_store %arg7[%swap3A_127], %and3A_126 {strides = array<i32>} : memref<512xi32, #tpu.memory_space<vmem>>, vector<16xi32>,
    %get3A_129 = arith.constant 1 : i32
    %get3A_130 = arith.index_cast %get3A_129 : i32 to index
    %get3A_131 = arith.constant 0 : index
    %get3A_132 = tpu.vector_load %arg5[%get3A_130, %get3A_131] {strides = array<i32>} : memref<4x128xi32, #tpu.memory_space<vmem>>, vector<16xi32>,
    %shift_right_arithmetic3A_133 = arith.constant 7 : i32
    %shift_right_arithmetic3A_134 = vector.broadcast %shift_right_arithmetic3A_133 : i32 to vector<16xi32>
    %shift_right_arithmetic3A_135 = arith.shrsi %get3A_132, %shift_right_arithmetic3A_134 : vector<16xi32>
    %swap3A_136 = arith.constant 2 : i32
    %swap3A_137 = arith.index_cast %swap3A_136 : i32 to index
    %swap3A_138 = arith.constant 0 : index
    %swap3A_139 = tpu.vector_load %arg6[%swap3A_137, %swap3A_138] {strides = array<i32>} : memref<8x64xi32, #tpu.memory_space<vmem>>, vector<16xi32>,
    tpu.vector_store %arg6[%swap3A_137, %swap3A_138], %shift_right_arithmetic3A_135 {strides = array<i32>} : memref<8x64xi32, #tpu.memory_space<vmem>>, vector<16xi32>,
    %and3A_140 = arith.constant 127 : i32
    %and3A_141 = vector.broadcast %and3A_140 : i32 to vector<16xi32>
    %and3A_142 = arith.andi %get3A_132, %and3A_141 : vector<16xi32>
    %swap3A_143 = arith.constant 128 : index
    %swap3A_144 = tpu.vector_load %arg7[%swap3A_143] {strides = array<i32>} : memref<512xi32, #tpu.memory_space<vmem>>, vector<16xi32>,
    tpu.vector_store %arg7[%swap3A_143], %and3A_142 {strides = array<i32>} : memref<512xi32, #tpu.memory_space<vmem>>, vector<16xi32>,
    %get3A_145 = arith.constant 1 : i32
    %get3A_146 = arith.index_cast %get3A_145 : i32 to index
    %get3A_147 = arith.constant 16 : index
    %get3A_148 = tpu.vector_load %arg5[%get3A_146, %get3A_147] {strides = array<i32>} : memref<4x128xi32, #tpu.memory_space<vmem>>, vector<16xi32>,
    %shift_right_arithmetic3A_149 = arith.constant 7 : i32
    %shift_right_arithmetic3A_150 = vector.broadcast %shift_right_arithmetic3A_149 : i32 to vector<16xi32>
    %shift_right_arithmetic3A_151 = arith.shrsi %get3A_148, %shift_right_arithmetic3A_150 : vector<16xi32>
    %swap3A_152 = arith.constant 2 : i32
    %swap3A_153 = arith.index_cast %swap3A_152 : i32 to index
    %swap3A_154 = arith.constant 16 : index
    %swap3A_155 = tpu.vector_load %arg6[%swap3A_153, %swap3A_154] {strides = array<i32>} : memref<8x64xi32, #tpu.memory_space<vmem>>, vector<16xi32>,
    tpu.vector_store %arg6[%swap3A_153, %swap3A_154], %shift_right_arithmetic3A_151 {strides = array<i32>} : memref<8x64xi32, #tpu.memory_space<vmem>>, vector<16xi32>,
    %and3A_156 = arith.constant 127 : i32
    %and3A_157 = vector.broadcast %and3A_156 : i32 to vector<16xi32>
    %and3A_158 = arith.andi %get3A_148, %and3A_157 : vector<16xi32>
    %swap3A_159 = arith.constant 144 : index
    %swap3A_160 = tpu.vector_load %arg7[%swap3A_159] {strides = array<i32>} : memref<512xi32, #tpu.memory_space<vmem>>, vector<16xi32>,
    tpu.vector_store %arg7[%swap3A_159], %and3A_158 {strides = array<i32>} : memref<512xi32, #tpu.memory_space<vmem>>, vector<16xi32>,
    %get3A_161 = arith.constant 1 : i32
    %get3A_162 = arith.index_cast %get3A_161 : i32 to index
    %get3A_163 = arith.constant 32 : index
    %get3A_164 = tpu.vector_load %arg5[%get3A_162, %get3A_163] {strides = array<i32>} : memref<4x128xi32, #tpu.memory_space<vmem>>, vector<16xi32>,
    %shift_right_arithmetic3A_165 = arith.constant 7 : i32
    %shift_right_arithmetic3A_166 = vector.broadcast %shift_right_arithmetic3A_165 : i32 to vector<16xi32>
    %shift_right_arithmetic3A_167 = arith.shrsi %get3A_164, %shift_right_arithmetic3A_166 : vector<16xi32>
    %swap3A_168 = arith.constant 2 : i32
    %swap3A_169 = arith.index_cast %swap3A_168 : i32 to index
    %swap3A_170 = arith.constant 32 : index
    %swap3A_171 = tpu.vector_load %arg6[%swap3A_169, %swap3A_170] {strides = array<i32>} : memref<8x64xi32, #tpu.memory_space<vmem>>, vector<16xi32>,
    tpu.vector_store %arg6[%swap3A_169, %swap3A_170], %shift_right_arithmetic3A_167 {strides = array<i32>} : memref<8x64xi32, #tpu.memory_space<vmem>>, vector<16xi32>,
    %and3A_172 = arith.constant 127 : i32
    %and3A_173 = vector.broadcast %and3A_172 : i32 to vector<16xi32>
    %and3A_174 = arith.andi %get3A_164, %and3A_173 : vector<16xi32>
    %swap3A_175 = arith.constant 160 : index
    %swap3A_176 = tpu.vector_load %arg7[%swap3A_175] {strides = array<i32>} : memref<512xi32, #tpu.memory_space<vmem>>, vector<16xi32>,
    tpu.vector_store %arg7[%swap3A_175], %and3A_174 {strides = array<i32>} : memref<512xi32, #tpu.memory_space<vmem>>, vector<16xi32>,
    %get3A_177 = arith.constant 1 : i32
    %get3A_178 = arith.index_cast %get3A_177 : i32 to index
    %get3A_179 = arith.constant 48 : index
    %get3A_180 = tpu.vector_load %arg5[%get3A_178, %get3A_179] {strides = array<i32>} : memref<4x128xi32, #tpu.memory_space<vmem>>, vector<16xi32>,
    %shift_right_arithmetic3A_181 = arith.constant 7 : i32
    %shift_right_arithmetic3A_182 = vector.broadcast %shift_right_arithmetic3A_181 : i32 to vector<16xi32>
    %shift_right_arithmetic3A_183 = arith.shrsi %get3A_180, %shift_right_arithmetic3A_182 : vector<16xi32>
    %swap3A_184 = arith.constant 2 : i32
    %swap3A_185 = arith.index_cast %swap3A_184 : i32 to index
    %swap3A_186 = arith.constant 48 : index
    %swap3A_187 = tpu.vector_load %arg6[%swap3A_185, %swap3A_186] {strides = array<i32>} : memref<8x64xi32, #tpu.memory_space<vmem>>, vector<16xi32>,
    tpu.vector_store %arg6[%swap3A_185, %swap3A_186], %shift_right_arithmetic3A_183 {strides = array<i32>} : memref<8x64xi32, #tpu.memory_space<vmem>>, vector<16xi32>,
    %and3A_188 = arith.constant 127 : i32
    %and3A_189 = vector.broadcast %and3A_188 : i32 to vector<16xi32>
    %and3A_190 = arith.andi %get3A_180, %and3A_189 : vector<16xi32>
    %swap3A_191 = arith.constant 176 : index
    %swap3A_192 = tpu.vector_load %arg7[%swap3A_191] {strides = array<i32>} : memref<512xi32, #tpu.memory_space<vmem>>, vector<16xi32>,
    tpu.vector_store %arg7[%swap3A_191], %and3A_190 {strides = array<i32>} : memref<512xi32, #tpu.memory_space<vmem>>, vector<16xi32>,
    %get3A_193 = arith.constant 1 : i32
    %get3A_194 = arith.index_cast %get3A_193 : i32 to index
    %get3A_195 = arith.constant 64 : index
    %get3A_196 = tpu.vector_load %arg5[%get3A_194, %get3A_195] {strides = array<i32>} : memref<4x128xi32, #tpu.memory_space<vmem>>, vector<16xi32>,
    %shift_right_arithmetic3A_197 = arith.constant 7 : i32
    %shift_right_arithmetic3A_198 = vector.broadcast %shift_right_arithmetic3A_197 : i32 to vector<16xi32>
    %shift_right_arithmetic3A_199 = arith.shrsi %get3A_196, %shift_right_arithmetic3A_198 : vector<16xi32>
    %swap3A_200 = arith.constant 3 : i32
    %swap3A_201 = arith.index_cast %swap3A_200 : i32 to index
    %swap3A_202 = arith.constant 0 : index
    %swap3A_203 = tpu.vector_load %arg6[%swap3A_201, %swap3A_202] {strides = array<i32>} : memref<8x64xi32, #tpu.memory_space<vmem>>, vector<16xi32>,
    tpu.vector_store %arg6[%swap3A_201, %swap3A_202], %shift_right_arithmetic3A_199 {strides = array<i32>} : memref<8x64xi32, #tpu.memory_space<vmem>>, vector<16xi32>,
    %and3A_204 = arith.constant 127 : i32
    %and3A_205 = vector.broadcast %and3A_204 : i32 to vector<16xi32>
    %and3A_206 = arith.andi %get3A_196, %and3A_205 : vector<16xi32>
    %swap3A_207 = arith.constant 192 : index
    %swap3A_208 = tpu.vector_load %arg7[%swap3A_207] {strides = array<i32>} : memref<512xi32, #tpu.memory_space<vmem>>, vector<16xi32>,
    tpu.vector_store %arg7[%swap3A_207], %and3A_206 {strides = array<i32>} : memref<512xi32, #tpu.memory_space<vmem>>, vector<16xi32>,
    %get3A_209 = arith.constant 1 : i32
    %get3A_210 = arith.index_cast %get3A_209 : i32 to index
    %get3A_211 = arith.constant 80 : index
    %get3A_212 = tpu.vector_load %arg5[%get3A_210, %get3A_211] {strides = array<i32>} : memref<4x128xi32, #tpu.memory_space<vmem>>, vector<16xi32>,
    %shift_right_arithmetic3A_213 = arith.constant 7 : i32
    %shift_right_arithmetic3A_214 = vector.broadcast %shift_right_arithmetic3A_213 : i32 to vector<16xi32>
    %shift_right_arithmetic3A_215 = arith.shrsi %get3A_212, %shift_right_arithmetic3A_214 : vector<16xi32>
    %swap3A_216 = arith.constant 3 : i32
    %swap3A_217 = arith.index_cast %swap3A_216 : i32 to index
    %swap3A_218 = arith.constant 16 : index
    %swap3A_219 = tpu.vector_load %arg6[%swap3A_217, %swap3A_218] {strides = array<i32>} : memref<8x64xi32, #tpu.memory_space<vmem>>, vector<16xi32>,
    tpu.vector_store %arg6[%swap3A_217, %swap3A_218], %shift_right_arithmetic3A_215 {strides = array<i32>} : memref<8x64xi32, #tpu.memory_space<vmem>>, vector<16xi32>,
    %and3A_220 = arith.constant 127 : i32
    %and3A_221 = vector.broadcast %and3A_220 : i32 to vector<16xi32>
    %and3A_222 = arith.andi %get3A_212, %and3A_221 : vector<16xi32>
    %swap3A_223 = arith.constant 208 : index
    %swap3A_224 = tpu.vector_load %arg7[%swap3A_223] {strides = array<i32>} : memref<512xi32, #tpu.memory_space<vmem>>, vector<16xi32>,
    tpu.vector_store %arg7[%swap3A_223], %and3A_222 {strides = array<i32>} : memref<512xi32, #tpu.memory_space<vmem>>, vector<16xi32>,
    %get3A_225 = arith.constant 1 : i32
    %get3A_226 = arith.index_cast %get3A_225 : i32 to index
    %get3A_227 = arith.constant 96 : index
    %get3A_228 = tpu.vector_load %arg5[%get3A_226, %get3A_227] {strides = array<i32>} : memref<4x128xi32, #tpu.memory_space<vmem>>, vector<16xi32>,
    %shift_right_arithmetic3A_229 = arith.constant 7 : i32
    %shift_right_arithmetic3A_230 = vector.broadcast %shift_right_arithmetic3A_229 : i32 to vector<16xi32>
    %shift_right_arithmetic3A_231 = arith.shrsi %get3A_228, %shift_right_arithmetic3A_230 : vector<16xi32>
    %swap3A_232 = arith.constant 3 : i32
    %swap3A_233 = arith.index_cast %swap3A_232 : i32 to index
    %swap3A_234 = arith.constant 32 : index
    %swap3A_235 = tpu.vector_load %arg6[%swap3A_233, %swap3A_234] {strides = array<i32>} : memref<8x64xi32, #tpu.memory_space<vmem>>, vector<16xi32>,
    tpu.vector_store %arg6[%swap3A_233, %swap3A_234], %shift_right_arithmetic3A_231 {strides = array<i32>} : memref<8x64xi32, #tpu.memory_space<vmem>>, vector<16xi32>,
    %and3A_236 = arith.constant 127 : i32
    %and3A_237 = vector.broadcast %and3A_236 : i32 to vector<16xi32>
    %and3A_238 = arith.andi %get3A_228, %and3A_237 : vector<16xi32>
    %swap3A_239 = arith.constant 224 : index
    %swap3A_240 = tpu.vector_load %arg7[%swap3A_239] {strides = array<i32>} : memref<512xi32, #tpu.memory_space<vmem>>, vector<16xi32>,
    tpu.vector_store %arg7[%swap3A_239], %and3A_238 {strides = array<i32>} : memref<512xi32, #tpu.memory_space<vmem>>, vector<16xi32>,
    %get3A_241 = arith.constant 1 : i32
    %get3A_242 = arith.index_cast %get3A_241 : i32 to index
    %get3A_243 = arith.constant 112 : index
    %get3A_244 = tpu.vector_load %arg5[%get3A_242, %get3A_243] {strides = array<i32>} : memref<4x128xi32, #tpu.memory_space<vmem>>, vector<16xi32>,
    %shift_right_arithmetic3A_245 = arith.constant 7 : i32
    %shift_right_arithmetic3A_246 = vector.broadcast %shift_right_arithmetic3A_245 : i32 to vector<16xi32>
    %shift_right_arithmetic3A_247 = arith.shrsi %get3A_244, %shift_right_arithmetic3A_246 : vector<16xi32>
    %swap3A_248 = arith.constant 3 : i32
    %swap3A_249 = arith.index_cast %swap3A_248 : i32 to index
    %swap3A_250 = arith.constant 48 : index
    %swap3A_251 = tpu.vector_load %arg6[%swap3A_249, %swap3A_250] {strides = array<i32>} : memref<8x64xi32, #tpu.memory_space<vmem>>, vector<16xi32>,
    tpu.vector_store %arg6[%swap3A_249, %swap3A_250], %shift_right_arithmetic3A_247 {strides = array<i32>} : memref<8x64xi32, #tpu.memory_space<vmem>>, vector<16xi32>,
    %and3A_252 = arith.constant 127 : i32
    %and3A_253 = vector.broadcast %and3A_252 : i32 to vector<16xi32>
    %and3A_254 = arith.andi %get3A_244, %and3A_253 : vector<16xi32>
    %swap3A_255 = arith.constant 240 : index
    %swap3A_256 = tpu.vector_load %arg7[%swap3A_255] {strides = array<i32>} : memref<512xi32, #tpu.memory_space<vmem>>, vector<16xi32>,
    tpu.vector_store %arg7[%swap3A_255], %and3A_254 {strides = array<i32>} : memref<512xi32, #tpu.memory_space<vmem>>, vector<16xi32>,
    %get3A_257 = arith.constant 2 : i32
    %get3A_258 = arith.index_cast %get3A_257 : i32 to index
    %get3A_259 = arith.constant 0 : index
    %get3A_260 = tpu.vector_load %arg5[%get3A_258, %get3A_259] {strides = array<i32>} : memref<4x128xi32, #tpu.memory_space<vmem>>, vector<16xi32>,
    %shift_right_arithmetic3A_261 = arith.constant 7 : i32
    %shift_right_arithmetic3A_262 = vector.broadcast %shift_right_arithmetic3A_261 : i32 to vector<16xi32>
    %shift_right_arithmetic3A_263 = arith.shrsi %get3A_260, %shift_right_arithmetic3A_262 : vector<16xi32>
    %swap3A_264 = arith.constant 4 : i32
    %swap3A_265 = arith.index_cast %swap3A_264 : i32 to index
    %swap3A_266 = arith.constant 0 : index
    %swap3A_267 = tpu.vector_load %arg6[%swap3A_265, %swap3A_266] {strides = array<i32>} : memref<8x64xi32, #tpu.memory_space<vmem>>, vector<16xi32>,
    tpu.vector_store %arg6[%swap3A_265, %swap3A_266], %shift_right_arithmetic3A_263 {strides = array<i32>} : memref<8x64xi32, #tpu.memory_space<vmem>>, vector<16xi32>,
    %and3A_268 = arith.constant 127 : i32
    %and3A_269 = vector.broadcast %and3A_268 : i32 to vector<16xi32>
    %and3A_270 = arith.andi %get3A_260, %and3A_269 : vector<16xi32>
    %swap3A_271 = arith.constant 256 : index
    %swap3A_272 = tpu.vector_load %arg7[%swap3A_271] {strides = array<i32>} : memref<512xi32, #tpu.memory_space<vmem>>, vector<16xi32>,
    tpu.vector_store %arg7[%swap3A_271], %and3A_270 {strides = array<i32>} : memref<512xi32, #tpu.memory_space<vmem>>, vector<16xi32>,
    %get3A_273 = arith.constant 2 : i32
    %get3A_274 = arith.index_cast %get3A_273 : i32 to index
    %get3A_275 = arith.constant 16 : index
    %get3A_276 = tpu.vector_load %arg5[%get3A_274, %get3A_275] {strides = array<i32>} : memref<4x128xi32, #tpu.memory_space<vmem>>, vector<16xi32>,
    %shift_right_arithmetic3A_277 = arith.constant 7 : i32
    %shift_right_arithmetic3A_278 = vector.broadcast %shift_right_arithmetic3A_277 : i32 to vector<16xi32>
    %shift_right_arithmetic3A_279 = arith.shrsi %get3A_276, %shift_right_arithmetic3A_278 : vector<16xi32>
    %swap3A_280 = arith.constant 4 : i32
    %swap3A_281 = arith.index_cast %swap3A_280 : i32 to index
    %swap3A_282 = arith.constant 16 : index
    %swap3A_283 = tpu.vector_load %arg6[%swap3A_281, %swap3A_282] {strides = array<i32>} : memref<8x64xi32, #tpu.memory_space<vmem>>, vector<16xi32>,
    tpu.vector_store %arg6[%swap3A_281, %swap3A_282], %shift_right_arithmetic3A_279 {strides = array<i32>} : memref<8x64xi32, #tpu.memory_space<vmem>>, vector<16xi32>,
    %and3A_284 = arith.constant 127 : i32
    %and3A_285 = vector.broadcast %and3A_284 : i32 to vector<16xi32>
    %and3A_286 = arith.andi %get3A_276, %and3A_285 : vector<16xi32>
    %swap3A_287 = arith.constant 272 : index
    %swap3A_288 = tpu.vector_load %arg7[%swap3A_287] {strides = array<i32>} : memref<512xi32, #tpu.memory_space<vmem>>, vector<16xi32>,
    tpu.vector_store %arg7[%swap3A_287], %and3A_286 {strides = array<i32>} : memref<512xi32, #tpu.memory_space<vmem>>, vector<16xi32>,
    %get3A_289 = arith.constant 2 : i32
    %get3A_290 = arith.index_cast %get3A_289 : i32 to index
    %get3A_291 = arith.constant 32 : index
    %get3A_292 = tpu.vector_load %arg5[%get3A_290, %get3A_291] {strides = array<i32>} : memref<4x128xi32, #tpu.memory_space<vmem>>, vector<16xi32>,
    %shift_right_arithmetic3A_293 = arith.constant 7 : i32
    %shift_right_arithmetic3A_294 = vector.broadcast %shift_right_arithmetic3A_293 : i32 to vector<16xi32>
    %shift_right_arithmetic3A_295 = arith.shrsi %get3A_292, %shift_right_arithmetic3A_294 : vector<16xi32>
    %swap3A_296 = arith.constant 4 : i32
    %swap3A_297 = arith.index_cast %swap3A_296 : i32 to index
    %swap3A_298 = arith.constant 32 : index
    %swap3A_299 = tpu.vector_load %arg6[%swap3A_297, %swap3A_298] {strides = array<i32>} : memref<8x64xi32, #tpu.memory_space<vmem>>, vector<16xi32>,
    tpu.vector_store %arg6[%swap3A_297, %swap3A_298], %shift_right_arithmetic3A_295 {strides = array<i32>} : memref<8x64xi32, #tpu.memory_space<vmem>>, vector<16xi32>,
    %and3A_300 = arith.constant 127 : i32
    %and3A_301 = vector.broadcast %and3A_300 : i32 to vector<16xi32>
    %and3A_302 = arith.andi %get3A_292, %and3A_301 : vector<16xi32>
    %swap3A_303 = arith.constant 288 : index
    %swap3A_304 = tpu.vector_load %arg7[%swap3A_303] {strides = array<i32>} : memref<512xi32, #tpu.memory_space<vmem>>, vector<16xi32>,
    tpu.vector_store %arg7[%swap3A_303], %and3A_302 {strides = array<i32>} : memref<512xi32, #tpu.memory_space<vmem>>, vector<16xi32>,
    %get3A_305 = arith.constant 2 : i32
    %get3A_306 = arith.index_cast %get3A_305 : i32 to index
    %get3A_307 = arith.constant 48 : index
    %get3A_308 = tpu.vector_load %arg5[%get3A_306, %get3A_307] {strides = array<i32>} : memref<4x128xi32, #tpu.memory_space<vmem>>, vector<16xi32>,
    %shift_right_arithmetic3A_309 = arith.constant 7 : i32
    %shift_right_arithmetic3A_310 = vector.broadcast %shift_right_arithmetic3A_309 : i32 to vector<16xi32>
    %shift_right_arithmetic3A_311 = arith.shrsi %get3A_308, %shift_right_arithmetic3A_310 : vector<16xi32>
    %swap3A_312 = arith.constant 4 : i32
    %swap3A_313 = arith.index_cast %swap3A_312 : i32 to index
    %swap3A_314 = arith.constant 48 : index
    %swap3A_315 = tpu.vector_load %arg6[%swap3A_313, %swap3A_314] {strides = array<i32>} : memref<8x64xi32, #tpu.memory_space<vmem>>, vector<16xi32>,
    tpu.vector_store %arg6[%swap3A_313, %swap3A_314], %shift_right_arithmetic3A_311 {strides = array<i32>} : memref<8x64xi32, #tpu.memory_space<vmem>>, vector<16xi32>,
    %and3A_316 = arith.constant 127 : i32
    %and3A_317 = vector.broadcast %and3A_316 : i32 to vector<16xi32>
    %and3A_318 = arith.andi %get3A_308, %and3A_317 : vector<16xi32>
    %swap3A_319 = arith.constant 304 : index
    %swap3A_320 = tpu.vector_load %arg7[%swap3A_319] {strides = array<i32>} : memref<512xi32, #tpu.memory_space<vmem>>, vector<16xi32>,
    tpu.vector_store %arg7[%swap3A_319], %and3A_318 {strides = array<i32>} : memref<512xi32, #tpu.memory_space<vmem>>, vector<16xi32>,
    %get3A_321 = arith.constant 2 : i32
    %get3A_322 = arith.index_cast %get3A_321 : i32 to index
    %get3A_323 = arith.constant 64 : index
    %get3A_324 = tpu.vector_load %arg5[%get3A_322, %get3A_323] {strides = array<i32>} : memref<4x128xi32, #tpu.memory_space<vmem>>, vector<16xi32>,
    %shift_right_arithmetic3A_325 = arith.constant 7 : i32
    %shift_right_arithmetic3A_326 = vector.broadcast %shift_right_arithmetic3A_325 : i32 to vector<16xi32>
    %shift_right_arithmetic3A_327 = arith.shrsi %get3A_324, %shift_right_arithmetic3A_326 : vector<16xi32>
    %swap3A_328 = arith.constant 5 : i32
    %swap3A_329 = arith.index_cast %swap3A_328 : i32 to index
    %swap3A_330 = arith.constant 0 : index
    %swap3A_331 = tpu.vector_load %arg6[%swap3A_329, %swap3A_330] {strides = array<i32>} : memref<8x64xi32, #tpu.memory_space<vmem>>, vector<16xi32>,
    tpu.vector_store %arg6[%swap3A_329, %swap3A_330], %shift_right_arithmetic3A_327 {strides = array<i32>} : memref<8x64xi32, #tpu.memory_space<vmem>>, vector<16xi32>,
    %and3A_332 = arith.constant 127 : i32
    %and3A_333 = vector.broadcast %and3A_332 : i32 to vector<16xi32>
    %and3A_334 = arith.andi %get3A_324, %and3A_333 : vector<16xi32>
    %swap3A_335 = arith.constant 320 : index
    %swap3A_336 = tpu.vector_load %arg7[%swap3A_335] {strides = array<i32>} : memref<512xi32, #tpu.memory_space<vmem>>, vector<16xi32>,
    tpu.vector_store %arg7[%swap3A_335], %and3A_334 {strides = array<i32>} : memref<512xi32, #tpu.memory_space<vmem>>, vector<16xi32>,
    %get3A_337 = arith.constant 2 : i32
    %get3A_338 = arith.index_cast %get3A_337 : i32 to index
    %get3A_339 = arith.constant 80 : index
    %get3A_340 = tpu.vector_load %arg5[%get3A_338, %get3A_339] {strides = array<i32>} : memref<4x128xi32, #tpu.memory_space<vmem>>, vector<16xi32>,
    %shift_right_arithmetic3A_341 = arith.constant 7 : i32
    %shift_right_arithmetic3A_342 = vector.broadcast %shift_right_arithmetic3A_341 : i32 to vector<16xi32>
    %shift_right_arithmetic3A_343 = arith.shrsi %get3A_340, %shift_right_arithmetic3A_342 : vector<16xi32>
    %swap3A_344 = arith.constant 5 : i32
    %swap3A_345 = arith.index_cast %swap3A_344 : i32 to index
    %swap3A_346 = arith.constant 16 : index
    %swap3A_347 = tpu.vector_load %arg6[%swap3A_345, %swap3A_346] {strides = array<i32>} : memref<8x64xi32, #tpu.memory_space<vmem>>, vector<16xi32>,
    tpu.vector_store %arg6[%swap3A_345, %swap3A_346], %shift_right_arithmetic3A_343 {strides = array<i32>} : memref<8x64xi32, #tpu.memory_space<vmem>>, vector<16xi32>,
    %and3A_348 = arith.constant 127 : i32
    %and3A_349 = vector.broadcast %and3A_348 : i32 to vector<16xi32>
    %and3A_350 = arith.andi %get3A_340, %and3A_349 : vector<16xi32>
    %swap3A_351 = arith.constant 336 : index
    %swap3A_352 = tpu.vector_load %arg7[%swap3A_351] {strides = array<i32>} : memref<512xi32, #tpu.memory_space<vmem>>, vector<16xi32>,
    tpu.vector_store %arg7[%swap3A_351], %and3A_350 {strides = array<i32>} : memref<512xi32, #tpu.memory_space<vmem>>, vector<16xi32>,
    %get3A_353 = arith.constant 2 : i32
    %get3A_354 = arith.index_cast %get3A_353 : i32 to index
    %get3A_355 = arith.constant 96 : index
    %get3A_356 = tpu.vector_load %arg5[%get3A_354, %get3A_355] {strides = array<i32>} : memref<4x128xi32, #tpu.memory_space<vmem>>, vector<16xi32>,
    %shift_right_arithmetic3A_357 = arith.constant 7 : i32
    %shift_right_arithmetic3A_358 = vector.broadcast %shift_right_arithmetic3A_357 : i32 to vector<16xi32>
    %shift_right_arithmetic3A_359 = arith.shrsi %get3A_356, %shift_right_arithmetic3A_358 : vector<16xi32>
    %swap3A_360 = arith.constant 5 : i32
    %swap3A_361 = arith.index_cast %swap3A_360 : i32 to index
    %swap3A_362 = arith.constant 32 : index
    %swap3A_363 = tpu.vector_load %arg6[%swap3A_361, %swap3A_362] {strides = array<i32>} : memref<8x64xi32, #tpu.memory_space<vmem>>, vector<16xi32>,
    tpu.vector_store %arg6[%swap3A_361, %swap3A_362], %shift_right_arithmetic3A_359 {strides = array<i32>} : memref<8x64xi32, #tpu.memory_space<vmem>>, vector<16xi32>,
    %and3A_364 = arith.constant 127 : i32
    %and3A_365 = vector.broadcast %and3A_364 : i32 to vector<16xi32>
    %and3A_366 = arith.andi %get3A_356, %and3A_365 : vector<16xi32>
    %swap3A_367 = arith.constant 352 : index
    %swap3A_368 = tpu.vector_load %arg7[%swap3A_367] {strides = array<i32>} : memref<512xi32, #tpu.memory_space<vmem>>, vector<16xi32>,
    tpu.vector_store %arg7[%swap3A_367], %and3A_366 {strides = array<i32>} : memref<512xi32, #tpu.memory_space<vmem>>, vector<16xi32>,
    %get3A_369 = arith.constant 2 : i32
    %get3A_370 = arith.index_cast %get3A_369 : i32 to index
    %get3A_371 = arith.constant 112 : index
    %get3A_372 = tpu.vector_load %arg5[%get3A_370, %get3A_371] {strides = array<i32>} : memref<4x128xi32, #tpu.memory_space<vmem>>, vector<16xi32>,
    %shift_right_arithmetic3A_373 = arith.constant 7 : i32
    %shift_right_arithmetic3A_374 = vector.broadcast %shift_right_arithmetic3A_373 : i32 to vector<16xi32>
    %shift_right_arithmetic3A_375 = arith.shrsi %get3A_372, %shift_right_arithmetic3A_374 : vector<16xi32>
    %swap3A_376 = arith.constant 5 : i32
    %swap3A_377 = arith.index_cast %swap3A_376 : i32 to index
    %swap3A_378 = arith.constant 48 : index
    %swap3A_379 = tpu.vector_load %arg6[%swap3A_377, %swap3A_378] {strides = array<i32>} : memref<8x64xi32, #tpu.memory_space<vmem>>, vector<16xi32>,
    tpu.vector_store %arg6[%swap3A_377, %swap3A_378], %shift_right_arithmetic3A_375 {strides = array<i32>} : memref<8x64xi32, #tpu.memory_space<vmem>>, vector<16xi32>,
    %and3A_380 = arith.constant 127 : i32
    %and3A_381 = vector.broadcast %and3A_380 : i32 to vector<16xi32>
    %and3A_382 = arith.andi %get3A_372, %and3A_381 : vector<16xi32>
    %swap3A_383 = arith.constant 368 : index
    %swap3A_384 = tpu.vector_load %arg7[%swap3A_383] {strides = array<i32>} : memref<512xi32, #tpu.memory_space<vmem>>, vector<16xi32>,
    tpu.vector_store %arg7[%swap3A_383], %and3A_382 {strides = array<i32>} : memref<512xi32, #tpu.memory_space<vmem>>, vector<16xi32>,
    %get3A_385 = arith.constant 3 : i32
    %get3A_386 = arith.index_cast %get3A_385 : i32 to index
    %get3A_387 = arith.constant 0 : index
    %get3A_388 = tpu.vector_load %arg5[%get3A_386, %get3A_387] {strides = array<i32>} : memref<4x128xi32, #tpu.memory_space<vmem>>, vector<16xi32>,
    %shift_right_arithmetic3A_389 = arith.constant 7 : i32
    %shift_right_arithmetic3A_390 = vector.broadcast %shift_right_arithmetic3A_389 : i32 to vector<16xi32>
    %shift_right_arithmetic3A_391 = arith.shrsi %get3A_388, %shift_right_arithmetic3A_390 : vector<16xi32>
    %swap3A_392 = arith.constant 6 : i32
    %swap3A_393 = arith.index_cast %swap3A_392 : i32 to index
    %swap3A_394 = arith.constant 0 : index
    %swap3A_395 = tpu.vector_load %arg6[%swap3A_393, %swap3A_394] {strides = array<i32>} : memref<8x64xi32, #tpu.memory_space<vmem>>, vector<16xi32>,
    tpu.vector_store %arg6[%swap3A_393, %swap3A_394], %shift_right_arithmetic3A_391 {strides = array<i32>} : memref<8x64xi32, #tpu.memory_space<vmem>>, vector<16xi32>,
    %and3A_396 = arith.constant 127 : i32
    %and3A_397 = vector.broadcast %and3A_396 : i32 to vector<16xi32>
    %and3A_398 = arith.andi %get3A_388, %and3A_397 : vector<16xi32>
    %swap3A_399 = arith.constant 384 : index
    %swap3A_400 = tpu.vector_load %arg7[%swap3A_399] {strides = array<i32>} : memref<512xi32, #tpu.memory_space<vmem>>, vector<16xi32>,
    tpu.vector_store %arg7[%swap3A_399], %and3A_398 {strides = array<i32>} : memref<512xi32, #tpu.memory_space<vmem>>, vector<16xi32>,
    %get3A_401 = arith.constant 3 : i32
    %get3A_402 = arith.index_cast %get3A_401 : i32 to index
    %get3A_403 = arith.constant 16 : index
    %get3A_404 = tpu.vector_load %arg5[%get3A_402, %get3A_403] {strides = array<i32>} : memref<4x128xi32, #tpu.memory_space<vmem>>, vector<16xi32>,
    %shift_right_arithmetic3A_405 = arith.constant 7 : i32
    %shift_right_arithmetic3A_406 = vector.broadcast %shift_right_arithmetic3A_405 : i32 to vector<16xi32>
    %shift_right_arithmetic3A_407 = arith.shrsi %get3A_404, %shift_right_arithmetic3A_406 : vector<16xi32>
    %swap3A_408 = arith.constant 6 : i32
    %swap3A_409 = arith.index_cast %swap3A_408 : i32 to index
    %swap3A_410 = arith.constant 16 : index
    %swap3A_411 = tpu.vector_load %arg6[%swap3A_409, %swap3A_410] {strides = array<i32>} : memref<8x64xi32, #tpu.memory_space<vmem>>, vector<16xi32>,
    tpu.vector_store %arg6[%swap3A_409, %swap3A_410], %shift_right_arithmetic3A_407 {strides = array<i32>} : memref<8x64xi32, #tpu.memory_space<vmem>>, vector<16xi32>,
    %and3A_412 = arith.constant 127 : i32
    %and3A_413 = vector.broadcast %and3A_412 : i32 to vector<16xi32>
    %and3A_414 = arith.andi %get3A_404, %and3A_413 : vector<16xi32>
    %swap3A_415 = arith.constant 400 : index
    %swap3A_416 = tpu.vector_load %arg7[%swap3A_415] {strides = array<i32>} : memref<512xi32, #tpu.memory_space<vmem>>, vector<16xi32>,
    tpu.vector_store %arg7[%swap3A_415], %and3A_414 {strides = array<i32>} : memref<512xi32, #tpu.memory_space<vmem>>, vector<16xi32>,
    %get3A_417 = arith.constant 3 : i32
    %get3A_418 = arith.index_cast %get3A_417 : i32 to index
    %get3A_419 = arith.constant 32 : index
    %get3A_420 = tpu.vector_load %arg5[%get3A_418, %get3A_419] {strides = array<i32>} : memref<4x128xi32, #tpu.memory_space<vmem>>, vector<16xi32>,
    %shift_right_arithmetic3A_421 = arith.constant 7 : i32
    %shift_right_arithmetic3A_422 = vector.broadcast %shift_right_arithmetic3A_421 : i32 to vector<16xi32>
    %shift_right_arithmetic3A_423 = arith.shrsi %get3A_420, %shift_right_arithmetic3A_422 : vector<16xi32>
    %swap3A_424 = arith.constant 6 : i32
    %swap3A_425 = arith.index_cast %swap3A_424 : i32 to index
    %swap3A_426 = arith.constant 32 : index
    %swap3A_427 = tpu.vector_load %arg6[%swap3A_425, %swap3A_426] {strides = array<i32>} : memref<8x64xi32, #tpu.memory_space<vmem>>, vector<16xi32>,
    tpu.vector_store %arg6[%swap3A_425, %swap3A_426], %shift_right_arithmetic3A_423 {strides = array<i32>} : memref<8x64xi32, #tpu.memory_space<vmem>>, vector<16xi32>,
    %and3A_428 = arith.constant 127 : i32
    %and3A_429 = vector.broadcast %and3A_428 : i32 to vector<16xi32>
    %and3A_430 = arith.andi %get3A_420, %and3A_429 : vector<16xi32>
    %swap3A_431 = arith.constant 416 : index
    %swap3A_432 = tpu.vector_load %arg7[%swap3A_431] {strides = array<i32>} : memref<512xi32, #tpu.memory_space<vmem>>, vector<16xi32>,
    tpu.vector_store %arg7[%swap3A_431], %and3A_430 {strides = array<i32>} : memref<512xi32, #tpu.memory_space<vmem>>, vector<16xi32>,
    %get3A_433 = arith.constant 3 : i32
    %get3A_434 = arith.index_cast %get3A_433 : i32 to index
    %get3A_435 = arith.constant 48 : index
    %get3A_436 = tpu.vector_load %arg5[%get3A_434, %get3A_435] {strides = array<i32>} : memref<4x128xi32, #tpu.memory_space<vmem>>, vector<16xi32>,
    %shift_right_arithmetic3A_437 = arith.constant 7 : i32
    %shift_right_arithmetic3A_438 = vector.broadcast %shift_right_arithmetic3A_437 : i32 to vector<16xi32>
    %shift_right_arithmetic3A_439 = arith.shrsi %get3A_436, %shift_right_arithmetic3A_438 : vector<16xi32>
    %swap3A_440 = arith.constant 6 : i32
    %swap3A_441 = arith.index_cast %swap3A_440 : i32 to index
    %swap3A_442 = arith.constant 48 : index
    %swap3A_443 = tpu.vector_load %arg6[%swap3A_441, %swap3A_442] {strides = array<i32>} : memref<8x64xi32, #tpu.memory_space<vmem>>, vector<16xi32>,
    tpu.vector_store %arg6[%swap3A_441, %swap3A_442], %shift_right_arithmetic3A_439 {strides = array<i32>} : memref<8x64xi32, #tpu.memory_space<vmem>>, vector<16xi32>,
    %and3A_444 = arith.constant 127 : i32
    %and3A_445 = vector.broadcast %and3A_444 : i32 to vector<16xi32>
    %and3A_446 = arith.andi %get3A_436, %and3A_445 : vector<16xi32>
    %swap3A_447 = arith.constant 432 : index
    %swap3A_448 = tpu.vector_load %arg7[%swap3A_447] {strides = array<i32>} : memref<512xi32, #tpu.memory_space<vmem>>, vector<16xi32>,
    tpu.vector_store %arg7[%swap3A_447], %and3A_446 {strides = array<i32>} : memref<512xi32, #tpu.memory_space<vmem>>, vector<16xi32>,
    %get3A_449 = arith.constant 3 : i32
    %get3A_450 = arith.index_cast %get3A_449 : i32 to index
    %get3A_451 = arith.constant 64 : index
    %get3A_452 = tpu.vector_load %arg5[%get3A_450, %get3A_451] {strides = array<i32>} : memref<4x128xi32, #tpu.memory_space<vmem>>, vector<16xi32>,
    %shift_right_arithmetic3A_453 = arith.constant 7 : i32
    %shift_right_arithmetic3A_454 = vector.broadcast %shift_right_arithmetic3A_453 : i32 to vector<16xi32>
    %shift_right_arithmetic3A_455 = arith.shrsi %get3A_452, %shift_right_arithmetic3A_454 : vector<16xi32>
    %swap3A_456 = arith.constant 7 : i32
    %swap3A_457 = arith.index_cast %swap3A_456 : i32 to index
    %swap3A_458 = arith.constant 0 : index
    %swap3A_459 = tpu.vector_load %arg6[%swap3A_457, %swap3A_458] {strides = array<i32>} : memref<8x64xi32, #tpu.memory_space<vmem>>, vector<16xi32>,
    tpu.vector_store %arg6[%swap3A_457, %swap3A_458], %shift_right_arithmetic3A_455 {strides = array<i32>} : memref<8x64xi32, #tpu.memory_space<vmem>>, vector<16xi32>,
    %and3A_460 = arith.constant 127 : i32
    %and3A_461 = vector.broadcast %and3A_460 : i32 to vector<16xi32>
    %and3A_462 = arith.andi %get3A_452, %and3A_461 : vector<16xi32>
    %swap3A_463 = arith.constant 448 : index
    %swap3A_464 = tpu.vector_load %arg7[%swap3A_463] {strides = array<i32>} : memref<512xi32, #tpu.memory_space<vmem>>, vector<16xi32>,
    tpu.vector_store %arg7[%swap3A_463], %and3A_462 {strides = array<i32>} : memref<512xi32, #tpu.memory_space<vmem>>, vector<16xi32>,
    %get3A_465 = arith.constant 3 : i32
    %get3A_466 = arith.index_cast %get3A_465 : i32 to index
    %get3A_467 = arith.constant 80 : index
    %get3A_468 = tpu.vector_load %arg5[%get3A_466, %get3A_467] {strides = array<i32>} : memref<4x128xi32, #tpu.memory_space<vmem>>, vector<16xi32>,
    %shift_right_arithmetic3A_469 = arith.constant 7 : i32
    %shift_right_arithmetic3A_470 = vector.broadcast %shift_right_arithmetic3A_469 : i32 to vector<16xi32>
    %shift_right_arithmetic3A_471 = arith.shrsi %get3A_468, %shift_right_arithmetic3A_470 : vector<16xi32>
    %swap3A_472 = arith.constant 7 : i32
    %swap3A_473 = arith.index_cast %swap3A_472 : i32 to index
    %swap3A_474 = arith.constant 16 : index
    %swap3A_475 = tpu.vector_load %arg6[%swap3A_473, %swap3A_474] {strides = array<i32>} : memref<8x64xi32, #tpu.memory_space<vmem>>, vector<16xi32>,
    tpu.vector_store %arg6[%swap3A_473, %swap3A_474], %shift_right_arithmetic3A_471 {strides = array<i32>} : memref<8x64xi32, #tpu.memory_space<vmem>>, vector<16xi32>,
    %and3A_476 = arith.constant 127 : i32
    %and3A_477 = vector.broadcast %and3A_476 : i32 to vector<16xi32>
    %and3A_478 = arith.andi %get3A_468, %and3A_477 : vector<16xi32>
    %swap3A_479 = arith.constant 464 : index
    %swap3A_480 = tpu.vector_load %arg7[%swap3A_479] {strides = array<i32>} : memref<512xi32, #tpu.memory_space<vmem>>, vector<16xi32>,
    tpu.vector_store %arg7[%swap3A_479], %and3A_478 {strides = array<i32>} : memref<512xi32, #tpu.memory_space<vmem>>, vector<16xi32>,
    %get3A_481 = arith.constant 3 : i32
    %get3A_482 = arith.index_cast %get3A_481 : i32 to index
    %get3A_483 = arith.constant 96 : index
    %get3A_484 = tpu.vector_load %arg5[%get3A_482, %get3A_483] {strides = array<i32>} : memref<4x128xi32, #tpu.memory_space<vmem>>, vector<16xi32>,
    %shift_right_arithmetic3A_485 = arith.constant 7 : i32
    %shift_right_arithmetic3A_486 = vector.broadcast %shift_right_arithmetic3A_485 : i32 to vector<16xi32>
    %shift_right_arithmetic3A_487 = arith.shrsi %get3A_484, %shift_right_arithmetic3A_486 : vector<16xi32>
    %swap3A_488 = arith.constant 7 : i32
    %swap3A_489 = arith.index_cast %swap3A_488 : i32 to index
    %swap3A_490 = arith.constant 32 : index
    %swap3A_491 = tpu.vector_load %arg6[%swap3A_489, %swap3A_490] {strides = array<i32>} : memref<8x64xi32, #tpu.memory_space<vmem>>, vector<16xi32>,
    tpu.vector_store %arg6[%swap3A_489, %swap3A_490], %shift_right_arithmetic3A_487 {strides = array<i32>} : memref<8x64xi32, #tpu.memory_space<vmem>>, vector<16xi32>,
    %and3A_492 = arith.constant 127 : i32
    %and3A_493 = vector.broadcast %and3A_492 : i32 to vector<16xi32>
    %and3A_494 = arith.andi %get3A_484, %and3A_493 : vector<16xi32>
    %swap3A_495 = arith.constant 480 : index
    %swap3A_496 = tpu.vector_load %arg7[%swap3A_495] {strides = array<i32>} : memref<512xi32, #tpu.memory_space<vmem>>, vector<16xi32>,
    tpu.vector_store %arg7[%swap3A_495], %and3A_494 {strides = array<i32>} : memref<512xi32, #tpu.memory_space<vmem>>, vector<16xi32>,
    %get3A_497 = arith.constant 3 : i32
    %get3A_498 = arith.index_cast %get3A_497 : i32 to index
    %get3A_499 = arith.constant 112 : index
    %get3A_500 = tpu.vector_load %arg5[%get3A_498, %get3A_499] {strides = array<i32>} : memref<4x128xi32, #tpu.memory_space<vmem>>, vector<16xi32>,
    %shift_right_arithmetic3A_501 = arith.constant 7 : i32
    %shift_right_arithmetic3A_502 = vector.broadcast %shift_right_arithmetic3A_501 : i32 to vector<16xi32>
    %shift_right_arithmetic3A_503 = arith.shrsi %get3A_500, %shift_right_arithmetic3A_502 : vector<16xi32>
    %swap3A_504 = arith.constant 7 : i32
    %swap3A_505 = arith.index_cast %swap3A_504 : i32 to index
    %swap3A_506 = arith.constant 48 : index
    %swap3A_507 = tpu.vector_load %arg6[%swap3A_505, %swap3A_506] {strides = array<i32>} : memref<8x64xi32, #tpu.memory_space<vmem>>, vector<16xi32>,
    tpu.vector_store %arg6[%swap3A_505, %swap3A_506], %shift_right_arithmetic3A_503 {strides = array<i32>} : memref<8x64xi32, #tpu.memory_space<vmem>>, vector<16xi32>,
    %and3A_508 = arith.constant 127 : i32
    %and3A_509 = vector.broadcast %and3A_508 : i32 to vector<16xi32>
    %and3A_510 = arith.andi %get3A_500, %and3A_509 : vector<16xi32>
    %swap3A_511 = arith.constant 496 : index
    %swap3A_512 = tpu.vector_load %arg7[%swap3A_511] {strides = array<i32>} : memref<512xi32, #tpu.memory_space<vmem>>, vector<16xi32>,
    tpu.vector_store %arg7[%swap3A_511], %and3A_510 {strides = array<i32>} : memref<512xi32, #tpu.memory_space<vmem>>, vector<16xi32>,
    %dma_start3A = arith.constant 0 : i32
    %dma_start3A_513 = arith.constant 0 : i32
    %dma_start3A_514 = arith.constant 0 : i32
    %dma_start3A_515 = arith.constant 0 : i32
    %dma_start3A_516 = arith.constant 0 : i32
    %dma_start3A_517 = tpu.memref_slice %arg8[%dma_start3A_513, %dma_start3A_514, %dma_start3A_515, %dma_start3A_516] : memref<2x64x4x128xf32, #tpu.memory_space<vmem>> -> memref<1x64x4x128xf32, #tpu.memory_space<vmem>>
    %dma_start3A_518 = tpu.memref_squeeze %dma_start3A_517 : memref<1x64x4x128xf32, #tpu.memory_space<vmem>> -> memref<64x4x128xf32, #tpu.memory_space<vmem>>
    %dma_start3A_519 = arith.constant 0 : i32
    %dma_start3A_520 = tpu.memref_slice %arg6[%dma_start3A, %dma_start3A_519] : memref<8x64xi32, #tpu.memory_space<vmem>> -> memref<1x64xi32, #tpu.memory_space<vmem>>
    %dma_start3A_521 = tpu.memref_squeeze %dma_start3A_520 : memref<1x64xi32, #tpu.memory_space<vmem>> -> memref<64xi32, #tpu.memory_space<vmem>>
    %dma_start3A_522 = arith.constant 0 : i32
    %dma_start3A_523 = arith.constant 0 : i32
    %dma_start3A_524 = arith.constant 0 : i32
    %dma_start3A_525 = tpu.memref_slice %arg2[%dma_start3A_522, %dma_start3A_523, %dma_start3A_524] : memref<7813x4x128xf32, #tpu.memory_space<hbm>> -> memref<7813x4x128xf32, #tpu.memory_space<hbm>>
    tpu.enqueue_indirect_dma source(%dma_start3A_525 : memref<7813x4x128xf32, #tpu.memory_space<hbm>>) target(%dma_start3A_518 : memref<64x4x128xf32, #tpu.memory_space<vmem>>) offsets(%dma_start3A_521 : memref<64xi32, #tpu.memory_space<vmem>>) semaphore(%arg10 : memref<!tpu.dma_semaphore, #tpu.memory_space<semaphore_mem>>)
    %dma_start3A_526 = arith.constant 1 : i32
    %dma_start3A_527 = arith.constant 1 : i32
    %dma_start3A_528 = arith.constant 0 : i32
    %dma_start3A_529 = arith.constant 0 : i32
    %dma_start3A_530 = arith.constant 0 : i32
    %dma_start3A_531 = tpu.memref_slice %arg8[%dma_start3A_527, %dma_start3A_528, %dma_start3A_529, %dma_start3A_530] : memref<2x64x4x128xf32, #tpu.memory_space<vmem>> -> memref<1x64x4x128xf32, #tpu.memory_space<vmem>>
    %dma_start3A_532 = tpu.memref_squeeze %dma_start3A_531 : memref<1x64x4x128xf32, #tpu.memory_space<vmem>> -> memref<64x4x128xf32, #tpu.memory_space<vmem>>
    %dma_start3A_533 = arith.constant 0 : i32
    %dma_start3A_534 = tpu.memref_slice %arg6[%dma_start3A_526, %dma_start3A_533] : memref<8x64xi32, #tpu.memory_space<vmem>> -> memref<1x64xi32, #tpu.memory_space<vmem>>
    %dma_start3A_535 = tpu.memref_squeeze %dma_start3A_534 : memref<1x64xi32, #tpu.memory_space<vmem>> -> memref<64xi32, #tpu.memory_space<vmem>>
    %dma_start3A_536 = arith.constant 0 : i32
    %dma_start3A_537 = arith.constant 0 : i32
    %dma_start3A_538 = arith.constant 0 : i32
    %dma_start3A_539 = tpu.memref_slice %arg2[%dma_start3A_536, %dma_start3A_537, %dma_start3A_538] : memref<7813x4x128xf32, #tpu.memory_space<hbm>> -> memref<7813x4x128xf32, #tpu.memory_space<hbm>>
    tpu.enqueue_indirect_dma source(%dma_start3A_539 : memref<7813x4x128xf32, #tpu.memory_space<hbm>>) target(%dma_start3A_532 : memref<64x4x128xf32, #tpu.memory_space<vmem>>) offsets(%dma_start3A_535 : memref<64xi32, #tpu.memory_space<vmem>>) semaphore(%arg11 : memref<!tpu.dma_semaphore, #tpu.memory_space<semaphore_mem>>)
    %dma_wait3A = arith.constant 0 : i32
    %dma_wait3A_540 = arith.constant 0 : i32
    %dma_wait3A_541 = arith.constant 0 : i32
    %dma_wait3A_542 = arith.constant 0 : i32
    %dma_wait3A_543 = arith.constant 0 : i32
    %dma_wait3A_544 = tpu.memref_slice %arg8[%dma_wait3A_540, %dma_wait3A_541, %dma_wait3A_542, %dma_wait3A_543] : memref<2x64x4x128xf32, #tpu.memory_space<vmem>> -> memref<1x64x4x128xf32, #tpu.memory_space<vmem>>
    %dma_wait3A_545 = tpu.memref_squeeze %dma_wait3A_544 : memref<1x64x4x128xf32, #tpu.memory_space<vmem>> -> memref<64x4x128xf32, #tpu.memory_space<vmem>>
    %dma_wait3A_546 = arith.constant 0 : i32
    %dma_wait3A_547 = tpu.memref_slice %arg6[%dma_wait3A, %dma_wait3A_546] : memref<8x64xi32, #tpu.memory_space<vmem>> -> memref<1x64xi32, #tpu.memory_space<vmem>>
    %dma_wait3A_548 = tpu.memref_squeeze %dma_wait3A_547 : memref<1x64xi32, #tpu.memory_space<vmem>> -> memref<64xi32, #tpu.memory_space<vmem>>
    %dma_wait3A_549 = arith.constant 0 : i32
    %dma_wait3A_550 = arith.constant 0 : i32
    %dma_wait3A_551 = arith.constant 0 : i32
    %dma_wait3A_552 = tpu.memref_slice %arg2[%dma_wait3A_549, %dma_wait3A_550, %dma_wait3A_551] : memref<7813x4x128xf32, #tpu.memory_space<hbm>> -> memref<7813x4x128xf32, #tpu.memory_space<hbm>>
    tpu.wait_indirect_dma semaphore(%arg10 : memref<!tpu.dma_semaphore, #tpu.memory_space<semaphore_mem>>) src(%dma_wait3A_552 : memref<7813x4x128xf32, #tpu.memory_space<hbm>>) dst(%dma_wait3A_545 : memref<64x4x128xf32, #tpu.memory_space<vmem>>)
    %iota3A = tpu.iota {dimensions = array<i32: 0>} : vector<16xi32>
    %add3A_553 = arith.constant 0 : i32
    %add3A_554 = vector.broadcast %add3A_553 : i32 to vector<16xi32>
    %add3A_555 = arith.addi %add3A_554, %iota3A : vector<16xi32>
    %get3A_556 = arith.constant 0 : index
    %get3A_557 = tpu.vector_load %arg7[%get3A_556] {strides = array<i32>} : memref<512xi32, #tpu.memory_space<vmem>>, vector<16xi32>,
    %broadcast_in_dim3A = arith.constant 0 : i32
    %broadcast_in_dim3A_558 = vector.broadcast %broadcast_in_dim3A : i32 to vector<16xi32>
    %gather3A = arith.constant 0 : i32
    %gather3A_559 = arith.constant 0 : i32
    %gather3A_560 = arith.constant 0 : i32
    %gather3A_561 = arith.constant 0 : i32
    %gather3A_562 = tpu.memref_slice %arg8[%gather3A, %gather3A_559, %gather3A_560, %gather3A_561] : memref<2x64x4x128xf32, #tpu.memory_space<vmem>> -> memref<1x64x4x128xf32, #tpu.memory_space<vmem>>
    %gather3A_563 = tpu.memref_squeeze %gather3A_562 : memref<1x64x4x128xf32, #tpu.memory_space<vmem>> -> memref<64x4x128xf32, #tpu.memory_space<vmem>>
    %gather3A_564 = tpu.vector_load_idx %gather3A_563[%add3A_555, %broadcast_in_dim3A_558, %get3A_557] : memref<64x4x128xf32, #tpu.memory_space<vmem>>[vector<16xi32>, vector<16xi32>, vector<16xi32>], vector<16xf32>,
    %swap3A_565 = arith.constant 0 : i32
    %swap3A_566 = arith.index_cast %swap3A_565 : i32 to index
    %swap3A_567 = arith.constant 0 : index
    %swap3A_568 = tpu.vector_load %arg9[%swap3A_566, %swap3A_567] {strides = array<i32>} : memref<4x512xf32, #tpu.memory_space<vmem>>, vector<16xf32>,
    tpu.vector_store %arg9[%swap3A_566, %swap3A_567], %gather3A_564 {strides = array<i32>} : memref<4x512xf32, #tpu.memory_space<vmem>>, vector<16xf32>,
    %broadcast_in_dim3A_569 = arith.constant 1 : i32
    %broadcast_in_dim3A_570 = vector.broadcast %broadcast_in_dim3A_569 : i32 to vector<16xi32>
    %gather3A_571 = arith.constant 0 : i32
    %gather3A_572 = arith.constant 0 : i32
    %gather3A_573 = arith.constant 0 : i32
    %gather3A_574 = arith.constant 0 : i32
    %gather3A_575 = tpu.memref_slice %arg8[%gather3A_571, %gather3A_572, %gather3A_573, %gather3A_574] : memref<2x64x4x128xf32, #tpu.memory_space<vmem>> -> memref<1x64x4x128xf32, #tpu.memory_space<vmem>>
    %gather3A_576 = tpu.memref_squeeze %gather3A_575 : memref<1x64x4x128xf32, #tpu.memory_space<vmem>> -> memref<64x4x128xf32, #tpu.memory_space<vmem>>
    %gather3A_577 = tpu.vector_load_idx %gather3A_576[%add3A_555, %broadcast_in_dim3A_570, %get3A_557] : memref<64x4x128xf32, #tpu.memory_space<vmem>>[vector<16xi32>, vector<16xi32>, vector<16xi32>], vector<16xf32>,
    %swap3A_578 = arith.constant 1 : i32
    %swap3A_579 = arith.index_cast %swap3A_578 : i32 to index
    %swap3A_580 = arith.constant 0 : index
    %swap3A_581 = tpu.vector_load %arg9[%swap3A_579, %swap3A_580] {strides = array<i32>} : memref<4x512xf32, #tpu.memory_space<vmem>>, vector<16xf32>,
    tpu.vector_store %arg9[%swap3A_579, %swap3A_580], %gather3A_577 {strides = array<i32>} : memref<4x512xf32, #tpu.memory_space<vmem>>, vector<16xf32>,
    %broadcast_in_dim3A_582 = arith.constant 2 : i32
    %broadcast_in_dim3A_583 = vector.broadcast %broadcast_in_dim3A_582 : i32 to vector<16xi32>
    %gather3A_584 = arith.constant 0 : i32
    %gather3A_585 = arith.constant 0 : i32
    %gather3A_586 = arith.constant 0 : i32
    %gather3A_587 = arith.constant 0 : i32
    %gather3A_588 = tpu.memref_slice %arg8[%gather3A_584, %gather3A_585, %gather3A_586, %gather3A_587] : memref<2x64x4x128xf32, #tpu.memory_space<vmem>> -> memref<1x64x4x128xf32, #tpu.memory_space<vmem>>
    %gather3A_589 = tpu.memref_squeeze %gather3A_588 : memref<1x64x4x128xf32, #tpu.memory_space<vmem>> -> memref<64x4x128xf32, #tpu.memory_space<vmem>>
    %gather3A_590 = tpu.vector_load_idx %gather3A_589[%add3A_555, %broadcast_in_dim3A_583, %get3A_557] : memref<64x4x128xf32, #tpu.memory_space<vmem>>[vector<16xi32>, vector<16xi32>, vector<16xi32>], vector<16xf32>,
    %swap3A_591 = arith.constant 2 : i32
    %swap3A_592 = arith.index_cast %swap3A_591 : i32 to index
    %swap3A_593 = arith.constant 0 : index
    %swap3A_594 = tpu.vector_load %arg9[%swap3A_592, %swap3A_593] {strides = array<i32>} : memref<4x512xf32, #tpu.memory_space<vmem>>, vector<16xf32>,
    tpu.vector_store %arg9[%swap3A_592, %swap3A_593], %gather3A_590 {strides = array<i32>} : memref<4x512xf32, #tpu.memory_space<vmem>>, vector<16xf32>,
    %broadcast_in_dim3A_595 = arith.constant 3 : i32
    %broadcast_in_dim3A_596 = vector.broadcast %broadcast_in_dim3A_595 : i32 to vector<16xi32>
    %gather3A_597 = arith.constant 0 : i32
    %gather3A_598 = arith.constant 0 : i32
    %gather3A_599 = arith.constant 0 : i32
    %gather3A_600 = arith.constant 0 : i32
    %gather3A_601 = tpu.memref_slice %arg8[%gather3A_597, %gather3A_598, %gather3A_599, %gather3A_600] : memref<2x64x4x128xf32, #tpu.memory_space<vmem>> -> memref<1x64x4x128xf32, #tpu.memory_space<vmem>>
    %gather3A_602 = tpu.memref_squeeze %gather3A_601 : memref<1x64x4x128xf32, #tpu.memory_space<vmem>> -> memref<64x4x128xf32, #tpu.memory_space<vmem>>
    %gather3A_603 = tpu.vector_load_idx %gather3A_602[%add3A_555, %broadcast_in_dim3A_596, %get3A_557] : memref<64x4x128xf32, #tpu.memory_space<vmem>>[vector<16xi32>, vector<16xi32>, vector<16xi32>], vector<16xf32>,
    %swap3A_604 = arith.constant 3 : i32
    %swap3A_605 = arith.index_cast %swap3A_604 : i32 to index
    %swap3A_606 = arith.constant 0 : index
    %swap3A_607 = tpu.vector_load %arg9[%swap3A_605, %swap3A_606] {strides = array<i32>} : memref<4x512xf32, #tpu.memory_space<vmem>>, vector<16xf32>,
    tpu.vector_store %arg9[%swap3A_605, %swap3A_606], %gather3A_603 {strides = array<i32>} : memref<4x512xf32, #tpu.memory_space<vmem>>, vector<16xf32>,
    %iota3A_608 = tpu.iota {dimensions = array<i32: 0>} : vector<16xi32>
    %add3A_609 = arith.constant 16 : i32
    %add3A_610 = vector.broadcast %add3A_609 : i32 to vector<16xi32>
    %add3A_611 = arith.addi %add3A_610, %iota3A_608 : vector<16xi32>
    %get3A_612 = arith.constant 16 : index
    %get3A_613 = tpu.vector_load %arg7[%get3A_612] {strides = array<i32>} : memref<512xi32, #tpu.memory_space<vmem>>, vector<16xi32>,
    %broadcast_in_dim3A_614 = arith.constant 0 : i32
    %broadcast_in_dim3A_615 = vector.broadcast %broadcast_in_dim3A_614 : i32 to vector<16xi32>
    %gather3A_616 = arith.constant 0 : i32
    %gather3A_617 = arith.constant 0 : i32
    %gather3A_618 = arith.constant 0 : i32
    %gather3A_619 = arith.constant 0 : i32
    %gather3A_620 = tpu.memref_slice %arg8[%gather3A_616, %gather3A_617, %gather3A_618, %gather3A_619] : memref<2x64x4x128xf32, #tpu.memory_space<vmem>> -> memref<1x64x4x128xf32, #tpu.memory_space<vmem>>
    %gather3A_621 = tpu.memref_squeeze %gather3A_620 : memref<1x64x4x128xf32, #tpu.memory_space<vmem>> -> memref<64x4x128xf32, #tpu.memory_space<vmem>>
    %gather3A_622 = tpu.vector_load_idx %gather3A_621[%add3A_611, %broadcast_in_dim3A_615, %get3A_613] : memref<64x4x128xf32, #tpu.memory_space<vmem>>[vector<16xi32>, vector<16xi32>, vector<16xi32>], vector<16xf32>,
    %swap3A_623 = arith.constant 0 : i32
    %swap3A_624 = arith.index_cast %swap3A_623 : i32 to index
    %swap3A_625 = arith.constant 16 : index
    %swap3A_626 = tpu.vector_load %arg9[%swap3A_624, %swap3A_625] {strides = array<i32>} : memref<4x512xf32, #tpu.memory_space<vmem>>, vector<16xf32>,
    tpu.vector_store %arg9[%swap3A_624, %swap3A_625], %gather3A_622 {strides = array<i32>} : memref<4x512xf32, #tpu.memory_space<vmem>>, vector<16xf32>,
    %broadcast_in_dim3A_627 = arith.constant 1 : i32
    %broadcast_in_dim3A_628 = vector.broadcast %broadcast_in_dim3A_627 : i32 to vector<16xi32>
    %gather3A_629 = arith.constant 0 : i32
    %gather3A_630 = arith.constant 0 : i32
    %gather3A_631 = arith.constant 0 : i32
    %gather3A_632 = arith.constant 0 : i32
    %gather3A_633 = tpu.memref_slice %arg8[%gather3A_629, %gather3A_630, %gather3A_631, %gather3A_632] : memref<2x64x4x128xf32, #tpu.memory_space<vmem>> -> memref<1x64x4x128xf32, #tpu.memory_space<vmem>>
    %gather3A_634 = tpu.memref_squeeze %gather3A_633 : memref<1x64x4x128xf32, #tpu.memory_space<vmem>> -> memref<64x4x128xf32, #tpu.memory_space<vmem>>
    %gather3A_635 = tpu.vector_load_idx %gather3A_634[%add3A_611, %broadcast_in_dim3A_628, %get3A_613] : memref<64x4x128xf32, #tpu.memory_space<vmem>>[vector<16xi32>, vector<16xi32>, vector<16xi32>], vector<16xf32>,
    %swap3A_636 = arith.constant 1 : i32
    %swap3A_637 = arith.index_cast %swap3A_636 : i32 to index
    %swap3A_638 = arith.constant 16 : index
    %swap3A_639 = tpu.vector_load %arg9[%swap3A_637, %swap3A_638] {strides = array<i32>} : memref<4x512xf32, #tpu.memory_space<vmem>>, vector<16xf32>,
    tpu.vector_store %arg9[%swap3A_637, %swap3A_638], %gather3A_635 {strides = array<i32>} : memref<4x512xf32, #tpu.memory_space<vmem>>, vector<16xf32>,
    %broadcast_in_dim3A_640 = arith.constant 2 : i32
    %broadcast_in_dim3A_641 = vector.broadcast %broadcast_in_dim3A_640 : i32 to vector<16xi32>
    %gather3A_642 = arith.constant 0 : i32
    %gather3A_643 = arith.constant 0 : i32
    %gather3A_644 = arith.constant 0 : i32
    %gather3A_645 = arith.constant 0 : i32
    %gather3A_646 = tpu.memref_slice %arg8[%gather3A_642, %gather3A_643, %gather3A_644, %gather3A_645] : memref<2x64x4x128xf32, #tpu.memory_space<vmem>> -> memref<1x64x4x128xf32, #tpu.memory_space<vmem>>
    %gather3A_647 = tpu.memref_squeeze %gather3A_646 : memref<1x64x4x128xf32, #tpu.memory_space<vmem>> -> memref<64x4x128xf32, #tpu.memory_space<vmem>>
    %gather3A_648 = tpu.vector_load_idx %gather3A_647[%add3A_611, %broadcast_in_dim3A_641, %get3A_613] : memref<64x4x128xf32, #tpu.memory_space<vmem>>[vector<16xi32>, vector<16xi32>, vector<16xi32>], vector<16xf32>,
    %swap3A_649 = arith.constant 2 : i32
    %swap3A_650 = arith.index_cast %swap3A_649 : i32 to index
    %swap3A_651 = arith.constant 16 : index
    %swap3A_652 = tpu.vector_load %arg9[%swap3A_650, %swap3A_651] {strides = array<i32>} : memref<4x512xf32, #tpu.memory_space<vmem>>, vector<16xf32>,
    tpu.vector_store %arg9[%swap3A_650, %swap3A_651], %gather3A_648 {strides = array<i32>} : memref<4x512xf32, #tpu.memory_space<vmem>>, vector<16xf32>,
    %broadcast_in_dim3A_653 = arith.constant 3 : i32
    %broadcast_in_dim3A_654 = vector.broadcast %broadcast_in_dim3A_653 : i32 to vector<16xi32>
    %gather3A_655 = arith.constant 0 : i32
    %gather3A_656 = arith.constant 0 : i32
    %gather3A_657 = arith.constant 0 : i32
    %gather3A_658 = arith.constant 0 : i32
    %gather3A_659 = tpu.memref_slice %arg8[%gather3A_655, %gather3A_656, %gather3A_657, %gather3A_658] : memref<2x64x4x128xf32, #tpu.memory_space<vmem>> -> memref<1x64x4x128xf32, #tpu.memory_space<vmem>>
    %gather3A_660 = tpu.memref_squeeze %gather3A_659 : memref<1x64x4x128xf32, #tpu.memory_space<vmem>> -> memref<64x4x128xf32, #tpu.memory_space<vmem>>
    %gather3A_661 = tpu.vector_load_idx %gather3A_660[%add3A_611, %broadcast_in_dim3A_654, %get3A_613] : memref<64x4x128xf32, #tpu.memory_space<vmem>>[vector<16xi32>, vector<16xi32>, vector<16xi32>], vector<16xf32>,
    %swap3A_662 = arith.constant 3 : i32
    %swap3A_663 = arith.index_cast %swap3A_662 : i32 to index
    %swap3A_664 = arith.constant 16 : index
    %swap3A_665 = tpu.vector_load %arg9[%swap3A_663, %swap3A_664] {strides = array<i32>} : memref<4x512xf32, #tpu.memory_space<vmem>>, vector<16xf32>,
    tpu.vector_store %arg9[%swap3A_663, %swap3A_664], %gather3A_661 {strides = array<i32>} : memref<4x512xf32, #tpu.memory_space<vmem>>, vector<16xf32>,
    %iota3A_666 = tpu.iota {dimensions = array<i32: 0>} : vector<16xi32>
    %add3A_667 = arith.constant 32 : i32
    %add3A_668 = vector.broadcast %add3A_667 : i32 to vector<16xi32>
    %add3A_669 = arith.addi %add3A_668, %iota3A_666 : vector<16xi32>
    %get3A_670 = arith.constant 32 : index
    %get3A_671 = tpu.vector_load %arg7[%get3A_670] {strides = array<i32>} : memref<512xi32, #tpu.memory_space<vmem>>, vector<16xi32>,
    %broadcast_in_dim3A_672 = arith.constant 0 : i32
    %broadcast_in_dim3A_673 = vector.broadcast %broadcast_in_dim3A_672 : i32 to vector<16xi32>
    %gather3A_674 = arith.constant 0 : i32
    %gather3A_675 = arith.constant 0 : i32
    %gather3A_676 = arith.constant 0 : i32
    %gather3A_677 = arith.constant 0 : i32
    %gather3A_678 = tpu.memref_slice %arg8[%gather3A_674, %gather3A_675, %gather3A_676, %gather3A_677] : memref<2x64x4x128xf32, #tpu.memory_space<vmem>> -> memref<1x64x4x128xf32, #tpu.memory_space<vmem>>
    %gather3A_679 = tpu.memref_squeeze %gather3A_678 : memref<1x64x4x128xf32, #tpu.memory_space<vmem>> -> memref<64x4x128xf32, #tpu.memory_space<vmem>>
    %gather3A_680 = tpu.vector_load_idx %gather3A_679[%add3A_669, %broadcast_in_dim3A_673, %get3A_671] : memref<64x4x128xf32, #tpu.memory_space<vmem>>[vector<16xi32>, vector<16xi32>, vector<16xi32>], vector<16xf32>,
    %swap3A_681 = arith.constant 0 : i32
    %swap3A_682 = arith.index_cast %swap3A_681 : i32 to index
    %swap3A_683 = arith.constant 32 : index
    %swap3A_684 = tpu.vector_load %arg9[%swap3A_682, %swap3A_683] {strides = array<i32>} : memref<4x512xf32, #tpu.memory_space<vmem>>, vector<16xf32>,
    tpu.vector_store %arg9[%swap3A_682, %swap3A_683], %gather3A_680 {strides = array<i32>} : memref<4x512xf32, #tpu.memory_space<vmem>>, vector<16xf32>,
    %broadcast_in_dim3A_685 = arith.constant 1 : i32
    %broadcast_in_dim3A_686 = vector.broadcast %broadcast_in_dim3A_685 : i32 to vector<16xi32>
    %gather3A_687 = arith.constant 0 : i32
    %gather3A_688 = arith.constant 0 : i32
    %gather3A_689 = arith.constant 0 : i32
    %gather3A_690 = arith.constant 0 : i32
    %gather3A_691 = tpu.memref_slice %arg8[%gather3A_687, %gather3A_688, %gather3A_689, %gather3A_690] : memref<2x64x4x128xf32, #tpu.memory_space<vmem>> -> memref<1x64x4x128xf32, #tpu.memory_space<vmem>>
    %gather3A_692 = tpu.memref_squeeze %gather3A_691 : memref<1x64x4x128xf32, #tpu.memory_space<vmem>> -> memref<64x4x128xf32, #tpu.memory_space<vmem>>
    %gather3A_693 = tpu.vector_load_idx %gather3A_692[%add3A_669, %broadcast_in_dim3A_686, %get3A_671] : memref<64x4x128xf32, #tpu.memory_space<vmem>>[vector<16xi32>, vector<16xi32>, vector<16xi32>], vector<16xf32>,
    %swap3A_694 = arith.constant 1 : i32
    %swap3A_695 = arith.index_cast %swap3A_694 : i32 to index
    %swap3A_696 = arith.constant 32 : index
    %swap3A_697 = tpu.vector_load %arg9[%swap3A_695, %swap3A_696] {strides = array<i32>} : memref<4x512xf32, #tpu.memory_space<vmem>>, vector<16xf32>,
    tpu.vector_store %arg9[%swap3A_695, %swap3A_696], %gather3A_693 {strides = array<i32>} : memref<4x512xf32, #tpu.memory_space<vmem>>, vector<16xf32>,
    %broadcast_in_dim3A_698 = arith.constant 2 : i32
    %broadcast_in_dim3A_699 = vector.broadcast %broadcast_in_dim3A_698 : i32 to vector<16xi32>
    %gather3A_700 = arith.constant 0 : i32
    %gather3A_701 = arith.constant 0 : i32
    %gather3A_702 = arith.constant 0 : i32
    %gather3A_703 = arith.constant 0 : i32
    %gather3A_704 = tpu.memref_slice %arg8[%gather3A_700, %gather3A_701, %gather3A_702, %gather3A_703] : memref<2x64x4x128xf32, #tpu.memory_space<vmem>> -> memref<1x64x4x128xf32, #tpu.memory_space<vmem>>
    %gather3A_705 = tpu.memref_squeeze %gather3A_704 : memref<1x64x4x128xf32, #tpu.memory_space<vmem>> -> memref<64x4x128xf32, #tpu.memory_space<vmem>>
    %gather3A_706 = tpu.vector_load_idx %gather3A_705[%add3A_669, %broadcast_in_dim3A_699, %get3A_671] : memref<64x4x128xf32, #tpu.memory_space<vmem>>[vector<16xi32>, vector<16xi32>, vector<16xi32>], vector<16xf32>,
    %swap3A_707 = arith.constant 2 : i32
    %swap3A_708 = arith.index_cast %swap3A_707 : i32 to index
    %swap3A_709 = arith.constant 32 : index
    %swap3A_710 = tpu.vector_load %arg9[%swap3A_708, %swap3A_709] {strides = array<i32>} : memref<4x512xf32, #tpu.memory_space<vmem>>, vector<16xf32>,
    tpu.vector_store %arg9[%swap3A_708, %swap3A_709], %gather3A_706 {strides = array<i32>} : memref<4x512xf32, #tpu.memory_space<vmem>>, vector<16xf32>,
    %broadcast_in_dim3A_711 = arith.constant 3 : i32
    %broadcast_in_dim3A_712 = vector.broadcast %broadcast_in_dim3A_711 : i32 to vector<16xi32>
    %gather3A_713 = arith.constant 0 : i32
    %gather3A_714 = arith.constant 0 : i32
    %gather3A_715 = arith.constant 0 : i32
    %gather3A_716 = arith.constant 0 : i32
    %gather3A_717 = tpu.memref_slice %arg8[%gather3A_713, %gather3A_714, %gather3A_715, %gather3A_716] : memref<2x64x4x128xf32, #tpu.memory_space<vmem>> -> memref<1x64x4x128xf32, #tpu.memory_space<vmem>>
    %gather3A_718 = tpu.memref_squeeze %gather3A_717 : memref<1x64x4x128xf32, #tpu.memory_space<vmem>> -> memref<64x4x128xf32, #tpu.memory_space<vmem>>
    %gather3A_719 = tpu.vector_load_idx %gather3A_718[%add3A_669, %broadcast_in_dim3A_712, %get3A_671] : memref<64x4x128xf32, #tpu.memory_space<vmem>>[vector<16xi32>, vector<16xi32>, vector<16xi32>], vector<16xf32>,
    %swap3A_720 = arith.constant 3 : i32
    %swap3A_721 = arith.index_cast %swap3A_720 : i32 to index
    %swap3A_722 = arith.constant 32 : index
    %swap3A_723 = tpu.vector_load %arg9[%swap3A_721, %swap3A_722] {strides = array<i32>} : memref<4x512xf32, #tpu.memory_space<vmem>>, vector<16xf32>,
    tpu.vector_store %arg9[%swap3A_721, %swap3A_722], %gather3A_719 {strides = array<i32>} : memref<4x512xf32, #tpu.memory_space<vmem>>, vector<16xf32>,
    %iota3A_724 = tpu.iota {dimensions = array<i32: 0>} : vector<16xi32>
    %add3A_725 = arith.constant 48 : i32
    %add3A_726 = vector.broadcast %add3A_725 : i32 to vector<16xi32>
    %add3A_727 = arith.addi %add3A_726, %iota3A_724 : vector<16xi32>
    %get3A_728 = arith.constant 48 : index
    %get3A_729 = tpu.vector_load %arg7[%get3A_728] {strides = array<i32>} : memref<512xi32, #tpu.memory_space<vmem>>, vector<16xi32>,
    %broadcast_in_dim3A_730 = arith.constant 0 : i32
    %broadcast_in_dim3A_731 = vector.broadcast %broadcast_in_dim3A_730 : i32 to vector<16xi32>
    %gather3A_732 = arith.constant 0 : i32
    %gather3A_733 = arith.constant 0 : i32
    %gather3A_734 = arith.constant 0 : i32
    %gather3A_735 = arith.constant 0 : i32
    %gather3A_736 = tpu.memref_slice %arg8[%gather3A_732, %gather3A_733, %gather3A_734, %gather3A_735] : memref<2x64x4x128xf32, #tpu.memory_space<vmem>> -> memref<1x64x4x128xf32, #tpu.memory_space<vmem>>
    %gather3A_737 = tpu.memref_squeeze %gather3A_736 : memref<1x64x4x128xf32, #tpu.memory_space<vmem>> -> memref<64x4x128xf32, #tpu.memory_space<vmem>>
    %gather3A_738 = tpu.vector_load_idx %gather3A_737[%add3A_727, %broadcast_in_dim3A_731, %get3A_729] : memref<64x4x128xf32, #tpu.memory_space<vmem>>[vector<16xi32>, vector<16xi32>, vector<16xi32>], vector<16xf32>,
    %swap3A_739 = arith.constant 0 : i32
    %swap3A_740 = arith.index_cast %swap3A_739 : i32 to index
    %swap3A_741 = arith.constant 48 : index
    %swap3A_742 = tpu.vector_load %arg9[%swap3A_740, %swap3A_741] {strides = array<i32>} : memref<4x512xf32, #tpu.memory_space<vmem>>, vector<16xf32>,
    tpu.vector_store %arg9[%swap3A_740, %swap3A_741], %gather3A_738 {strides = array<i32>} : memref<4x512xf32, #tpu.memory_space<vmem>>, vector<16xf32>,
    %broadcast_in_dim3A_743 = arith.constant 1 : i32
    %broadcast_in_dim3A_744 = vector.broadcast %broadcast_in_dim3A_743 : i32 to vector<16xi32>
    %gather3A_745 = arith.constant 0 : i32
    %gather3A_746 = arith.constant 0 : i32
    %gather3A_747 = arith.constant 0 : i32
    %gather3A_748 = arith.constant 0 : i32
    %gather3A_749 = tpu.memref_slice %arg8[%gather3A_745, %gather3A_746, %gather3A_747, %gather3A_748] : memref<2x64x4x128xf32, #tpu.memory_space<vmem>> -> memref<1x64x4x128xf32, #tpu.memory_space<vmem>>
    %gather3A_750 = tpu.memref_squeeze %gather3A_749 : memref<1x64x4x128xf32, #tpu.memory_space<vmem>> -> memref<64x4x128xf32, #tpu.memory_space<vmem>>
    %gather3A_751 = tpu.vector_load_idx %gather3A_750[%add3A_727, %broadcast_in_dim3A_744, %get3A_729] : memref<64x4x128xf32, #tpu.memory_space<vmem>>[vector<16xi32>, vector<16xi32>, vector<16xi32>], vector<16xf32>,
    %swap3A_752 = arith.constant 1 : i32
    %swap3A_753 = arith.index_cast %swap3A_752 : i32 to index
    %swap3A_754 = arith.constant 48 : index
    %swap3A_755 = tpu.vector_load %arg9[%swap3A_753, %swap3A_754] {strides = array<i32>} : memref<4x512xf32, #tpu.memory_space<vmem>>, vector<16xf32>,
    tpu.vector_store %arg9[%swap3A_753, %swap3A_754], %gather3A_751 {strides = array<i32>} : memref<4x512xf32, #tpu.memory_space<vmem>>, vector<16xf32>,
    %broadcast_in_dim3A_756 = arith.constant 2 : i32
    %broadcast_in_dim3A_757 = vector.broadcast %broadcast_in_dim3A_756 : i32 to vector<16xi32>
    %gather3A_758 = arith.constant 0 : i32
    %gather3A_759 = arith.constant 0 : i32
    %gather3A_760 = arith.constant 0 : i32
    %gather3A_761 = arith.constant 0 : i32
    %gather3A_762 = tpu.memref_slice %arg8[%gather3A_758, %gather3A_759, %gather3A_760, %gather3A_761] : memref<2x64x4x128xf32, #tpu.memory_space<vmem>> -> memref<1x64x4x128xf32, #tpu.memory_space<vmem>>
    %gather3A_763 = tpu.memref_squeeze %gather3A_762 : memref<1x64x4x128xf32, #tpu.memory_space<vmem>> -> memref<64x4x128xf32, #tpu.memory_space<vmem>>
    %gather3A_764 = tpu.vector_load_idx %gather3A_763[%add3A_727, %broadcast_in_dim3A_757, %get3A_729] : memref<64x4x128xf32, #tpu.memory_space<vmem>>[vector<16xi32>, vector<16xi32>, vector<16xi32>], vector<16xf32>,
    %swap3A_765 = arith.constant 2 : i32
    %swap3A_766 = arith.index_cast %swap3A_765 : i32 to index
    %swap3A_767 = arith.constant 48 : index
    %swap3A_768 = tpu.vector_load %arg9[%swap3A_766, %swap3A_767] {strides = array<i32>} : memref<4x512xf32, #tpu.memory_space<vmem>>, vector<16xf32>,
    tpu.vector_store %arg9[%swap3A_766, %swap3A_767], %gather3A_764 {strides = array<i32>} : memref<4x512xf32, #tpu.memory_space<vmem>>, vector<16xf32>,
    %broadcast_in_dim3A_769 = arith.constant 3 : i32
    %broadcast_in_dim3A_770 = vector.broadcast %broadcast_in_dim3A_769 : i32 to vector<16xi32>
    %gather3A_771 = arith.constant 0 : i32
    %gather3A_772 = arith.constant 0 : i32
    %gather3A_773 = arith.constant 0 : i32
    %gather3A_774 = arith.constant 0 : i32
    %gather3A_775 = tpu.memref_slice %arg8[%gather3A_771, %gather3A_772, %gather3A_773, %gather3A_774] : memref<2x64x4x128xf32, #tpu.memory_space<vmem>> -> memref<1x64x4x128xf32, #tpu.memory_space<vmem>>
    %gather3A_776 = tpu.memref_squeeze %gather3A_775 : memref<1x64x4x128xf32, #tpu.memory_space<vmem>> -> memref<64x4x128xf32, #tpu.memory_space<vmem>>
    %gather3A_777 = tpu.vector_load_idx %gather3A_776[%add3A_727, %broadcast_in_dim3A_770, %get3A_729] : memref<64x4x128xf32, #tpu.memory_space<vmem>>[vector<16xi32>, vector<16xi32>, vector<16xi32>], vector<16xf32>,
    %swap3A_778 = arith.constant 3 : i32
    %swap3A_779 = arith.index_cast %swap3A_778 : i32 to index
    %swap3A_780 = arith.constant 48 : index
    %swap3A_781 = tpu.vector_load %arg9[%swap3A_779, %swap3A_780] {strides = array<i32>} : memref<4x512xf32, #tpu.memory_space<vmem>>, vector<16xf32>,
    tpu.vector_store %arg9[%swap3A_779, %swap3A_780], %gather3A_777 {strides = array<i32>} : memref<4x512xf32, #tpu.memory_space<vmem>>, vector<16xf32>,
    %dma_start3A_782 = arith.constant 2 : i32
    %dma_start3A_783 = arith.constant 0 : i32
    %dma_start3A_784 = arith.constant 0 : i32
    %dma_start3A_785 = arith.constant 0 : i32
    %dma_start3A_786 = arith.constant 0 : i32
    %dma_start3A_787 = tpu.memref_slice %arg8[%dma_start3A_783, %dma_start3A_784, %dma_start3A_785, %dma_start3A_786] : memref<2x64x4x128xf32, #tpu.memory_space<vmem>> -> memref<1x64x4x128xf32, #tpu.memory_space<vmem>>
    %dma_start3A_788 = tpu.memref_squeeze %dma_start3A_787 : memref<1x64x4x128xf32, #tpu.memory_space<vmem>> -> memref<64x4x128xf32, #tpu.memory_space<vmem>>
    %dma_start3A_789 = arith.constant 0 : i32
    %dma_start3A_790 = tpu.memref_slice %arg6[%dma_start3A_782, %dma_start3A_789] : memref<8x64xi32, #tpu.memory_space<vmem>> -> memref<1x64xi32, #tpu.memory_space<vmem>>
    %dma_start3A_791 = tpu.memref_squeeze %dma_start3A_790 : memref<1x64xi32, #tpu.memory_space<vmem>> -> memref<64xi32, #tpu.memory_space<vmem>>
    %dma_start3A_792 = arith.constant 0 : i32
    %dma_start3A_793 = arith.constant 0 : i32
    %dma_start3A_794 = arith.constant 0 : i32
    %dma_start3A_795 = tpu.memref_slice %arg2[%dma_start3A_792, %dma_start3A_793, %dma_start3A_794] : memref<7813x4x128xf32, #tpu.memory_space<hbm>> -> memref<7813x4x128xf32, #tpu.memory_space<hbm>>
    tpu.enqueue_indirect_dma source(%dma_start3A_795 : memref<7813x4x128xf32, #tpu.memory_space<hbm>>) target(%dma_start3A_788 : memref<64x4x128xf32, #tpu.memory_space<vmem>>) offsets(%dma_start3A_791 : memref<64xi32, #tpu.memory_space<vmem>>) semaphore(%arg10 : memref<!tpu.dma_semaphore, #tpu.memory_space<semaphore_mem>>)
    %dma_wait3A_796 = arith.constant 1 : i32
    %dma_wait3A_797 = arith.constant 1 : i32
    %dma_wait3A_798 = arith.constant 0 : i32
    %dma_wait3A_799 = arith.constant 0 : i32
    %dma_wait3A_800 = arith.constant 0 : i32
    %dma_wait3A_801 = tpu.memref_slice %arg8[%dma_wait3A_797, %dma_wait3A_798, %dma_wait3A_799, %dma_wait3A_800] : memref<2x64x4x128xf32, #tpu.memory_space<vmem>> -> memref<1x64x4x128xf32, #tpu.memory_space<vmem>>
    %dma_wait3A_802 = tpu.memref_squeeze %dma_wait3A_801 : memref<1x64x4x128xf32, #tpu.memory_space<vmem>> -> memref<64x4x128xf32, #tpu.memory_space<vmem>>
    %dma_wait3A_803 = arith.constant 0 : i32
    %dma_wait3A_804 = tpu.memref_slice %arg6[%dma_wait3A_796, %dma_wait3A_803] : memref<8x64xi32, #tpu.memory_space<vmem>> -> memref<1x64xi32, #tpu.memory_space<vmem>>
    %dma_wait3A_805 = tpu.memref_squeeze %dma_wait3A_804 : memref<1x64xi32, #tpu.memory_space<vmem>> -> memref<64xi32, #tpu.memory_space<vmem>>
    %dma_wait3A_806 = arith.constant 0 : i32
    %dma_wait3A_807 = arith.constant 0 : i32
    %dma_wait3A_808 = arith.constant 0 : i32
    %dma_wait3A_809 = tpu.memref_slice %arg2[%dma_wait3A_806, %dma_wait3A_807, %dma_wait3A_808] : memref<7813x4x128xf32, #tpu.memory_space<hbm>> -> memref<7813x4x128xf32, #tpu.memory_space<hbm>>
    tpu.wait_indirect_dma semaphore(%arg11 : memref<!tpu.dma_semaphore, #tpu.memory_space<semaphore_mem>>) src(%dma_wait3A_809 : memref<7813x4x128xf32, #tpu.memory_space<hbm>>) dst(%dma_wait3A_802 : memref<64x4x128xf32, #tpu.memory_space<vmem>>)
    %iota3A_810 = tpu.iota {dimensions = array<i32: 0>} : vector<16xi32>
    %add3A_811 = arith.constant 0 : i32
    %add3A_812 = vector.broadcast %add3A_811 : i32 to vector<16xi32>
    %add3A_813 = arith.addi %add3A_812, %iota3A_810 : vector<16xi32>
    %get3A_814 = arith.constant 64 : index
    %get3A_815 = tpu.vector_load %arg7[%get3A_814] {strides = array<i32>} : memref<512xi32, #tpu.memory_space<vmem>>, vector<16xi32>,
    %broadcast_in_dim3A_816 = arith.constant 0 : i32
    %broadcast_in_dim3A_817 = vector.broadcast %broadcast_in_dim3A_816 : i32 to vector<16xi32>
    %gather3A_818 = arith.constant 1 : i32
    %gather3A_819 = arith.constant 0 : i32
    %gather3A_820 = arith.constant 0 : i32
    %gather3A_821 = arith.constant 0 : i32
    %gather3A_822 = tpu.memref_slice %arg8[%gather3A_818, %gather3A_819, %gather3A_820, %gather3A_821] : memref<2x64x4x128xf32, #tpu.memory_space<vmem>> -> memref<1x64x4x128xf32, #tpu.memory_space<vmem>>
    %gather3A_823 = tpu.memref_squeeze %gather3A_822 : memref<1x64x4x128xf32, #tpu.memory_space<vmem>> -> memref<64x4x128xf32, #tpu.memory_space<vmem>>
    %gather3A_824 = tpu.vector_load_idx %gather3A_823[%add3A_813, %broadcast_in_dim3A_817, %get3A_815] : memref<64x4x128xf32, #tpu.memory_space<vmem>>[vector<16xi32>, vector<16xi32>, vector<16xi32>], vector<16xf32>,
    %swap3A_825 = arith.constant 0 : i32
    %swap3A_826 = arith.index_cast %swap3A_825 : i32 to index
    %swap3A_827 = arith.constant 64 : index
    %swap3A_828 = tpu.vector_load %arg9[%swap3A_826, %swap3A_827] {strides = array<i32>} : memref<4x512xf32, #tpu.memory_space<vmem>>, vector<16xf32>,
    tpu.vector_store %arg9[%swap3A_826, %swap3A_827], %gather3A_824 {strides = array<i32>} : memref<4x512xf32, #tpu.memory_space<vmem>>, vector<16xf32>,
    %broadcast_in_dim3A_829 = arith.constant 1 : i32
    %broadcast_in_dim3A_830 = vector.broadcast %broadcast_in_dim3A_829 : i32 to vector<16xi32>
    %gather3A_831 = arith.constant 1 : i32
    %gather3A_832 = arith.constant 0 : i32
    %gather3A_833 = arith.constant 0 : i32
    %gather3A_834 = arith.constant 0 : i32
    %gather3A_835 = tpu.memref_slice %arg8[%gather3A_831, %gather3A_832, %gather3A_833, %gather3A_834] : memref<2x64x4x128xf32, #tpu.memory_space<vmem>> -> memref<1x64x4x128xf32, #tpu.memory_space<vmem>>
    %gather3A_836 = tpu.memref_squeeze %gather3A_835 : memref<1x64x4x128xf32, #tpu.memory_space<vmem>> -> memref<64x4x128xf32, #tpu.memory_space<vmem>>
    %gather3A_837 = tpu.vector_load_idx %gather3A_836[%add3A_813, %broadcast_in_dim3A_830, %get3A_815] : memref<64x4x128xf32, #tpu.memory_space<vmem>>[vector<16xi32>, vector<16xi32>, vector<16xi32>], vector<16xf32>,
    %swap3A_838 = arith.constant 1 : i32
    %swap3A_839 = arith.index_cast %swap3A_838 : i32 to index
    %swap3A_840 = arith.constant 64 : index
    %swap3A_841 = tpu.vector_load %arg9[%swap3A_839, %swap3A_840] {strides = array<i32>} : memref<4x512xf32, #tpu.memory_space<vmem>>, vector<16xf32>,
    tpu.vector_store %arg9[%swap3A_839, %swap3A_840], %gather3A_837 {strides = array<i32>} : memref<4x512xf32, #tpu.memory_space<vmem>>, vector<16xf32>,
    %broadcast_in_dim3A_842 = arith.constant 2 : i32
    %broadcast_in_dim3A_843 = vector.broadcast %broadcast_in_dim3A_842 : i32 to vector<16xi32>
    %gather3A_844 = arith.constant 1 : i32
    %gather3A_845 = arith.constant 0 : i32
    %gather3A_846 = arith.constant 0 : i32
    %gather3A_847 = arith.constant 0 : i32
    %gather3A_848 = tpu.memref_slice %arg8[%gather3A_844, %gather3A_845, %gather3A_846, %gather3A_847] : memref<2x64x4x128xf32, #tpu.memory_space<vmem>> -> memref<1x64x4x128xf32, #tpu.memory_space<vmem>>
    %gather3A_849 = tpu.memref_squeeze %gather3A_848 : memref<1x64x4x128xf32, #tpu.memory_space<vmem>> -> memref<64x4x128xf32, #tpu.memory_space<vmem>>
    %gather3A_850 = tpu.vector_load_idx %gather3A_849[%add3A_813, %broadcast_in_dim3A_843, %get3A_815] : memref<64x4x128xf32, #tpu.memory_space<vmem>>[vector<16xi32>, vector<16xi32>, vector<16xi32>], vector<16xf32>,
    %swap3A_851 = arith.constant 2 : i32
    %swap3A_852 = arith.index_cast %swap3A_851 : i32 to index
    %swap3A_853 = arith.constant 64 : index
    %swap3A_854 = tpu.vector_load %arg9[%swap3A_852, %swap3A_853] {strides = array<i32>} : memref<4x512xf32, #tpu.memory_space<vmem>>, vector<16xf32>,
    tpu.vector_store %arg9[%swap3A_852, %swap3A_853], %gather3A_850 {strides = array<i32>} : memref<4x512xf32, #tpu.memory_space<vmem>>, vector<16xf32>,
    %broadcast_in_dim3A_855 = arith.constant 3 : i32
    %broadcast_in_dim3A_856 = vector.broadcast %broadcast_in_dim3A_855 : i32 to vector<16xi32>
    %gather3A_857 = arith.constant 1 : i32
    %gather3A_858 = arith.constant 0 : i32
    %gather3A_859 = arith.constant 0 : i32
    %gather3A_860 = arith.constant 0 : i32
    %gather3A_861 = tpu.memref_slice %arg8[%gather3A_857, %gather3A_858, %gather3A_859, %gather3A_860] : memref<2x64x4x128xf32, #tpu.memory_space<vmem>> -> memref<1x64x4x128xf32, #tpu.memory_space<vmem>>
    %gather3A_862 = tpu.memref_squeeze %gather3A_861 : memref<1x64x4x128xf32, #tpu.memory_space<vmem>> -> memref<64x4x128xf32, #tpu.memory_space<vmem>>
    %gather3A_863 = tpu.vector_load_idx %gather3A_862[%add3A_813, %broadcast_in_dim3A_856, %get3A_815] : memref<64x4x128xf32, #tpu.memory_space<vmem>>[vector<16xi32>, vector<16xi32>, vector<16xi32>], vector<16xf32>,
    %swap3A_864 = arith.constant 3 : i32
    %swap3A_865 = arith.index_cast %swap3A_864 : i32 to index
    %swap3A_866 = arith.constant 64 : index
    %swap3A_867 = tpu.vector_load %arg9[%swap3A_865, %swap3A_866] {strides = array<i32>} : memref<4x512xf32, #tpu.memory_space<vmem>>, vector<16xf32>,
    tpu.vector_store %arg9[%swap3A_865, %swap3A_866], %gather3A_863 {strides = array<i32>} : memref<4x512xf32, #tpu.memory_space<vmem>>, vector<16xf32>,
    %iota3A_868 = tpu.iota {dimensions = array<i32: 0>} : vector<16xi32>
    %add3A_869 = arith.constant 16 : i32
    %add3A_870 = vector.broadcast %add3A_869 : i32 to vector<16xi32>
    %add3A_871 = arith.addi %add3A_870, %iota3A_868 : vector<16xi32>
    %get3A_872 = arith.constant 80 : index
    %get3A_873 = tpu.vector_load %arg7[%get3A_872] {strides = array<i32>} : memref<512xi32, #tpu.memory_space<vmem>>, vector<16xi32>,
    %broadcast_in_dim3A_874 = arith.constant 0 : i32
    %broadcast_in_dim3A_875 = vector.broadcast %broadcast_in_dim3A_874 : i32 to vector<16xi32>
    %gather3A_876 = arith.constant 1 : i32
    %gather3A_877 = arith.constant 0 : i32
    %gather3A_878 = arith.constant 0 : i32
    %gather3A_879 = arith.constant 0 : i32
    %gather3A_880 = tpu.memref_slice %arg8[%gather3A_876, %gather3A_877, %gather3A_878, %gather3A_879] : memref<2x64x4x128xf32, #tpu.memory_space<vmem>> -> memref<1x64x4x128xf32, #tpu.memory_space<vmem>>
    %gather3A_881 = tpu.memref_squeeze %gather3A_880 : memref<1x64x4x128xf32, #tpu.memory_space<vmem>> -> memref<64x4x128xf32, #tpu.memory_space<vmem>>
    %gather3A_882 = tpu.vector_load_idx %gather3A_881[%add3A_871, %broadcast_in_dim3A_875, %get3A_873] : memref<64x4x128xf32, #tpu.memory_space<vmem>>[vector<16xi32>, vector<16xi32>, vector<16xi32>], vector<16xf32>,
    %swap3A_883 = arith.constant 0 : i32
    %swap3A_884 = arith.index_cast %swap3A_883 : i32 to index
    %swap3A_885 = arith.constant 80 : index
    %swap3A_886 = tpu.vector_load %arg9[%swap3A_884, %swap3A_885] {strides = array<i32>} : memref<4x512xf32, #tpu.memory_space<vmem>>, vector<16xf32>,
    tpu.vector_store %arg9[%swap3A_884, %swap3A_885], %gather3A_882 {strides = array<i32>} : memref<4x512xf32, #tpu.memory_space<vmem>>, vector<16xf32>,
    %broadcast_in_dim3A_887 = arith.constant 1 : i32
    %broadcast_in_dim3A_888 = vector.broadcast %broadcast_in_dim3A_887 : i32 to vector<16xi32>
    %gather3A_889 = arith.constant 1 : i32
    %gather3A_890 = arith.constant 0 : i32
    %gather3A_891 = arith.constant 0 : i32
    %gather3A_892 = arith.constant 0 : i32
    %gather3A_893 = tpu.memref_slice %arg8[%gather3A_889, %gather3A_890, %gather3A_891, %gather3A_892] : memref<2x64x4x128xf32, #tpu.memory_space<vmem>> -> memref<1x64x4x128xf32, #tpu.memory_space<vmem>>
    %gather3A_894 = tpu.memref_squeeze %gather3A_893 : memref<1x64x4x128xf32, #tpu.memory_space<vmem>> -> memref<64x4x128xf32, #tpu.memory_space<vmem>>
    %gather3A_895 = tpu.vector_load_idx %gather3A_894[%add3A_871, %broadcast_in_dim3A_888, %get3A_873] : memref<64x4x128xf32, #tpu.memory_space<vmem>>[vector<16xi32>, vector<16xi32>, vector<16xi32>], vector<16xf32>,
    %swap3A_896 = arith.constant 1 : i32
    %swap3A_897 = arith.index_cast %swap3A_896 : i32 to index
    %swap3A_898 = arith.constant 80 : index
    %swap3A_899 = tpu.vector_load %arg9[%swap3A_897, %swap3A_898] {strides = array<i32>} : memref<4x512xf32, #tpu.memory_space<vmem>>, vector<16xf32>,
    tpu.vector_store %arg9[%swap3A_897, %swap3A_898], %gather3A_895 {strides = array<i32>} : memref<4x512xf32, #tpu.memory_space<vmem>>, vector<16xf32>,
    %broadcast_in_dim3A_900 = arith.constant 2 : i32
    %broadcast_in_dim3A_901 = vector.broadcast %broadcast_in_dim3A_900 : i32 to vector<16xi32>
    %gather3A_902 = arith.constant 1 : i32
    %gather3A_903 = arith.constant 0 : i32
    %gather3A_904 = arith.constant 0 : i32
    %gather3A_905 = arith.constant 0 : i32
    %gather3A_906 = tpu.memref_slice %arg8[%gather3A_902, %gather3A_903, %gather3A_904, %gather3A_905] : memref<2x64x4x128xf32, #tpu.memory_space<vmem>> -> memref<1x64x4x128xf32, #tpu.memory_space<vmem>>
    %gather3A_907 = tpu.memref_squeeze %gather3A_906 : memref<1x64x4x128xf32, #tpu.memory_space<vmem>> -> memref<64x4x128xf32, #tpu.memory_space<vmem>>
    %gather3A_908 = tpu.vector_load_idx %gather3A_907[%add3A_871, %broadcast_in_dim3A_901, %get3A_873] : memref<64x4x128xf32, #tpu.memory_space<vmem>>[vector<16xi32>, vector<16xi32>, vector<16xi32>], vector<16xf32>,
    %swap3A_909 = arith.constant 2 : i32
    %swap3A_910 = arith.index_cast %swap3A_909 : i32 to index
    %swap3A_911 = arith.constant 80 : index
    %swap3A_912 = tpu.vector_load %arg9[%swap3A_910, %swap3A_911] {strides = array<i32>} : memref<4x512xf32, #tpu.memory_space<vmem>>, vector<16xf32>,
    tpu.vector_store %arg9[%swap3A_910, %swap3A_911], %gather3A_908 {strides = array<i32>} : memref<4x512xf32, #tpu.memory_space<vmem>>, vector<16xf32>,
    %broadcast_in_dim3A_913 = arith.constant 3 : i32
    %broadcast_in_dim3A_914 = vector.broadcast %broadcast_in_dim3A_913 : i32 to vector<16xi32>
    %gather3A_915 = arith.constant 1 : i32
    %gather3A_916 = arith.constant 0 : i32
    %gather3A_917 = arith.constant 0 : i32
    %gather3A_918 = arith.constant 0 : i32
    %gather3A_919 = tpu.memref_slice %arg8[%gather3A_915, %gather3A_916, %gather3A_917, %gather3A_918] : memref<2x64x4x128xf32, #tpu.memory_space<vmem>> -> memref<1x64x4x128xf32, #tpu.memory_space<vmem>>
    %gather3A_920 = tpu.memref_squeeze %gather3A_919 : memref<1x64x4x128xf32, #tpu.memory_space<vmem>> -> memref<64x4x128xf32, #tpu.memory_space<vmem>>
    %gather3A_921 = tpu.vector_load_idx %gather3A_920[%add3A_871, %broadcast_in_dim3A_914, %get3A_873] : memref<64x4x128xf32, #tpu.memory_space<vmem>>[vector<16xi32>, vector<16xi32>, vector<16xi32>], vector<16xf32>,
    %swap3A_922 = arith.constant 3 : i32
    %swap3A_923 = arith.index_cast %swap3A_922 : i32 to index
    %swap3A_924 = arith.constant 80 : index
    %swap3A_925 = tpu.vector_load %arg9[%swap3A_923, %swap3A_924] {strides = array<i32>} : memref<4x512xf32, #tpu.memory_space<vmem>>, vector<16xf32>,
    tpu.vector_store %arg9[%swap3A_923, %swap3A_924], %gather3A_921 {strides = array<i32>} : memref<4x512xf32, #tpu.memory_space<vmem>>, vector<16xf32>,
    %iota3A_926 = tpu.iota {dimensions = array<i32: 0>} : vector<16xi32>
    %add3A_927 = arith.constant 32 : i32
    %add3A_928 = vector.broadcast %add3A_927 : i32 to vector<16xi32>
    %add3A_929 = arith.addi %add3A_928, %iota3A_926 : vector<16xi32>
    %get3A_930 = arith.constant 96 : index
    %get3A_931 = tpu.vector_load %arg7[%get3A_930] {strides = array<i32>} : memref<512xi32, #tpu.memory_space<vmem>>, vector<16xi32>,
    %broadcast_in_dim3A_932 = arith.constant 0 : i32
    %broadcast_in_dim3A_933 = vector.broadcast %broadcast_in_dim3A_932 : i32 to vector<16xi32>
    %gather3A_934 = arith.constant 1 : i32
    %gather3A_935 = arith.constant 0 : i32
    %gather3A_936 = arith.constant 0 : i32
    %gather3A_937 = arith.constant 0 : i32
    %gather3A_938 = tpu.memref_slice %arg8[%gather3A_934, %gather3A_935, %gather3A_936, %gather3A_937] : memref<2x64x4x128xf32, #tpu.memory_space<vmem>> -> memref<1x64x4x128xf32, #tpu.memory_space<vmem>>
    %gather3A_939 = tpu.memref_squeeze %gather3A_938 : memref<1x64x4x128xf32, #tpu.memory_space<vmem>> -> memref<64x4x128xf32, #tpu.memory_space<vmem>>
    %gather3A_940 = tpu.vector_load_idx %gather3A_939[%add3A_929, %broadcast_in_dim3A_933, %get3A_931] : memref<64x4x128xf32, #tpu.memory_space<vmem>>[vector<16xi32>, vector<16xi32>, vector<16xi32>], vector<16xf32>,
    %swap3A_941 = arith.constant 0 : i32
    %swap3A_942 = arith.index_cast %swap3A_941 : i32 to index
    %swap3A_943 = arith.constant 96 : index
    %swap3A_944 = tpu.vector_load %arg9[%swap3A_942, %swap3A_943] {strides = array<i32>} : memref<4x512xf32, #tpu.memory_space<vmem>>, vector<16xf32>,
    tpu.vector_store %arg9[%swap3A_942, %swap3A_943], %gather3A_940 {strides = array<i32>} : memref<4x512xf32, #tpu.memory_space<vmem>>, vector<16xf32>,
    %broadcast_in_dim3A_945 = arith.constant 1 : i32
    %broadcast_in_dim3A_946 = vector.broadcast %broadcast_in_dim3A_945 : i32 to vector<16xi32>
    %gather3A_947 = arith.constant 1 : i32
    %gather3A_948 = arith.constant 0 : i32
    %gather3A_949 = arith.constant 0 : i32
    %gather3A_950 = arith.constant 0 : i32
    %gather3A_951 = tpu.memref_slice %arg8[%gather3A_947, %gather3A_948, %gather3A_949, %gather3A_950] : memref<2x64x4x128xf32, #tpu.memory_space<vmem>> -> memref<1x64x4x128xf32, #tpu.memory_space<vmem>>
    %gather3A_952 = tpu.memref_squeeze %gather3A_951 : memref<1x64x4x128xf32, #tpu.memory_space<vmem>> -> memref<64x4x128xf32, #tpu.memory_space<vmem>>
    %gather3A_953 = tpu.vector_load_idx %gather3A_952[%add3A_929, %broadcast_in_dim3A_946, %get3A_931] : memref<64x4x128xf32, #tpu.memory_space<vmem>>[vector<16xi32>, vector<16xi32>, vector<16xi32>], vector<16xf32>,
    %swap3A_954 = arith.constant 1 : i32
    %swap3A_955 = arith.index_cast %swap3A_954 : i32 to index
    %swap3A_956 = arith.constant 96 : index
    %swap3A_957 = tpu.vector_load %arg9[%swap3A_955, %swap3A_956] {strides = array<i32>} : memref<4x512xf32, #tpu.memory_space<vmem>>, vector<16xf32>,
    tpu.vector_store %arg9[%swap3A_955, %swap3A_956], %gather3A_953 {strides = array<i32>} : memref<4x512xf32, #tpu.memory_space<vmem>>, vector<16xf32>,
    %broadcast_in_dim3A_958 = arith.constant 2 : i32
    %broadcast_in_dim3A_959 = vector.broadcast %broadcast_in_dim3A_958 : i32 to vector<16xi32>
    %gather3A_960 = arith.constant 1 : i32
    %gather3A_961 = arith.constant 0 : i32
    %gather3A_962 = arith.constant 0 : i32
    %gather3A_963 = arith.constant 0 : i32
    %gather3A_964 = tpu.memref_slice %arg8[%gather3A_960, %gather3A_961, %gather3A_962, %gather3A_963] : memref<2x64x4x128xf32, #tpu.memory_space<vmem>> -> memref<1x64x4x128xf32, #tpu.memory_space<vmem>>
    %gather3A_965 = tpu.memref_squeeze %gather3A_964 : memref<1x64x4x128xf32, #tpu.memory_space<vmem>> -> memref<64x4x128xf32, #tpu.memory_space<vmem>>
    %gather3A_966 = tpu.vector_load_idx %gather3A_965[%add3A_929, %broadcast_in_dim3A_959, %get3A_931] : memref<64x4x128xf32, #tpu.memory_space<vmem>>[vector<16xi32>, vector<16xi32>, vector<16xi32>], vector<16xf32>,
    %swap3A_967 = arith.constant 2 : i32
    %swap3A_968 = arith.index_cast %swap3A_967 : i32 to index
    %swap3A_969 = arith.constant 96 : index
    %swap3A_970 = tpu.vector_load %arg9[%swap3A_968, %swap3A_969] {strides = array<i32>} : memref<4x512xf32, #tpu.memory_space<vmem>>, vector<16xf32>,
    tpu.vector_store %arg9[%swap3A_968, %swap3A_969], %gather3A_966 {strides = array<i32>} : memref<4x512xf32, #tpu.memory_space<vmem>>, vector<16xf32>,
    %broadcast_in_dim3A_971 = arith.constant 3 : i32
    %broadcast_in_dim3A_972 = vector.broadcast %broadcast_in_dim3A_971 : i32 to vector<16xi32>
    %gather3A_973 = arith.constant 1 : i32
    %gather3A_974 = arith.constant 0 : i32
    %gather3A_975 = arith.constant 0 : i32
    %gather3A_976 = arith.constant 0 : i32
    %gather3A_977 = tpu.memref_slice %arg8[%gather3A_973, %gather3A_974, %gather3A_975, %gather3A_976] : memref<2x64x4x128xf32, #tpu.memory_space<vmem>> -> memref<1x64x4x128xf32, #tpu.memory_space<vmem>>
    %gather3A_978 = tpu.memref_squeeze %gather3A_977 : memref<1x64x4x128xf32, #tpu.memory_space<vmem>> -> memref<64x4x128xf32, #tpu.memory_space<vmem>>
    %gather3A_979 = tpu.vector_load_idx %gather3A_978[%add3A_929, %broadcast_in_dim3A_972, %get3A_931] : memref<64x4x128xf32, #tpu.memory_space<vmem>>[vector<16xi32>, vector<16xi32>, vector<16xi32>], vector<16xf32>,
    %swap3A_980 = arith.constant 3 : i32
    %swap3A_981 = arith.index_cast %swap3A_980 : i32 to index
    %swap3A_982 = arith.constant 96 : index
    %swap3A_983 = tpu.vector_load %arg9[%swap3A_981, %swap3A_982] {strides = array<i32>} : memref<4x512xf32, #tpu.memory_space<vmem>>, vector<16xf32>,
    tpu.vector_store %arg9[%swap3A_981, %swap3A_982], %gather3A_979 {strides = array<i32>} : memref<4x512xf32, #tpu.memory_space<vmem>>, vector<16xf32>,
    %iota3A_984 = tpu.iota {dimensions = array<i32: 0>} : vector<16xi32>
    %add3A_985 = arith.constant 48 : i32
    %add3A_986 = vector.broadcast %add3A_985 : i32 to vector<16xi32>
    %add3A_987 = arith.addi %add3A_986, %iota3A_984 : vector<16xi32>
    %get3A_988 = arith.constant 112 : index
    %get3A_989 = tpu.vector_load %arg7[%get3A_988] {strides = array<i32>} : memref<512xi32, #tpu.memory_space<vmem>>, vector<16xi32>,
    %broadcast_in_dim3A_990 = arith.constant 0 : i32
    %broadcast_in_dim3A_991 = vector.broadcast %broadcast_in_dim3A_990 : i32 to vector<16xi32>
    %gather3A_992 = arith.constant 1 : i32
    %gather3A_993 = arith.constant 0 : i32
    %gather3A_994 = arith.constant 0 : i32
    %gather3A_995 = arith.constant 0 : i32
    %gather3A_996 = tpu.memref_slice %arg8[%gather3A_992, %gather3A_993, %gather3A_994, %gather3A_995] : memref<2x64x4x128xf32, #tpu.memory_space<vmem>> -> memref<1x64x4x128xf32, #tpu.memory_space<vmem>>
    %gather3A_997 = tpu.memref_squeeze %gather3A_996 : memref<1x64x4x128xf32, #tpu.memory_space<vmem>> -> memref<64x4x128xf32, #tpu.memory_space<vmem>>
    %gather3A_998 = tpu.vector_load_idx %gather3A_997[%add3A_987, %broadcast_in_dim3A_991, %get3A_989] : memref<64x4x128xf32, #tpu.memory_space<vmem>>[vector<16xi32>, vector<16xi32>, vector<16xi32>], vector<16xf32>,
    %swap3A_999 = arith.constant 0 : i32
    %swap3A_1000 = arith.index_cast %swap3A_999 : i32 to index
    %swap3A_1001 = arith.constant 112 : index
    %swap3A_1002 = tpu.vector_load %arg9[%swap3A_1000, %swap3A_1001] {strides = array<i32>} : memref<4x512xf32, #tpu.memory_space<vmem>>, vector<16xf32>,
    tpu.vector_store %arg9[%swap3A_1000, %swap3A_1001], %gather3A_998 {strides = array<i32>} : memref<4x512xf32, #tpu.memory_space<vmem>>, vector<16xf32>,
    %broadcast_in_dim3A_1003 = arith.constant 1 : i32
    %broadcast_in_dim3A_1004 = vector.broadcast %broadcast_in_dim3A_1003 : i32 to vector<16xi32>
    %gather3A_1005 = arith.constant 1 : i32
    %gather3A_1006 = arith.constant 0 : i32
    %gather3A_1007 = arith.constant 0 : i32
    %gather3A_1008 = arith.constant 0 : i32
    %gather3A_1009 = tpu.memref_slice %arg8[%gather3A_1005, %gather3A_1006, %gather3A_1007, %gather3A_1008] : memref<2x64x4x128xf32, #tpu.memory_space<vmem>> -> memref<1x64x4x128xf32, #tpu.memory_space<vmem>>
    %gather3A_1010 = tpu.memref_squeeze %gather3A_1009 : memref<1x64x4x128xf32, #tpu.memory_space<vmem>> -> memref<64x4x128xf32, #tpu.memory_space<vmem>>
    %gather3A_1011 = tpu.vector_load_idx %gather3A_1010[%add3A_987, %broadcast_in_dim3A_1004, %get3A_989] : memref<64x4x128xf32, #tpu.memory_space<vmem>>[vector<16xi32>, vector<16xi32>, vector<16xi32>], vector<16xf32>,
    %swap3A_1012 = arith.constant 1 : i32
    %swap3A_1013 = arith.index_cast %swap3A_1012 : i32 to index
    %swap3A_1014 = arith.constant 112 : index
    %swap3A_1015 = tpu.vector_load %arg9[%swap3A_1013, %swap3A_1014] {strides = array<i32>} : memref<4x512xf32, #tpu.memory_space<vmem>>, vector<16xf32>,
    tpu.vector_store %arg9[%swap3A_1013, %swap3A_1014], %gather3A_1011 {strides = array<i32>} : memref<4x512xf32, #tpu.memory_space<vmem>>, vector<16xf32>,
    %broadcast_in_dim3A_1016 = arith.constant 2 : i32
    %broadcast_in_dim3A_1017 = vector.broadcast %broadcast_in_dim3A_1016 : i32 to vector<16xi32>
    %gather3A_1018 = arith.constant 1 : i32
    %gather3A_1019 = arith.constant 0 : i32
    %gather3A_1020 = arith.constant 0 : i32
    %gather3A_1021 = arith.constant 0 : i32
    %gather3A_1022 = tpu.memref_slice %arg8[%gather3A_1018, %gather3A_1019, %gather3A_1020, %gather3A_1021] : memref<2x64x4x128xf32, #tpu.memory_space<vmem>> -> memref<1x64x4x128xf32, #tpu.memory_space<vmem>>
    %gather3A_1023 = tpu.memref_squeeze %gather3A_1022 : memref<1x64x4x128xf32, #tpu.memory_space<vmem>> -> memref<64x4x128xf32, #tpu.memory_space<vmem>>
    %gather3A_1024 = tpu.vector_load_idx %gather3A_1023[%add3A_987, %broadcast_in_dim3A_1017, %get3A_989] : memref<64x4x128xf32, #tpu.memory_space<vmem>>[vector<16xi32>, vector<16xi32>, vector<16xi32>], vector<16xf32>,
    %swap3A_1025 = arith.constant 2 : i32
    %swap3A_1026 = arith.index_cast %swap3A_1025 : i32 to index
    %swap3A_1027 = arith.constant 112 : index
    %swap3A_1028 = tpu.vector_load %arg9[%swap3A_1026, %swap3A_1027] {strides = array<i32>} : memref<4x512xf32, #tpu.memory_space<vmem>>, vector<16xf32>,
    tpu.vector_store %arg9[%swap3A_1026, %swap3A_1027], %gather3A_1024 {strides = array<i32>} : memref<4x512xf32, #tpu.memory_space<vmem>>, vector<16xf32>,
    %broadcast_in_dim3A_1029 = arith.constant 3 : i32
    %broadcast_in_dim3A_1030 = vector.broadcast %broadcast_in_dim3A_1029 : i32 to vector<16xi32>
    %gather3A_1031 = arith.constant 1 : i32
    %gather3A_1032 = arith.constant 0 : i32
    %gather3A_1033 = arith.constant 0 : i32
    %gather3A_1034 = arith.constant 0 : i32
    %gather3A_1035 = tpu.memref_slice %arg8[%gather3A_1031, %gather3A_1032, %gather3A_1033, %gather3A_1034] : memref<2x64x4x128xf32, #tpu.memory_space<vmem>> -> memref<1x64x4x128xf32, #tpu.memory_space<vmem>>
    %gather3A_1036 = tpu.memref_squeeze %gather3A_1035 : memref<1x64x4x128xf32, #tpu.memory_space<vmem>> -> memref<64x4x128xf32, #tpu.memory_space<vmem>>
    %gather3A_1037 = tpu.vector_load_idx %gather3A_1036[%add3A_987, %broadcast_in_dim3A_1030, %get3A_989] : memref<64x4x128xf32, #tpu.memory_space<vmem>>[vector<16xi32>, vector<16xi32>, vector<16xi32>], vector<16xf32>,
    %swap3A_1038 = arith.constant 3 : i32
    %swap3A_1039 = arith.index_cast %swap3A_1038 : i32 to index
    %swap3A_1040 = arith.constant 112 : index
    %swap3A_1041 = tpu.vector_load %arg9[%swap3A_1039, %swap3A_1040] {strides = array<i32>} : memref<4x512xf32, #tpu.memory_space<vmem>>, vector<16xf32>,
    tpu.vector_store %arg9[%swap3A_1039, %swap3A_1040], %gather3A_1037 {strides = array<i32>} : memref<4x512xf32, #tpu.memory_space<vmem>>, vector<16xf32>,
    %dma_start3A_1042 = arith.constant 3 : i32
    %dma_start3A_1043 = arith.constant 1 : i32
    %dma_start3A_1044 = arith.constant 0 : i32
    %dma_start3A_1045 = arith.constant 0 : i32
    %dma_start3A_1046 = arith.constant 0 : i32
    %dma_start3A_1047 = tpu.memref_slice %arg8[%dma_start3A_1043, %dma_start3A_1044, %dma_start3A_1045, %dma_start3A_1046] : memref<2x64x4x128xf32, #tpu.memory_space<vmem>> -> memref<1x64x4x128xf32, #tpu.memory_space<vmem>>
    %dma_start3A_1048 = tpu.memref_squeeze %dma_start3A_1047 : memref<1x64x4x128xf32, #tpu.memory_space<vmem>> -> memref<64x4x128xf32, #tpu.memory_space<vmem>>
    %dma_start3A_1049 = arith.constant 0 : i32
    %dma_start3A_1050 = tpu.memref_slice %arg6[%dma_start3A_1042, %dma_start3A_1049] : memref<8x64xi32, #tpu.memory_space<vmem>> -> memref<1x64xi32, #tpu.memory_space<vmem>>
    %dma_start3A_1051 = tpu.memref_squeeze %dma_start3A_1050 : memref<1x64xi32, #tpu.memory_space<vmem>> -> memref<64xi32, #tpu.memory_space<vmem>>
    %dma_start3A_1052 = arith.constant 0 : i32
    %dma_start3A_1053 = arith.constant 0 : i32
    %dma_start3A_1054 = arith.constant 0 : i32
    %dma_start3A_1055 = tpu.memref_slice %arg2[%dma_start3A_1052, %dma_start3A_1053, %dma_start3A_1054] : memref<7813x4x128xf32, #tpu.memory_space<hbm>> -> memref<7813x4x128xf32, #tpu.memory_space<hbm>>
    tpu.enqueue_indirect_dma source(%dma_start3A_1055 : memref<7813x4x128xf32, #tpu.memory_space<hbm>>) target(%dma_start3A_1048 : memref<64x4x128xf32, #tpu.memory_space<vmem>>) offsets(%dma_start3A_1051 : memref<64xi32, #tpu.memory_space<vmem>>) semaphore(%arg11 : memref<!tpu.dma_semaphore, #tpu.memory_space<semaphore_mem>>)
    %dma_wait3A_1056 = arith.constant 2 : i32
    %dma_wait3A_1057 = arith.constant 0 : i32
    %dma_wait3A_1058 = arith.constant 0 : i32
    %dma_wait3A_1059 = arith.constant 0 : i32
    %dma_wait3A_1060 = arith.constant 0 : i32
    %dma_wait3A_1061 = tpu.memref_slice %arg8[%dma_wait3A_1057, %dma_wait3A_1058, %dma_wait3A_1059, %dma_wait3A_1060] : memref<2x64x4x128xf32, #tpu.memory_space<vmem>> -> memref<1x64x4x128xf32, #tpu.memory_space<vmem>>
    %dma_wait3A_1062 = tpu.memref_squeeze %dma_wait3A_1061 : memref<1x64x4x128xf32, #tpu.memory_space<vmem>> -> memref<64x4x128xf32, #tpu.memory_space<vmem>>
    %dma_wait3A_1063 = arith.constant 0 : i32
    %dma_wait3A_1064 = tpu.memref_slice %arg6[%dma_wait3A_1056, %dma_wait3A_1063] : memref<8x64xi32, #tpu.memory_space<vmem>> -> memref<1x64xi32, #tpu.memory_space<vmem>>
    %dma_wait3A_1065 = tpu.memref_squeeze %dma_wait3A_1064 : memref<1x64xi32, #tpu.memory_space<vmem>> -> memref<64xi32, #tpu.memory_space<vmem>>
    %dma_wait3A_1066 = arith.constant 0 : i32
    %dma_wait3A_1067 = arith.constant 0 : i32
    %dma_wait3A_1068 = arith.constant 0 : i32
    %dma_wait3A_1069 = tpu.memref_slice %arg2[%dma_wait3A_1066, %dma_wait3A_1067, %dma_wait3A_1068] : memref<7813x4x128xf32, #tpu.memory_space<hbm>> -> memref<7813x4x128xf32, #tpu.memory_space<hbm>>
    tpu.wait_indirect_dma semaphore(%arg10 : memref<!tpu.dma_semaphore, #tpu.memory_space<semaphore_mem>>) src(%dma_wait3A_1069 : memref<7813x4x128xf32, #tpu.memory_space<hbm>>) dst(%dma_wait3A_1062 : memref<64x4x128xf32, #tpu.memory_space<vmem>>)
    %iota3A_1070 = tpu.iota {dimensions = array<i32: 0>} : vector<16xi32>
    %add3A_1071 = arith.constant 0 : i32
    %add3A_1072 = vector.broadcast %add3A_1071 : i32 to vector<16xi32>
    %add3A_1073 = arith.addi %add3A_1072, %iota3A_1070 : vector<16xi32>
    %get3A_1074 = arith.constant 128 : index
    %get3A_1075 = tpu.vector_load %arg7[%get3A_1074] {strides = array<i32>} : memref<512xi32, #tpu.memory_space<vmem>>, vector<16xi32>,
    %broadcast_in_dim3A_1076 = arith.constant 0 : i32
    %broadcast_in_dim3A_1077 = vector.broadcast %broadcast_in_dim3A_1076 : i32 to vector<16xi32>
    %gather3A_1078 = arith.constant 0 : i32
    %gather3A_1079 = arith.constant 0 : i32
    %gather3A_1080 = arith.constant 0 : i32
    %gather3A_1081 = arith.constant 0 : i32
    %gather3A_1082 = tpu.memref_slice %arg8[%gather3A_1078, %gather3A_1079, %gather3A_1080, %gather3A_1081] : memref<2x64x4x128xf32, #tpu.memory_space<vmem>> -> memref<1x64x4x128xf32, #tpu.memory_space<vmem>>
    %gather3A_1083 = tpu.memref_squeeze %gather3A_1082 : memref<1x64x4x128xf32, #tpu.memory_space<vmem>> -> memref<64x4x128xf32, #tpu.memory_space<vmem>>
    %gather3A_1084 = tpu.vector_load_idx %gather3A_1083[%add3A_1073, %broadcast_in_dim3A_1077, %get3A_1075] : memref<64x4x128xf32, #tpu.memory_space<vmem>>[vector<16xi32>, vector<16xi32>, vector<16xi32>], vector<16xf32>,
    %swap3A_1085 = arith.constant 0 : i32
    %swap3A_1086 = arith.index_cast %swap3A_1085 : i32 to index
    %swap3A_1087 = arith.constant 128 : index
    %swap3A_1088 = tpu.vector_load %arg9[%swap3A_1086, %swap3A_1087] {strides = array<i32>} : memref<4x512xf32, #tpu.memory_space<vmem>>, vector<16xf32>,
    tpu.vector_store %arg9[%swap3A_1086, %swap3A_1087], %gather3A_1084 {strides = array<i32>} : memref<4x512xf32, #tpu.memory_space<vmem>>, vector<16xf32>,
    %broadcast_in_dim3A_1089 = arith.constant 1 : i32
    %broadcast_in_dim3A_1090 = vector.broadcast %broadcast_in_dim3A_1089 : i32 to vector<16xi32>
    %gather3A_1091 = arith.constant 0 : i32
    %gather3A_1092 = arith.constant 0 : i32
    %gather3A_1093 = arith.constant 0 : i32
    %gather3A_1094 = arith.constant 0 : i32
    %gather3A_1095 = tpu.memref_slice %arg8[%gather3A_1091, %gather3A_1092, %gather3A_1093, %gather3A_1094] : memref<2x64x4x128xf32, #tpu.memory_space<vmem>> -> memref<1x64x4x128xf32, #tpu.memory_space<vmem>>
    %gather3A_1096 = tpu.memref_squeeze %gather3A_1095 : memref<1x64x4x128xf32, #tpu.memory_space<vmem>> -> memref<64x4x128xf32, #tpu.memory_space<vmem>>
    %gather3A_1097 = tpu.vector_load_idx %gather3A_1096[%add3A_1073, %broadcast_in_dim3A_1090, %get3A_1075] : memref<64x4x128xf32, #tpu.memory_space<vmem>>[vector<16xi32>, vector<16xi32>, vector<16xi32>], vector<16xf32>,
    %swap3A_1098 = arith.constant 1 : i32
    %swap3A_1099 = arith.index_cast %swap3A_1098 : i32 to index
    %swap3A_1100 = arith.constant 128 : index
    %swap3A_1101 = tpu.vector_load %arg9[%swap3A_1099, %swap3A_1100] {strides = array<i32>} : memref<4x512xf32, #tpu.memory_space<vmem>>, vector<16xf32>,
    tpu.vector_store %arg9[%swap3A_1099, %swap3A_1100], %gather3A_1097 {strides = array<i32>} : memref<4x512xf32, #tpu.memory_space<vmem>>, vector<16xf32>,
    %broadcast_in_dim3A_1102 = arith.constant 2 : i32
    %broadcast_in_dim3A_1103 = vector.broadcast %broadcast_in_dim3A_1102 : i32 to vector<16xi32>
    %gather3A_1104 = arith.constant 0 : i32
    %gather3A_1105 = arith.constant 0 : i32
    %gather3A_1106 = arith.constant 0 : i32
    %gather3A_1107 = arith.constant 0 : i32
    %gather3A_1108 = tpu.memref_slice %arg8[%gather3A_1104, %gather3A_1105, %gather3A_1106, %gather3A_1107] : memref<2x64x4x128xf32, #tpu.memory_space<vmem>> -> memref<1x64x4x128xf32, #tpu.memory_space<vmem>>
    %gather3A_1109 = tpu.memref_squeeze %gather3A_1108 : memref<1x64x4x128xf32, #tpu.memory_space<vmem>> -> memref<64x4x128xf32, #tpu.memory_space<vmem>>
    %gather3A_1110 = tpu.vector_load_idx %gather3A_1109[%add3A_1073, %broadcast_in_dim3A_1103, %get3A_1075] : memref<64x4x128xf32, #tpu.memory_space<vmem>>[vector<16xi32>, vector<16xi32>, vector<16xi32>], vector<16xf32>,
    %swap3A_1111 = arith.constant 2 : i32
    %swap3A_1112 = arith.index_cast %swap3A_1111 : i32 to index
    %swap3A_1113 = arith.constant 128 : index
    %swap3A_1114 = tpu.vector_load %arg9[%swap3A_1112, %swap3A_1113] {strides = array<i32>} : memref<4x512xf32, #tpu.memory_space<vmem>>, vector<16xf32>,
    tpu.vector_store %arg9[%swap3A_1112, %swap3A_1113], %gather3A_1110 {strides = array<i32>} : memref<4x512xf32, #tpu.memory_space<vmem>>, vector<16xf32>,
    %broadcast_in_dim3A_1115 = arith.constant 3 : i32
    %broadcast_in_dim3A_1116 = vector.broadcast %broadcast_in_dim3A_1115 : i32 to vector<16xi32>
    %gather3A_1117 = arith.constant 0 : i32
    %gather3A_1118 = arith.constant 0 : i32
    %gather3A_1119 = arith.constant 0 : i32
    %gather3A_1120 = arith.constant 0 : i32
    %gather3A_1121 = tpu.memref_slice %arg8[%gather3A_1117, %gather3A_1118, %gather3A_1119, %gather3A_1120] : memref<2x64x4x128xf32, #tpu.memory_space<vmem>> -> memref<1x64x4x128xf32, #tpu.memory_space<vmem>>
    %gather3A_1122 = tpu.memref_squeeze %gather3A_1121 : memref<1x64x4x128xf32, #tpu.memory_space<vmem>> -> memref<64x4x128xf32, #tpu.memory_space<vmem>>
    %gather3A_1123 = tpu.vector_load_idx %gather3A_1122[%add3A_1073, %broadcast_in_dim3A_1116, %get3A_1075] : memref<64x4x128xf32, #tpu.memory_space<vmem>>[vector<16xi32>, vector<16xi32>, vector<16xi32>], vector<16xf32>,
    %swap3A_1124 = arith.constant 3 : i32
    %swap3A_1125 = arith.index_cast %swap3A_1124 : i32 to index
    %swap3A_1126 = arith.constant 128 : index
    %swap3A_1127 = tpu.vector_load %arg9[%swap3A_1125, %swap3A_1126] {strides = array<i32>} : memref<4x512xf32, #tpu.memory_space<vmem>>, vector<16xf32>,
    tpu.vector_store %arg9[%swap3A_1125, %swap3A_1126], %gather3A_1123 {strides = array<i32>} : memref<4x512xf32, #tpu.memory_space<vmem>>, vector<16xf32>,
    %iota3A_1128 = tpu.iota {dimensions = array<i32: 0>} : vector<16xi32>
    %add3A_1129 = arith.constant 16 : i32
    %add3A_1130 = vector.broadcast %add3A_1129 : i32 to vector<16xi32>
    %add3A_1131 = arith.addi %add3A_1130, %iota3A_1128 : vector<16xi32>
    %get3A_1132 = arith.constant 144 : index
    %get3A_1133 = tpu.vector_load %arg7[%get3A_1132] {strides = array<i32>} : memref<512xi32, #tpu.memory_space<vmem>>, vector<16xi32>,
    %broadcast_in_dim3A_1134 = arith.constant 0 : i32
    %broadcast_in_dim3A_1135 = vector.broadcast %broadcast_in_dim3A_1134 : i32 to vector<16xi32>
    %gather3A_1136 = arith.constant 0 : i32
    %gather3A_1137 = arith.constant 0 : i32
    %gather3A_1138 = arith.constant 0 : i32
    %gather3A_1139 = arith.constant 0 : i32
    %gather3A_1140 = tpu.memref_slice %arg8[%gather3A_1136, %gather3A_1137, %gather3A_1138, %gather3A_1139] : memref<2x64x4x128xf32, #tpu.memory_space<vmem>> -> memref<1x64x4x128xf32, #tpu.memory_space<vmem>>
    %gather3A_1141 = tpu.memref_squeeze %gather3A_1140 : memref<1x64x4x128xf32, #tpu.memory_space<vmem>> -> memref<64x4x128xf32, #tpu.memory_space<vmem>>
    %gather3A_1142 = tpu.vector_load_idx %gather3A_1141[%add3A_1131, %broadcast_in_dim3A_1135, %get3A_1133] : memref<64x4x128xf32, #tpu.memory_space<vmem>>[vector<16xi32>, vector<16xi32>, vector<16xi32>], vector<16xf32>,
    %swap3A_1143 = arith.constant 0 : i32
    %swap3A_1144 = arith.index_cast %swap3A_1143 : i32 to index
    %swap3A_1145 = arith.constant 144 : index
    %swap3A_1146 = tpu.vector_load %arg9[%swap3A_1144, %swap3A_1145] {strides = array<i32>} : memref<4x512xf32, #tpu.memory_space<vmem>>, vector<16xf32>,
    tpu.vector_store %arg9[%swap3A_1144, %swap3A_1145], %gather3A_1142 {strides = array<i32>} : memref<4x512xf32, #tpu.memory_space<vmem>>, vector<16xf32>,
    %broadcast_in_dim3A_1147 = arith.constant 1 : i32
    %broadcast_in_dim3A_1148 = vector.broadcast %broadcast_in_dim3A_1147 : i32 to vector<16xi32>
    %gather3A_1149 = arith.constant 0 : i32
    %gather3A_1150 = arith.constant 0 : i32
    %gather3A_1151 = arith.constant 0 : i32
    %gather3A_1152 = arith.constant 0 : i32
    %gather3A_1153 = tpu.memref_slice %arg8[%gather3A_1149, %gather3A_1150, %gather3A_1151, %gather3A_1152] : memref<2x64x4x128xf32, #tpu.memory_space<vmem>> -> memref<1x64x4x128xf32, #tpu.memory_space<vmem>>
    %gather3A_1154 = tpu.memref_squeeze %gather3A_1153 : memref<1x64x4x128xf32, #tpu.memory_space<vmem>> -> memref<64x4x128xf32, #tpu.memory_space<vmem>>
    %gather3A_1155 = tpu.vector_load_idx %gather3A_1154[%add3A_1131, %broadcast_in_dim3A_1148, %get3A_1133] : memref<64x4x128xf32, #tpu.memory_space<vmem>>[vector<16xi32>, vector<16xi32>, vector<16xi32>], vector<16xf32>,
    %swap3A_1156 = arith.constant 1 : i32
    %swap3A_1157 = arith.index_cast %swap3A_1156 : i32 to index
    %swap3A_1158 = arith.constant 144 : index
    %swap3A_1159 = tpu.vector_load %arg9[%swap3A_1157, %swap3A_1158] {strides = array<i32>} : memref<4x512xf32, #tpu.memory_space<vmem>>, vector<16xf32>,
    tpu.vector_store %arg9[%swap3A_1157, %swap3A_1158], %gather3A_1155 {strides = array<i32>} : memref<4x512xf32, #tpu.memory_space<vmem>>, vector<16xf32>,
    %broadcast_in_dim3A_1160 = arith.constant 2 : i32
    %broadcast_in_dim3A_1161 = vector.broadcast %broadcast_in_dim3A_1160 : i32 to vector<16xi32>
    %gather3A_1162 = arith.constant 0 : i32
    %gather3A_1163 = arith.constant 0 : i32
    %gather3A_1164 = arith.constant 0 : i32
    %gather3A_1165 = arith.constant 0 : i32
    %gather3A_1166 = tpu.memref_slice %arg8[%gather3A_1162, %gather3A_1163, %gather3A_1164, %gather3A_1165] : memref<2x64x4x128xf32, #tpu.memory_space<vmem>> -> memref<1x64x4x128xf32, #tpu.memory_space<vmem>>
    %gather3A_1167 = tpu.memref_squeeze %gather3A_1166 : memref<1x64x4x128xf32, #tpu.memory_space<vmem>> -> memref<64x4x128xf32, #tpu.memory_space<vmem>>
    %gather3A_1168 = tpu.vector_load_idx %gather3A_1167[%add3A_1131, %broadcast_in_dim3A_1161, %get3A_1133] : memref<64x4x128xf32, #tpu.memory_space<vmem>>[vector<16xi32>, vector<16xi32>, vector<16xi32>], vector<16xf32>,
    %swap3A_1169 = arith.constant 2 : i32
    %swap3A_1170 = arith.index_cast %swap3A_1169 : i32 to index
    %swap3A_1171 = arith.constant 144 : index
    %swap3A_1172 = tpu.vector_load %arg9[%swap3A_1170, %swap3A_1171] {strides = array<i32>} : memref<4x512xf32, #tpu.memory_space<vmem>>, vector<16xf32>,
    tpu.vector_store %arg9[%swap3A_1170, %swap3A_1171], %gather3A_1168 {strides = array<i32>} : memref<4x512xf32, #tpu.memory_space<vmem>>, vector<16xf32>,
    %broadcast_in_dim3A_1173 = arith.constant 3 : i32
    %broadcast_in_dim3A_1174 = vector.broadcast %broadcast_in_dim3A_1173 : i32 to vector<16xi32>
    %gather3A_1175 = arith.constant 0 : i32
    %gather3A_1176 = arith.constant 0 : i32
    %gather3A_1177 = arith.constant 0 : i32
    %gather3A_1178 = arith.constant 0 : i32
    %gather3A_1179 = tpu.memref_slice %arg8[%gather3A_1175, %gather3A_1176, %gather3A_1177, %gather3A_1178] : memref<2x64x4x128xf32, #tpu.memory_space<vmem>> -> memref<1x64x4x128xf32, #tpu.memory_space<vmem>>
    %gather3A_1180 = tpu.memref_squeeze %gather3A_1179 : memref<1x64x4x128xf32, #tpu.memory_space<vmem>> -> memref<64x4x128xf32, #tpu.memory_space<vmem>>
    %gather3A_1181 = tpu.vector_load_idx %gather3A_1180[%add3A_1131, %broadcast_in_dim3A_1174, %get3A_1133] : memref<64x4x128xf32, #tpu.memory_space<vmem>>[vector<16xi32>, vector<16xi32>, vector<16xi32>], vector<16xf32>,
    %swap3A_1182 = arith.constant 3 : i32
    %swap3A_1183 = arith.index_cast %swap3A_1182 : i32 to index
    %swap3A_1184 = arith.constant 144 : index
    %swap3A_1185 = tpu.vector_load %arg9[%swap3A_1183, %swap3A_1184] {strides = array<i32>} : memref<4x512xf32, #tpu.memory_space<vmem>>, vector<16xf32>,
    tpu.vector_store %arg9[%swap3A_1183, %swap3A_1184], %gather3A_1181 {strides = array<i32>} : memref<4x512xf32, #tpu.memory_space<vmem>>, vector<16xf32>,
    %iota3A_1186 = tpu.iota {dimensions = array<i32: 0>} : vector<16xi32>
    %add3A_1187 = arith.constant 32 : i32
    %add3A_1188 = vector.broadcast %add3A_1187 : i32 to vector<16xi32>
    %add3A_1189 = arith.addi %add3A_1188, %iota3A_1186 : vector<16xi32>
    %get3A_1190 = arith.constant 160 : index
    %get3A_1191 = tpu.vector_load %arg7[%get3A_1190] {strides = array<i32>} : memref<512xi32, #tpu.memory_space<vmem>>, vector<16xi32>,
    %broadcast_in_dim3A_1192 = arith.constant 0 : i32
    %broadcast_in_dim3A_1193 = vector.broadcast %broadcast_in_dim3A_1192 : i32 to vector<16xi32>
    %gather3A_1194 = arith.constant 0 : i32
    %gather3A_1195 = arith.constant 0 : i32
    %gather3A_1196 = arith.constant 0 : i32
    %gather3A_1197 = arith.constant 0 : i32
    %gather3A_1198 = tpu.memref_slice %arg8[%gather3A_1194, %gather3A_1195, %gather3A_1196, %gather3A_1197] : memref<2x64x4x128xf32, #tpu.memory_space<vmem>> -> memref<1x64x4x128xf32, #tpu.memory_space<vmem>>
    %gather3A_1199 = tpu.memref_squeeze %gather3A_1198 : memref<1x64x4x128xf32, #tpu.memory_space<vmem>> -> memref<64x4x128xf32, #tpu.memory_space<vmem>>
    %gather3A_1200 = tpu.vector_load_idx %gather3A_1199[%add3A_1189, %broadcast_in_dim3A_1193, %get3A_1191] : memref<64x4x128xf32, #tpu.memory_space<vmem>>[vector<16xi32>, vector<16xi32>, vector<16xi32>], vector<16xf32>,
    %swap3A_1201 = arith.constant 0 : i32
    %swap3A_1202 = arith.index_cast %swap3A_1201 : i32 to index
    %swap3A_1203 = arith.constant 160 : index
    %swap3A_1204 = tpu.vector_load %arg9[%swap3A_1202, %swap3A_1203] {strides = array<i32>} : memref<4x512xf32, #tpu.memory_space<vmem>>, vector<16xf32>,
    tpu.vector_store %arg9[%swap3A_1202, %swap3A_1203], %gather3A_1200 {strides = array<i32>} : memref<4x512xf32, #tpu.memory_space<vmem>>, vector<16xf32>,
    %broadcast_in_dim3A_1205 = arith.constant 1 : i32
    %broadcast_in_dim3A_1206 = vector.broadcast %broadcast_in_dim3A_1205 : i32 to vector<16xi32>
    %gather3A_1207 = arith.constant 0 : i32
    %gather3A_1208 = arith.constant 0 : i32
    %gather3A_1209 = arith.constant 0 : i32
    %gather3A_1210 = arith.constant 0 : i32
    %gather3A_1211 = tpu.memref_slice %arg8[%gather3A_1207, %gather3A_1208, %gather3A_1209, %gather3A_1210] : memref<2x64x4x128xf32, #tpu.memory_space<vmem>> -> memref<1x64x4x128xf32, #tpu.memory_space<vmem>>
    %gather3A_1212 = tpu.memref_squeeze %gather3A_1211 : memref<1x64x4x128xf32, #tpu.memory_space<vmem>> -> memref<64x4x128xf32, #tpu.memory_space<vmem>>
    %gather3A_1213 = tpu.vector_load_idx %gather3A_1212[%add3A_1189, %broadcast_in_dim3A_1206, %get3A_1191] : memref<64x4x128xf32, #tpu.memory_space<vmem>>[vector<16xi32>, vector<16xi32>, vector<16xi32>], vector<16xf32>,
    %swap3A_1214 = arith.constant 1 : i32
    %swap3A_1215 = arith.index_cast %swap3A_1214 : i32 to index
    %swap3A_1216 = arith.constant 160 : index
    %swap3A_1217 = tpu.vector_load %arg9[%swap3A_1215, %swap3A_1216] {strides = array<i32>} : memref<4x512xf32, #tpu.memory_space<vmem>>, vector<16xf32>,
    tpu.vector_store %arg9[%swap3A_1215, %swap3A_1216], %gather3A_1213 {strides = array<i32>} : memref<4x512xf32, #tpu.memory_space<vmem>>, vector<16xf32>,
    %broadcast_in_dim3A_1218 = arith.constant 2 : i32
    %broadcast_in_dim3A_1219 = vector.broadcast %broadcast_in_dim3A_1218 : i32 to vector<16xi32>
    %gather3A_1220 = arith.constant 0 : i32
    %gather3A_1221 = arith.constant 0 : i32
    %gather3A_1222 = arith.constant 0 : i32
    %gather3A_1223 = arith.constant 0 : i32
    %gather3A_1224 = tpu.memref_slice %arg8[%gather3A_1220, %gather3A_1221, %gather3A_1222, %gather3A_1223] : memref<2x64x4x128xf32, #tpu.memory_space<vmem>> -> memref<1x64x4x128xf32, #tpu.memory_space<vmem>>
    %gather3A_1225 = tpu.memref_squeeze %gather3A_1224 : memref<1x64x4x128xf32, #tpu.memory_space<vmem>> -> memref<64x4x128xf32, #tpu.memory_space<vmem>>
    %gather3A_1226 = tpu.vector_load_idx %gather3A_1225[%add3A_1189, %broadcast_in_dim3A_1219, %get3A_1191] : memref<64x4x128xf32, #tpu.memory_space<vmem>>[vector<16xi32>, vector<16xi32>, vector<16xi32>], vector<16xf32>,
    %swap3A_1227 = arith.constant 2 : i32
    %swap3A_1228 = arith.index_cast %swap3A_1227 : i32 to index
    %swap3A_1229 = arith.constant 160 : index
    %swap3A_1230 = tpu.vector_load %arg9[%swap3A_1228, %swap3A_1229] {strides = array<i32>} : memref<4x512xf32, #tpu.memory_space<vmem>>, vector<16xf32>,
    tpu.vector_store %arg9[%swap3A_1228, %swap3A_1229], %gather3A_1226 {strides = array<i32>} : memref<4x512xf32, #tpu.memory_space<vmem>>, vector<16xf32>,
    %broadcast_in_dim3A_1231 = arith.constant 3 : i32
    %broadcast_in_dim3A_1232 = vector.broadcast %broadcast_in_dim3A_1231 : i32 to vector<16xi32>
    %gather3A_1233 = arith.constant 0 : i32
    %gather3A_1234 = arith.constant 0 : i32
    %gather3A_1235 = arith.constant 0 : i32
    %gather3A_1236 = arith.constant 0 : i32
    %gather3A_1237 = tpu.memref_slice %arg8[%gather3A_1233, %gather3A_1234, %gather3A_1235, %gather3A_1236] : memref<2x64x4x128xf32, #tpu.memory_space<vmem>> -> memref<1x64x4x128xf32, #tpu.memory_space<vmem>>
    %gather3A_1238 = tpu.memref_squeeze %gather3A_1237 : memref<1x64x4x128xf32, #tpu.memory_space<vmem>> -> memref<64x4x128xf32, #tpu.memory_space<vmem>>
    %gather3A_1239 = tpu.vector_load_idx %gather3A_1238[%add3A_1189, %broadcast_in_dim3A_1232, %get3A_1191] : memref<64x4x128xf32, #tpu.memory_space<vmem>>[vector<16xi32>, vector<16xi32>, vector<16xi32>], vector<16xf32>,
    %swap3A_1240 = arith.constant 3 : i32
    %swap3A_1241 = arith.index_cast %swap3A_1240 : i32 to index
    %swap3A_1242 = arith.constant 160 : index
    %swap3A_1243 = tpu.vector_load %arg9[%swap3A_1241, %swap3A_1242] {strides = array<i32>} : memref<4x512xf32, #tpu.memory_space<vmem>>, vector<16xf32>,
    tpu.vector_store %arg9[%swap3A_1241, %swap3A_1242], %gather3A_1239 {strides = array<i32>} : memref<4x512xf32, #tpu.memory_space<vmem>>, vector<16xf32>,
    %iota3A_1244 = tpu.iota {dimensions = array<i32: 0>} : vector<16xi32>
    %add3A_1245 = arith.constant 48 : i32
    %add3A_1246 = vector.broadcast %add3A_1245 : i32 to vector<16xi32>
    %add3A_1247 = arith.addi %add3A_1246, %iota3A_1244 : vector<16xi32>
    %get3A_1248 = arith.constant 176 : index
    %get3A_1249 = tpu.vector_load %arg7[%get3A_1248] {strides = array<i32>} : memref<512xi32, #tpu.memory_space<vmem>>, vector<16xi32>,
    %broadcast_in_dim3A_1250 = arith.constant 0 : i32
    %broadcast_in_dim3A_1251 = vector.broadcast %broadcast_in_dim3A_1250 : i32 to vector<16xi32>
    %gather3A_1252 = arith.constant 0 : i32
    %gather3A_1253 = arith.constant 0 : i32
    %gather3A_1254 = arith.constant 0 : i32
    %gather3A_1255 = arith.constant 0 : i32
    %gather3A_1256 = tpu.memref_slice %arg8[%gather3A_1252, %gather3A_1253, %gather3A_1254, %gather3A_1255] : memref<2x64x4x128xf32, #tpu.memory_space<vmem>> -> memref<1x64x4x128xf32, #tpu.memory_space<vmem>>
    %gather3A_1257 = tpu.memref_squeeze %gather3A_1256 : memref<1x64x4x128xf32, #tpu.memory_space<vmem>> -> memref<64x4x128xf32, #tpu.memory_space<vmem>>
    %gather3A_1258 = tpu.vector_load_idx %gather3A_1257[%add3A_1247, %broadcast_in_dim3A_1251, %get3A_1249] : memref<64x4x128xf32, #tpu.memory_space<vmem>>[vector<16xi32>, vector<16xi32>, vector<16xi32>], vector<16xf32>,
    %swap3A_1259 = arith.constant 0 : i32
    %swap3A_1260 = arith.index_cast %swap3A_1259 : i32 to index
    %swap3A_1261 = arith.constant 176 : index
    %swap3A_1262 = tpu.vector_load %arg9[%swap3A_1260, %swap3A_1261] {strides = array<i32>} : memref<4x512xf32, #tpu.memory_space<vmem>>, vector<16xf32>,
    tpu.vector_store %arg9[%swap3A_1260, %swap3A_1261], %gather3A_1258 {strides = array<i32>} : memref<4x512xf32, #tpu.memory_space<vmem>>, vector<16xf32>,
    %broadcast_in_dim3A_1263 = arith.constant 1 : i32
    %broadcast_in_dim3A_1264 = vector.broadcast %broadcast_in_dim3A_1263 : i32 to vector<16xi32>
    %gather3A_1265 = arith.constant 0 : i32
    %gather3A_1266 = arith.constant 0 : i32
    %gather3A_1267 = arith.constant 0 : i32
    %gather3A_1268 = arith.constant 0 : i32
    %gather3A_1269 = tpu.memref_slice %arg8[%gather3A_1265, %gather3A_1266, %gather3A_1267, %gather3A_1268] : memref<2x64x4x128xf32, #tpu.memory_space<vmem>> -> memref<1x64x4x128xf32, #tpu.memory_space<vmem>>
    %gather3A_1270 = tpu.memref_squeeze %gather3A_1269 : memref<1x64x4x128xf32, #tpu.memory_space<vmem>> -> memref<64x4x128xf32, #tpu.memory_space<vmem>>
    %gather3A_1271 = tpu.vector_load_idx %gather3A_1270[%add3A_1247, %broadcast_in_dim3A_1264, %get3A_1249] : memref<64x4x128xf32, #tpu.memory_space<vmem>>[vector<16xi32>, vector<16xi32>, vector<16xi32>], vector<16xf32>,
    %swap3A_1272 = arith.constant 1 : i32
    %swap3A_1273 = arith.index_cast %swap3A_1272 : i32 to index
    %swap3A_1274 = arith.constant 176 : index
    %swap3A_1275 = tpu.vector_load %arg9[%swap3A_1273, %swap3A_1274] {strides = array<i32>} : memref<4x512xf32, #tpu.memory_space<vmem>>, vector<16xf32>,
    tpu.vector_store %arg9[%swap3A_1273, %swap3A_1274], %gather3A_1271 {strides = array<i32>} : memref<4x512xf32, #tpu.memory_space<vmem>>, vector<16xf32>,
    %broadcast_in_dim3A_1276 = arith.constant 2 : i32
    %broadcast_in_dim3A_1277 = vector.broadcast %broadcast_in_dim3A_1276 : i32 to vector<16xi32>
    %gather3A_1278 = arith.constant 0 : i32
    %gather3A_1279 = arith.constant 0 : i32
    %gather3A_1280 = arith.constant 0 : i32
    %gather3A_1281 = arith.constant 0 : i32
    %gather3A_1282 = tpu.memref_slice %arg8[%gather3A_1278, %gather3A_1279, %gather3A_1280, %gather3A_1281] : memref<2x64x4x128xf32, #tpu.memory_space<vmem>> -> memref<1x64x4x128xf32, #tpu.memory_space<vmem>>
    %gather3A_1283 = tpu.memref_squeeze %gather3A_1282 : memref<1x64x4x128xf32, #tpu.memory_space<vmem>> -> memref<64x4x128xf32, #tpu.memory_space<vmem>>
    %gather3A_1284 = tpu.vector_load_idx %gather3A_1283[%add3A_1247, %broadcast_in_dim3A_1277, %get3A_1249] : memref<64x4x128xf32, #tpu.memory_space<vmem>>[vector<16xi32>, vector<16xi32>, vector<16xi32>], vector<16xf32>,
    %swap3A_1285 = arith.constant 2 : i32
    %swap3A_1286 = arith.index_cast %swap3A_1285 : i32 to index
    %swap3A_1287 = arith.constant 176 : index
    %swap3A_1288 = tpu.vector_load %arg9[%swap3A_1286, %swap3A_1287] {strides = array<i32>} : memref<4x512xf32, #tpu.memory_space<vmem>>, vector<16xf32>,
    tpu.vector_store %arg9[%swap3A_1286, %swap3A_1287], %gather3A_1284 {strides = array<i32>} : memref<4x512xf32, #tpu.memory_space<vmem>>, vector<16xf32>,
    %broadcast_in_dim3A_1289 = arith.constant 3 : i32
    %broadcast_in_dim3A_1290 = vector.broadcast %broadcast_in_dim3A_1289 : i32 to vector<16xi32>
    %gather3A_1291 = arith.constant 0 : i32
    %gather3A_1292 = arith.constant 0 : i32
    %gather3A_1293 = arith.constant 0 : i32
    %gather3A_1294 = arith.constant 0 : i32
    %gather3A_1295 = tpu.memref_slice %arg8[%gather3A_1291, %gather3A_1292, %gather3A_1293, %gather3A_1294] : memref<2x64x4x128xf32, #tpu.memory_space<vmem>> -> memref<1x64x4x128xf32, #tpu.memory_space<vmem>>
    %gather3A_1296 = tpu.memref_squeeze %gather3A_1295 : memref<1x64x4x128xf32, #tpu.memory_space<vmem>> -> memref<64x4x128xf32, #tpu.memory_space<vmem>>
    %gather3A_1297 = tpu.vector_load_idx %gather3A_1296[%add3A_1247, %broadcast_in_dim3A_1290, %get3A_1249] : memref<64x4x128xf32, #tpu.memory_space<vmem>>[vector<16xi32>, vector<16xi32>, vector<16xi32>], vector<16xf32>,
    %swap3A_1298 = arith.constant 3 : i32
    %swap3A_1299 = arith.index_cast %swap3A_1298 : i32 to index
    %swap3A_1300 = arith.constant 176 : index
    %swap3A_1301 = tpu.vector_load %arg9[%swap3A_1299, %swap3A_1300] {strides = array<i32>} : memref<4x512xf32, #tpu.memory_space<vmem>>, vector<16xf32>,
    tpu.vector_store %arg9[%swap3A_1299, %swap3A_1300], %gather3A_1297 {strides = array<i32>} : memref<4x512xf32, #tpu.memory_space<vmem>>, vector<16xf32>,
    %dma_start3A_1302 = arith.constant 4 : i32
    %dma_start3A_1303 = arith.constant 0 : i32
    %dma_start3A_1304 = arith.constant 0 : i32
    %dma_start3A_1305 = arith.constant 0 : i32
    %dma_start3A_1306 = arith.constant 0 : i32
    %dma_start3A_1307 = tpu.memref_slice %arg8[%dma_start3A_1303, %dma_start3A_1304, %dma_start3A_1305, %dma_start3A_1306] : memref<2x64x4x128xf32, #tpu.memory_space<vmem>> -> memref<1x64x4x128xf32, #tpu.memory_space<vmem>>
    %dma_start3A_1308 = tpu.memref_squeeze %dma_start3A_1307 : memref<1x64x4x128xf32, #tpu.memory_space<vmem>> -> memref<64x4x128xf32, #tpu.memory_space<vmem>>
    %dma_start3A_1309 = arith.constant 0 : i32
    %dma_start3A_1310 = tpu.memref_slice %arg6[%dma_start3A_1302, %dma_start3A_1309] : memref<8x64xi32, #tpu.memory_space<vmem>> -> memref<1x64xi32, #tpu.memory_space<vmem>>
    %dma_start3A_1311 = tpu.memref_squeeze %dma_start3A_1310 : memref<1x64xi32, #tpu.memory_space<vmem>> -> memref<64xi32, #tpu.memory_space<vmem>>
    %dma_start3A_1312 = arith.constant 0 : i32
    %dma_start3A_1313 = arith.constant 0 : i32
    %dma_start3A_1314 = arith.constant 0 : i32
    %dma_start3A_1315 = tpu.memref_slice %arg2[%dma_start3A_1312, %dma_start3A_1313, %dma_start3A_1314] : memref<7813x4x128xf32, #tpu.memory_space<hbm>> -> memref<7813x4x128xf32, #tpu.memory_space<hbm>>
    tpu.enqueue_indirect_dma source(%dma_start3A_1315 : memref<7813x4x128xf32, #tpu.memory_space<hbm>>) target(%dma_start3A_1308 : memref<64x4x128xf32, #tpu.memory_space<vmem>>) offsets(%dma_start3A_1311 : memref<64xi32, #tpu.memory_space<vmem>>) semaphore(%arg10 : memref<!tpu.dma_semaphore, #tpu.memory_space<semaphore_mem>>)
    %dma_wait3A_1316 = arith.constant 3 : i32
    %dma_wait3A_1317 = arith.constant 1 : i32
    %dma_wait3A_1318 = arith.constant 0 : i32
    %dma_wait3A_1319 = arith.constant 0 : i32
    %dma_wait3A_1320 = arith.constant 0 : i32
    %dma_wait3A_1321 = tpu.memref_slice %arg8[%dma_wait3A_1317, %dma_wait3A_1318, %dma_wait3A_1319, %dma_wait3A_1320] : memref<2x64x4x128xf32, #tpu.memory_space<vmem>> -> memref<1x64x4x128xf32, #tpu.memory_space<vmem>>
    %dma_wait3A_1322 = tpu.memref_squeeze %dma_wait3A_1321 : memref<1x64x4x128xf32, #tpu.memory_space<vmem>> -> memref<64x4x128xf32, #tpu.memory_space<vmem>>
    %dma_wait3A_1323 = arith.constant 0 : i32
    %dma_wait3A_1324 = tpu.memref_slice %arg6[%dma_wait3A_1316, %dma_wait3A_1323] : memref<8x64xi32, #tpu.memory_space<vmem>> -> memref<1x64xi32, #tpu.memory_space<vmem>>
    %dma_wait3A_1325 = tpu.memref_squeeze %dma_wait3A_1324 : memref<1x64xi32, #tpu.memory_space<vmem>> -> memref<64xi32, #tpu.memory_space<vmem>>
    %dma_wait3A_1326 = arith.constant 0 : i32
    %dma_wait3A_1327 = arith.constant 0 : i32
    %dma_wait3A_1328 = arith.constant 0 : i32
    %dma_wait3A_1329 = tpu.memref_slice %arg2[%dma_wait3A_1326, %dma_wait3A_1327, %dma_wait3A_1328] : memref<7813x4x128xf32, #tpu.memory_space<hbm>> -> memref<7813x4x128xf32, #tpu.memory_space<hbm>>
    tpu.wait_indirect_dma semaphore(%arg11 : memref<!tpu.dma_semaphore, #tpu.memory_space<semaphore_mem>>) src(%dma_wait3A_1329 : memref<7813x4x128xf32, #tpu.memory_space<hbm>>) dst(%dma_wait3A_1322 : memref<64x4x128xf32, #tpu.memory_space<vmem>>)
    %iota3A_1330 = tpu.iota {dimensions = array<i32: 0>} : vector<16xi32>
    %add3A_1331 = arith.constant 0 : i32
    %add3A_1332 = vector.broadcast %add3A_1331 : i32 to vector<16xi32>
    %add3A_1333 = arith.addi %add3A_1332, %iota3A_1330 : vector<16xi32>
    %get3A_1334 = arith.constant 192 : index
    %get3A_1335 = tpu.vector_load %arg7[%get3A_1334] {strides = array<i32>} : memref<512xi32, #tpu.memory_space<vmem>>, vector<16xi32>,
    %broadcast_in_dim3A_1336 = arith.constant 0 : i32
    %broadcast_in_dim3A_1337 = vector.broadcast %broadcast_in_dim3A_1336 : i32 to vector<16xi32>
    %gather3A_1338 = arith.constant 1 : i32
    %gather3A_1339 = arith.constant 0 : i32
    %gather3A_1340 = arith.constant 0 : i32
    %gather3A_1341 = arith.constant 0 : i32
    %gather3A_1342 = tpu.memref_slice %arg8[%gather3A_1338, %gather3A_1339, %gather3A_1340, %gather3A_1341] : memref<2x64x4x128xf32, #tpu.memory_space<vmem>> -> memref<1x64x4x128xf32, #tpu.memory_space<vmem>>
    %gather3A_1343 = tpu.memref_squeeze %gather3A_1342 : memref<1x64x4x128xf32, #tpu.memory_space<vmem>> -> memref<64x4x128xf32, #tpu.memory_space<vmem>>
    %gather3A_1344 = tpu.vector_load_idx %gather3A_1343[%add3A_1333, %broadcast_in_dim3A_1337, %get3A_1335] : memref<64x4x128xf32, #tpu.memory_space<vmem>>[vector<16xi32>, vector<16xi32>, vector<16xi32>], vector<16xf32>,
    %swap3A_1345 = arith.constant 0 : i32
    %swap3A_1346 = arith.index_cast %swap3A_1345 : i32 to index
    %swap3A_1347 = arith.constant 192 : index
    %swap3A_1348 = tpu.vector_load %arg9[%swap3A_1346, %swap3A_1347] {strides = array<i32>} : memref<4x512xf32, #tpu.memory_space<vmem>>, vector<16xf32>,
    tpu.vector_store %arg9[%swap3A_1346, %swap3A_1347], %gather3A_1344 {strides = array<i32>} : memref<4x512xf32, #tpu.memory_space<vmem>>, vector<16xf32>,
    %broadcast_in_dim3A_1349 = arith.constant 1 : i32
    %broadcast_in_dim3A_1350 = vector.broadcast %broadcast_in_dim3A_1349 : i32 to vector<16xi32>
    %gather3A_1351 = arith.constant 1 : i32
    %gather3A_1352 = arith.constant 0 : i32
    %gather3A_1353 = arith.constant 0 : i32
    %gather3A_1354 = arith.constant 0 : i32
    %gather3A_1355 = tpu.memref_slice %arg8[%gather3A_1351, %gather3A_1352, %gather3A_1353, %gather3A_1354] : memref<2x64x4x128xf32, #tpu.memory_space<vmem>> -> memref<1x64x4x128xf32, #tpu.memory_space<vmem>>
    %gather3A_1356 = tpu.memref_squeeze %gather3A_1355 : memref<1x64x4x128xf32, #tpu.memory_space<vmem>> -> memref<64x4x128xf32, #tpu.memory_space<vmem>>
    %gather3A_1357 = tpu.vector_load_idx %gather3A_1356[%add3A_1333, %broadcast_in_dim3A_1350, %get3A_1335] : memref<64x4x128xf32, #tpu.memory_space<vmem>>[vector<16xi32>, vector<16xi32>, vector<16xi32>], vector<16xf32>,
    %swap3A_1358 = arith.constant 1 : i32
    %swap3A_1359 = arith.index_cast %swap3A_1358 : i32 to index
    %swap3A_1360 = arith.constant 192 : index
    %swap3A_1361 = tpu.vector_load %arg9[%swap3A_1359, %swap3A_1360] {strides = array<i32>} : memref<4x512xf32, #tpu.memory_space<vmem>>, vector<16xf32>,
    tpu.vector_store %arg9[%swap3A_1359, %swap3A_1360], %gather3A_1357 {strides = array<i32>} : memref<4x512xf32, #tpu.memory_space<vmem>>, vector<16xf32>,
    %broadcast_in_dim3A_1362 = arith.constant 2 : i32
    %broadcast_in_dim3A_1363 = vector.broadcast %broadcast_in_dim3A_1362 : i32 to vector<16xi32>
    %gather3A_1364 = arith.constant 1 : i32
    %gather3A_1365 = arith.constant 0 : i32
    %gather3A_1366 = arith.constant 0 : i32
    %gather3A_1367 = arith.constant 0 : i32
    %gather3A_1368 = tpu.memref_slice %arg8[%gather3A_1364, %gather3A_1365, %gather3A_1366, %gather3A_1367] : memref<2x64x4x128xf32, #tpu.memory_space<vmem>> -> memref<1x64x4x128xf32, #tpu.memory_space<vmem>>
    %gather3A_1369 = tpu.memref_squeeze %gather3A_1368 : memref<1x64x4x128xf32, #tpu.memory_space<vmem>> -> memref<64x4x128xf32, #tpu.memory_space<vmem>>
    %gather3A_1370 = tpu.vector_load_idx %gather3A_1369[%add3A_1333, %broadcast_in_dim3A_1363, %get3A_1335] : memref<64x4x128xf32, #tpu.memory_space<vmem>>[vector<16xi32>, vector<16xi32>, vector<16xi32>], vector<16xf32>,
    %swap3A_1371 = arith.constant 2 : i32
    %swap3A_1372 = arith.index_cast %swap3A_1371 : i32 to index
    %swap3A_1373 = arith.constant 192 : index
    %swap3A_1374 = tpu.vector_load %arg9[%swap3A_1372, %swap3A_1373] {strides = array<i32>} : memref<4x512xf32, #tpu.memory_space<vmem>>, vector<16xf32>,
    tpu.vector_store %arg9[%swap3A_1372, %swap3A_1373], %gather3A_1370 {strides = array<i32>} : memref<4x512xf32, #tpu.memory_space<vmem>>, vector<16xf32>,
    %broadcast_in_dim3A_1375 = arith.constant 3 : i32
    %broadcast_in_dim3A_1376 = vector.broadcast %broadcast_in_dim3A_1375 : i32 to vector<16xi32>
    %gather3A_1377 = arith.constant 1 : i32
    %gather3A_1378 = arith.constant 0 : i32
    %gather3A_1379 = arith.constant 0 : i32
    %gather3A_1380 = arith.constant 0 : i32
    %gather3A_1381 = tpu.memref_slice %arg8[%gather3A_1377, %gather3A_1378, %gather3A_1379, %gather3A_1380] : memref<2x64x4x128xf32, #tpu.memory_space<vmem>> -> memref<1x64x4x128xf32, #tpu.memory_space<vmem>>
    %gather3A_1382 = tpu.memref_squeeze %gather3A_1381 : memref<1x64x4x128xf32, #tpu.memory_space<vmem>> -> memref<64x4x128xf32, #tpu.memory_space<vmem>>
    %gather3A_1383 = tpu.vector_load_idx %gather3A_1382[%add3A_1333, %broadcast_in_dim3A_1376, %get3A_1335] : memref<64x4x128xf32, #tpu.memory_space<vmem>>[vector<16xi32>, vector<16xi32>, vector<16xi32>], vector<16xf32>,
    %swap3A_1384 = arith.constant 3 : i32
    %swap3A_1385 = arith.index_cast %swap3A_1384 : i32 to index
    %swap3A_1386 = arith.constant 192 : index
    %swap3A_1387 = tpu.vector_load %arg9[%swap3A_1385, %swap3A_1386] {strides = array<i32>} : memref<4x512xf32, #tpu.memory_space<vmem>>, vector<16xf32>,
    tpu.vector_store %arg9[%swap3A_1385, %swap3A_1386], %gather3A_1383 {strides = array<i32>} : memref<4x512xf32, #tpu.memory_space<vmem>>, vector<16xf32>,
    %iota3A_1388 = tpu.iota {dimensions = array<i32: 0>} : vector<16xi32>
    %add3A_1389 = arith.constant 16 : i32
    %add3A_1390 = vector.broadcast %add3A_1389 : i32 to vector<16xi32>
    %add3A_1391 = arith.addi %add3A_1390, %iota3A_1388 : vector<16xi32>
    %get3A_1392 = arith.constant 208 : index
    %get3A_1393 = tpu.vector_load %arg7[%get3A_1392] {strides = array<i32>} : memref<512xi32, #tpu.memory_space<vmem>>, vector<16xi32>,
    %broadcast_in_dim3A_1394 = arith.constant 0 : i32
    %broadcast_in_dim3A_1395 = vector.broadcast %broadcast_in_dim3A_1394 : i32 to vector<16xi32>
    %gather3A_1396 = arith.constant 1 : i32
    %gather3A_1397 = arith.constant 0 : i32
    %gather3A_1398 = arith.constant 0 : i32
    %gather3A_1399 = arith.constant 0 : i32
    %gather3A_1400 = tpu.memref_slice %arg8[%gather3A_1396, %gather3A_1397, %gather3A_1398, %gather3A_1399] : memref<2x64x4x128xf32, #tpu.memory_space<vmem>> -> memref<1x64x4x128xf32, #tpu.memory_space<vmem>>
    %gather3A_1401 = tpu.memref_squeeze %gather3A_1400 : memref<1x64x4x128xf32, #tpu.memory_space<vmem>> -> memref<64x4x128xf32, #tpu.memory_space<vmem>>
    %gather3A_1402 = tpu.vector_load_idx %gather3A_1401[%add3A_1391, %broadcast_in_dim3A_1395, %get3A_1393] : memref<64x4x128xf32, #tpu.memory_space<vmem>>[vector<16xi32>, vector<16xi32>, vector<16xi32>], vector<16xf32>,
    %swap3A_1403 = arith.constant 0 : i32
    %swap3A_1404 = arith.index_cast %swap3A_1403 : i32 to index
    %swap3A_1405 = arith.constant 208 : index
    %swap3A_1406 = tpu.vector_load %arg9[%swap3A_1404, %swap3A_1405] {strides = array<i32>} : memref<4x512xf32, #tpu.memory_space<vmem>>, vector<16xf32>,
    tpu.vector_store %arg9[%swap3A_1404, %swap3A_1405], %gather3A_1402 {strides = array<i32>} : memref<4x512xf32, #tpu.memory_space<vmem>>, vector<16xf32>,
    %broadcast_in_dim3A_1407 = arith.constant 1 : i32
    %broadcast_in_dim3A_1408 = vector.broadcast %broadcast_in_dim3A_1407 : i32 to vector<16xi32>
    %gather3A_1409 = arith.constant 1 : i32
    %gather3A_1410 = arith.constant 0 : i32
    %gather3A_1411 = arith.constant 0 : i32
    %gather3A_1412 = arith.constant 0 : i32
    %gather3A_1413 = tpu.memref_slice %arg8[%gather3A_1409, %gather3A_1410, %gather3A_1411, %gather3A_1412] : memref<2x64x4x128xf32, #tpu.memory_space<vmem>> -> memref<1x64x4x128xf32, #tpu.memory_space<vmem>>
    %gather3A_1414 = tpu.memref_squeeze %gather3A_1413 : memref<1x64x4x128xf32, #tpu.memory_space<vmem>> -> memref<64x4x128xf32, #tpu.memory_space<vmem>>
    %gather3A_1415 = tpu.vector_load_idx %gather3A_1414[%add3A_1391, %broadcast_in_dim3A_1408, %get3A_1393] : memref<64x4x128xf32, #tpu.memory_space<vmem>>[vector<16xi32>, vector<16xi32>, vector<16xi32>], vector<16xf32>,
    %swap3A_1416 = arith.constant 1 : i32
    %swap3A_1417 = arith.index_cast %swap3A_1416 : i32 to index
    %swap3A_1418 = arith.constant 208 : index
    %swap3A_1419 = tpu.vector_load %arg9[%swap3A_1417, %swap3A_1418] {strides = array<i32>} : memref<4x512xf32, #tpu.memory_space<vmem>>, vector<16xf32>,
    tpu.vector_store %arg9[%swap3A_1417, %swap3A_1418], %gather3A_1415 {strides = array<i32>} : memref<4x512xf32, #tpu.memory_space<vmem>>, vector<16xf32>,
    %broadcast_in_dim3A_1420 = arith.constant 2 : i32
    %broadcast_in_dim3A_1421 = vector.broadcast %broadcast_in_dim3A_1420 : i32 to vector<16xi32>
    %gather3A_1422 = arith.constant 1 : i32
    %gather3A_1423 = arith.constant 0 : i32
    %gather3A_1424 = arith.constant 0 : i32
    %gather3A_1425 = arith.constant 0 : i32
    %gather3A_1426 = tpu.memref_slice %arg8[%gather3A_1422, %gather3A_1423, %gather3A_1424, %gather3A_1425] : memref<2x64x4x128xf32, #tpu.memory_space<vmem>> -> memref<1x64x4x128xf32, #tpu.memory_space<vmem>>
    %gather3A_1427 = tpu.memref_squeeze %gather3A_1426 : memref<1x64x4x128xf32, #tpu.memory_space<vmem>> -> memref<64x4x128xf32, #tpu.memory_space<vmem>>
    %gather3A_1428 = tpu.vector_load_idx %gather3A_1427[%add3A_1391, %broadcast_in_dim3A_1421, %get3A_1393] : memref<64x4x128xf32, #tpu.memory_space<vmem>>[vector<16xi32>, vector<16xi32>, vector<16xi32>], vector<16xf32>,
    %swap3A_1429 = arith.constant 2 : i32
    %swap3A_1430 = arith.index_cast %swap3A_1429 : i32 to index
    %swap3A_1431 = arith.constant 208 : index
    %swap3A_1432 = tpu.vector_load %arg9[%swap3A_1430, %swap3A_1431] {strides = array<i32>} : memref<4x512xf32, #tpu.memory_space<vmem>>, vector<16xf32>,
    tpu.vector_store %arg9[%swap3A_1430, %swap3A_1431], %gather3A_1428 {strides = array<i32>} : memref<4x512xf32, #tpu.memory_space<vmem>>, vector<16xf32>,
    %broadcast_in_dim3A_1433 = arith.constant 3 : i32
    %broadcast_in_dim3A_1434 = vector.broadcast %broadcast_in_dim3A_1433 : i32 to vector<16xi32>
    %gather3A_1435 = arith.constant 1 : i32
    %gather3A_1436 = arith.constant 0 : i32
    %gather3A_1437 = arith.constant 0 : i32
    %gather3A_1438 = arith.constant 0 : i32
    %gather3A_1439 = tpu.memref_slice %arg8[%gather3A_1435, %gather3A_1436, %gather3A_1437, %gather3A_1438] : memref<2x64x4x128xf32, #tpu.memory_space<vmem>> -> memref<1x64x4x128xf32, #tpu.memory_space<vmem>>
    %gather3A_1440 = tpu.memref_squeeze %gather3A_1439 : memref<1x64x4x128xf32, #tpu.memory_space<vmem>> -> memref<64x4x128xf32, #tpu.memory_space<vmem>>
    %gather3A_1441 = tpu.vector_load_idx %gather3A_1440[%add3A_1391, %broadcast_in_dim3A_1434, %get3A_1393] : memref<64x4x128xf32, #tpu.memory_space<vmem>>[vector<16xi32>, vector<16xi32>, vector<16xi32>], vector<16xf32>,
    %swap3A_1442 = arith.constant 3 : i32
    %swap3A_1443 = arith.index_cast %swap3A_1442 : i32 to index
    %swap3A_1444 = arith.constant 208 : index
    %swap3A_1445 = tpu.vector_load %arg9[%swap3A_1443, %swap3A_1444] {strides = array<i32>} : memref<4x512xf32, #tpu.memory_space<vmem>>, vector<16xf32>,
    tpu.vector_store %arg9[%swap3A_1443, %swap3A_1444], %gather3A_1441 {strides = array<i32>} : memref<4x512xf32, #tpu.memory_space<vmem>>, vector<16xf32>,
    %iota3A_1446 = tpu.iota {dimensions = array<i32: 0>} : vector<16xi32>
    %add3A_1447 = arith.constant 32 : i32
    %add3A_1448 = vector.broadcast %add3A_1447 : i32 to vector<16xi32>
    %add3A_1449 = arith.addi %add3A_1448, %iota3A_1446 : vector<16xi32>
    %get3A_1450 = arith.constant 224 : index
    %get3A_1451 = tpu.vector_load %arg7[%get3A_1450] {strides = array<i32>} : memref<512xi32, #tpu.memory_space<vmem>>, vector<16xi32>,
    %broadcast_in_dim3A_1452 = arith.constant 0 : i32
    %broadcast_in_dim3A_1453 = vector.broadcast %broadcast_in_dim3A_1452 : i32 to vector<16xi32>
    %gather3A_1454 = arith.constant 1 : i32
    %gather3A_1455 = arith.constant 0 : i32
    %gather3A_1456 = arith.constant 0 : i32
    %gather3A_1457 = arith.constant 0 : i32
    %gather3A_1458 = tpu.memref_slice %arg8[%gather3A_1454, %gather3A_1455, %gather3A_1456, %gather3A_1457] : memref<2x64x4x128xf32, #tpu.memory_space<vmem>> -> memref<1x64x4x128xf32, #tpu.memory_space<vmem>>
    %gather3A_1459 = tpu.memref_squeeze %gather3A_1458 : memref<1x64x4x128xf32, #tpu.memory_space<vmem>> -> memref<64x4x128xf32, #tpu.memory_space<vmem>>
    %gather3A_1460 = tpu.vector_load_idx %gather3A_1459[%add3A_1449, %broadcast_in_dim3A_1453, %get3A_1451] : memref<64x4x128xf32, #tpu.memory_space<vmem>>[vector<16xi32>, vector<16xi32>, vector<16xi32>], vector<16xf32>,
    %swap3A_1461 = arith.constant 0 : i32
    %swap3A_1462 = arith.index_cast %swap3A_1461 : i32 to index
    %swap3A_1463 = arith.constant 224 : index
    %swap3A_1464 = tpu.vector_load %arg9[%swap3A_1462, %swap3A_1463] {strides = array<i32>} : memref<4x512xf32, #tpu.memory_space<vmem>>, vector<16xf32>,
    tpu.vector_store %arg9[%swap3A_1462, %swap3A_1463], %gather3A_1460 {strides = array<i32>} : memref<4x512xf32, #tpu.memory_space<vmem>>, vector<16xf32>,
    %broadcast_in_dim3A_1465 = arith.constant 1 : i32
    %broadcast_in_dim3A_1466 = vector.broadcast %broadcast_in_dim3A_1465 : i32 to vector<16xi32>
    %gather3A_1467 = arith.constant 1 : i32
    %gather3A_1468 = arith.constant 0 : i32
    %gather3A_1469 = arith.constant 0 : i32
    %gather3A_1470 = arith.constant 0 : i32
    %gather3A_1471 = tpu.memref_slice %arg8[%gather3A_1467, %gather3A_1468, %gather3A_1469, %gather3A_1470] : memref<2x64x4x128xf32, #tpu.memory_space<vmem>> -> memref<1x64x4x128xf32, #tpu.memory_space<vmem>>
    %gather3A_1472 = tpu.memref_squeeze %gather3A_1471 : memref<1x64x4x128xf32, #tpu.memory_space<vmem>> -> memref<64x4x128xf32, #tpu.memory_space<vmem>>
    %gather3A_1473 = tpu.vector_load_idx %gather3A_1472[%add3A_1449, %broadcast_in_dim3A_1466, %get3A_1451] : memref<64x4x128xf32, #tpu.memory_space<vmem>>[vector<16xi32>, vector<16xi32>, vector<16xi32>], vector<16xf32>,
    %swap3A_1474 = arith.constant 1 : i32
    %swap3A_1475 = arith.index_cast %swap3A_1474 : i32 to index
    %swap3A_1476 = arith.constant 224 : index
    %swap3A_1477 = tpu.vector_load %arg9[%swap3A_1475, %swap3A_1476] {strides = array<i32>} : memref<4x512xf32, #tpu.memory_space<vmem>>, vector<16xf32>,
    tpu.vector_store %arg9[%swap3A_1475, %swap3A_1476], %gather3A_1473 {strides = array<i32>} : memref<4x512xf32, #tpu.memory_space<vmem>>, vector<16xf32>,
    %broadcast_in_dim3A_1478 = arith.constant 2 : i32
    %broadcast_in_dim3A_1479 = vector.broadcast %broadcast_in_dim3A_1478 : i32 to vector<16xi32>
    %gather3A_1480 = arith.constant 1 : i32
    %gather3A_1481 = arith.constant 0 : i32
    %gather3A_1482 = arith.constant 0 : i32
    %gather3A_1483 = arith.constant 0 : i32
    %gather3A_1484 = tpu.memref_slice %arg8[%gather3A_1480, %gather3A_1481, %gather3A_1482, %gather3A_1483] : memref<2x64x4x128xf32, #tpu.memory_space<vmem>> -> memref<1x64x4x128xf32, #tpu.memory_space<vmem>>
    %gather3A_1485 = tpu.memref_squeeze %gather3A_1484 : memref<1x64x4x128xf32, #tpu.memory_space<vmem>> -> memref<64x4x128xf32, #tpu.memory_space<vmem>>
    %gather3A_1486 = tpu.vector_load_idx %gather3A_1485[%add3A_1449, %broadcast_in_dim3A_1479, %get3A_1451] : memref<64x4x128xf32, #tpu.memory_space<vmem>>[vector<16xi32>, vector<16xi32>, vector<16xi32>], vector<16xf32>,
    %swap3A_1487 = arith.constant 2 : i32
    %swap3A_1488 = arith.index_cast %swap3A_1487 : i32 to index
    %swap3A_1489 = arith.constant 224 : index
    %swap3A_1490 = tpu.vector_load %arg9[%swap3A_1488, %swap3A_1489] {strides = array<i32>} : memref<4x512xf32, #tpu.memory_space<vmem>>, vector<16xf32>,
    tpu.vector_store %arg9[%swap3A_1488, %swap3A_1489], %gather3A_1486 {strides = array<i32>} : memref<4x512xf32, #tpu.memory_space<vmem>>, vector<16xf32>,
    %broadcast_in_dim3A_1491 = arith.constant 3 : i32
    %broadcast_in_dim3A_1492 = vector.broadcast %broadcast_in_dim3A_1491 : i32 to vector<16xi32>
    %gather3A_1493 = arith.constant 1 : i32
    %gather3A_1494 = arith.constant 0 : i32
    %gather3A_1495 = arith.constant 0 : i32
    %gather3A_1496 = arith.constant 0 : i32
    %gather3A_1497 = tpu.memref_slice %arg8[%gather3A_1493, %gather3A_1494, %gather3A_1495, %gather3A_1496] : memref<2x64x4x128xf32, #tpu.memory_space<vmem>> -> memref<1x64x4x128xf32, #tpu.memory_space<vmem>>
    %gather3A_1498 = tpu.memref_squeeze %gather3A_1497 : memref<1x64x4x128xf32, #tpu.memory_space<vmem>> -> memref<64x4x128xf32, #tpu.memory_space<vmem>>
    %gather3A_1499 = tpu.vector_load_idx %gather3A_1498[%add3A_1449, %broadcast_in_dim3A_1492, %get3A_1451] : memref<64x4x128xf32, #tpu.memory_space<vmem>>[vector<16xi32>, vector<16xi32>, vector<16xi32>], vector<16xf32>,
    %swap3A_1500 = arith.constant 3 : i32
    %swap3A_1501 = arith.index_cast %swap3A_1500 : i32 to index
    %swap3A_1502 = arith.constant 224 : index
    %swap3A_1503 = tpu.vector_load %arg9[%swap3A_1501, %swap3A_1502] {strides = array<i32>} : memref<4x512xf32, #tpu.memory_space<vmem>>, vector<16xf32>,
    tpu.vector_store %arg9[%swap3A_1501, %swap3A_1502], %gather3A_1499 {strides = array<i32>} : memref<4x512xf32, #tpu.memory_space<vmem>>, vector<16xf32>,
    %iota3A_1504 = tpu.iota {dimensions = array<i32: 0>} : vector<16xi32>
    %add3A_1505 = arith.constant 48 : i32
    %add3A_1506 = vector.broadcast %add3A_1505 : i32 to vector<16xi32>
    %add3A_1507 = arith.addi %add3A_1506, %iota3A_1504 : vector<16xi32>
    %get3A_1508 = arith.constant 240 : index
    %get3A_1509 = tpu.vector_load %arg7[%get3A_1508] {strides = array<i32>} : memref<512xi32, #tpu.memory_space<vmem>>, vector<16xi32>,
    %broadcast_in_dim3A_1510 = arith.constant 0 : i32
    %broadcast_in_dim3A_1511 = vector.broadcast %broadcast_in_dim3A_1510 : i32 to vector<16xi32>
    %gather3A_1512 = arith.constant 1 : i32
    %gather3A_1513 = arith.constant 0 : i32
    %gather3A_1514 = arith.constant 0 : i32
    %gather3A_1515 = arith.constant 0 : i32
    %gather3A_1516 = tpu.memref_slice %arg8[%gather3A_1512, %gather3A_1513, %gather3A_1514, %gather3A_1515] : memref<2x64x4x128xf32, #tpu.memory_space<vmem>> -> memref<1x64x4x128xf32, #tpu.memory_space<vmem>>
    %gather3A_1517 = tpu.memref_squeeze %gather3A_1516 : memref<1x64x4x128xf32, #tpu.memory_space<vmem>> -> memref<64x4x128xf32, #tpu.memory_space<vmem>>
    %gather3A_1518 = tpu.vector_load_idx %gather3A_1517[%add3A_1507, %broadcast_in_dim3A_1511, %get3A_1509] : memref<64x4x128xf32, #tpu.memory_space<vmem>>[vector<16xi32>, vector<16xi32>, vector<16xi32>], vector<16xf32>,
    %swap3A_1519 = arith.constant 0 : i32
    %swap3A_1520 = arith.index_cast %swap3A_1519 : i32 to index
    %swap3A_1521 = arith.constant 240 : index
    %swap3A_1522 = tpu.vector_load %arg9[%swap3A_1520, %swap3A_1521] {strides = array<i32>} : memref<4x512xf32, #tpu.memory_space<vmem>>, vector<16xf32>,
    tpu.vector_store %arg9[%swap3A_1520, %swap3A_1521], %gather3A_1518 {strides = array<i32>} : memref<4x512xf32, #tpu.memory_space<vmem>>, vector<16xf32>,
    %broadcast_in_dim3A_1523 = arith.constant 1 : i32
    %broadcast_in_dim3A_1524 = vector.broadcast %broadcast_in_dim3A_1523 : i32 to vector<16xi32>
    %gather3A_1525 = arith.constant 1 : i32
    %gather3A_1526 = arith.constant 0 : i32
    %gather3A_1527 = arith.constant 0 : i32
    %gather3A_1528 = arith.constant 0 : i32
    %gather3A_1529 = tpu.memref_slice %arg8[%gather3A_1525, %gather3A_1526, %gather3A_1527, %gather3A_1528] : memref<2x64x4x128xf32, #tpu.memory_space<vmem>> -> memref<1x64x4x128xf32, #tpu.memory_space<vmem>>
    %gather3A_1530 = tpu.memref_squeeze %gather3A_1529 : memref<1x64x4x128xf32, #tpu.memory_space<vmem>> -> memref<64x4x128xf32, #tpu.memory_space<vmem>>
    %gather3A_1531 = tpu.vector_load_idx %gather3A_1530[%add3A_1507, %broadcast_in_dim3A_1524, %get3A_1509] : memref<64x4x128xf32, #tpu.memory_space<vmem>>[vector<16xi32>, vector<16xi32>, vector<16xi32>], vector<16xf32>,
    %swap3A_1532 = arith.constant 1 : i32
    %swap3A_1533 = arith.index_cast %swap3A_1532 : i32 to index
    %swap3A_1534 = arith.constant 240 : index
    %swap3A_1535 = tpu.vector_load %arg9[%swap3A_1533, %swap3A_1534] {strides = array<i32>} : memref<4x512xf32, #tpu.memory_space<vmem>>, vector<16xf32>,
    tpu.vector_store %arg9[%swap3A_1533, %swap3A_1534], %gather3A_1531 {strides = array<i32>} : memref<4x512xf32, #tpu.memory_space<vmem>>, vector<16xf32>,
    %broadcast_in_dim3A_1536 = arith.constant 2 : i32
    %broadcast_in_dim3A_1537 = vector.broadcast %broadcast_in_dim3A_1536 : i32 to vector<16xi32>
    %gather3A_1538 = arith.constant 1 : i32
    %gather3A_1539 = arith.constant 0 : i32
    %gather3A_1540 = arith.constant 0 : i32
    %gather3A_1541 = arith.constant 0 : i32
    %gather3A_1542 = tpu.memref_slice %arg8[%gather3A_1538, %gather3A_1539, %gather3A_1540, %gather3A_1541] : memref<2x64x4x128xf32, #tpu.memory_space<vmem>> -> memref<1x64x4x128xf32, #tpu.memory_space<vmem>>
    %gather3A_1543 = tpu.memref_squeeze %gather3A_1542 : memref<1x64x4x128xf32, #tpu.memory_space<vmem>> -> memref<64x4x128xf32, #tpu.memory_space<vmem>>
    %gather3A_1544 = tpu.vector_load_idx %gather3A_1543[%add3A_1507, %broadcast_in_dim3A_1537, %get3A_1509] : memref<64x4x128xf32, #tpu.memory_space<vmem>>[vector<16xi32>, vector<16xi32>, vector<16xi32>], vector<16xf32>,
    %swap3A_1545 = arith.constant 2 : i32
    %swap3A_1546 = arith.index_cast %swap3A_1545 : i32 to index
    %swap3A_1547 = arith.constant 240 : index
    %swap3A_1548 = tpu.vector_load %arg9[%swap3A_1546, %swap3A_1547] {strides = array<i32>} : memref<4x512xf32, #tpu.memory_space<vmem>>, vector<16xf32>,
    tpu.vector_store %arg9[%swap3A_1546, %swap3A_1547], %gather3A_1544 {strides = array<i32>} : memref<4x512xf32, #tpu.memory_space<vmem>>, vector<16xf32>,
    %broadcast_in_dim3A_1549 = arith.constant 3 : i32
    %broadcast_in_dim3A_1550 = vector.broadcast %broadcast_in_dim3A_1549 : i32 to vector<16xi32>
    %gather3A_1551 = arith.constant 1 : i32
    %gather3A_1552 = arith.constant 0 : i32
    %gather3A_1553 = arith.constant 0 : i32
    %gather3A_1554 = arith.constant 0 : i32
    %gather3A_1555 = tpu.memref_slice %arg8[%gather3A_1551, %gather3A_1552, %gather3A_1553, %gather3A_1554] : memref<2x64x4x128xf32, #tpu.memory_space<vmem>> -> memref<1x64x4x128xf32, #tpu.memory_space<vmem>>
    %gather3A_1556 = tpu.memref_squeeze %gather3A_1555 : memref<1x64x4x128xf32, #tpu.memory_space<vmem>> -> memref<64x4x128xf32, #tpu.memory_space<vmem>>
    %gather3A_1557 = tpu.vector_load_idx %gather3A_1556[%add3A_1507, %broadcast_in_dim3A_1550, %get3A_1509] : memref<64x4x128xf32, #tpu.memory_space<vmem>>[vector<16xi32>, vector<16xi32>, vector<16xi32>], vector<16xf32>,
    %swap3A_1558 = arith.constant 3 : i32
    %swap3A_1559 = arith.index_cast %swap3A_1558 : i32 to index
    %swap3A_1560 = arith.constant 240 : index
    %swap3A_1561 = tpu.vector_load %arg9[%swap3A_1559, %swap3A_1560] {strides = array<i32>} : memref<4x512xf32, #tpu.memory_space<vmem>>, vector<16xf32>,
    tpu.vector_store %arg9[%swap3A_1559, %swap3A_1560], %gather3A_1557 {strides = array<i32>} : memref<4x512xf32, #tpu.memory_space<vmem>>, vector<16xf32>,
    %dma_start3A_1562 = arith.constant 5 : i32
    %dma_start3A_1563 = arith.constant 1 : i32
    %dma_start3A_1564 = arith.constant 0 : i32
    %dma_start3A_1565 = arith.constant 0 : i32
    %dma_start3A_1566 = arith.constant 0 : i32
    %dma_start3A_1567 = tpu.memref_slice %arg8[%dma_start3A_1563, %dma_start3A_1564, %dma_start3A_1565, %dma_start3A_1566] : memref<2x64x4x128xf32, #tpu.memory_space<vmem>> -> memref<1x64x4x128xf32, #tpu.memory_space<vmem>>
    %dma_start3A_1568 = tpu.memref_squeeze %dma_start3A_1567 : memref<1x64x4x128xf32, #tpu.memory_space<vmem>> -> memref<64x4x128xf32, #tpu.memory_space<vmem>>
    %dma_start3A_1569 = arith.constant 0 : i32
    %dma_start3A_1570 = tpu.memref_slice %arg6[%dma_start3A_1562, %dma_start3A_1569] : memref<8x64xi32, #tpu.memory_space<vmem>> -> memref<1x64xi32, #tpu.memory_space<vmem>>
    %dma_start3A_1571 = tpu.memref_squeeze %dma_start3A_1570 : memref<1x64xi32, #tpu.memory_space<vmem>> -> memref<64xi32, #tpu.memory_space<vmem>>
    %dma_start3A_1572 = arith.constant 0 : i32
    %dma_start3A_1573 = arith.constant 0 : i32
    %dma_start3A_1574 = arith.constant 0 : i32
    %dma_start3A_1575 = tpu.memref_slice %arg2[%dma_start3A_1572, %dma_start3A_1573, %dma_start3A_1574] : memref<7813x4x128xf32, #tpu.memory_space<hbm>> -> memref<7813x4x128xf32, #tpu.memory_space<hbm>>
    tpu.enqueue_indirect_dma source(%dma_start3A_1575 : memref<7813x4x128xf32, #tpu.memory_space<hbm>>) target(%dma_start3A_1568 : memref<64x4x128xf32, #tpu.memory_space<vmem>>) offsets(%dma_start3A_1571 : memref<64xi32, #tpu.memory_space<vmem>>) semaphore(%arg11 : memref<!tpu.dma_semaphore, #tpu.memory_space<semaphore_mem>>)
    %dma_wait3A_1576 = arith.constant 4 : i32
    %dma_wait3A_1577 = arith.constant 0 : i32
    %dma_wait3A_1578 = arith.constant 0 : i32
    %dma_wait3A_1579 = arith.constant 0 : i32
    %dma_wait3A_1580 = arith.constant 0 : i32
    %dma_wait3A_1581 = tpu.memref_slice %arg8[%dma_wait3A_1577, %dma_wait3A_1578, %dma_wait3A_1579, %dma_wait3A_1580] : memref<2x64x4x128xf32, #tpu.memory_space<vmem>> -> memref<1x64x4x128xf32, #tpu.memory_space<vmem>>
    %dma_wait3A_1582 = tpu.memref_squeeze %dma_wait3A_1581 : memref<1x64x4x128xf32, #tpu.memory_space<vmem>> -> memref<64x4x128xf32, #tpu.memory_space<vmem>>
    %dma_wait3A_1583 = arith.constant 0 : i32
    %dma_wait3A_1584 = tpu.memref_slice %arg6[%dma_wait3A_1576, %dma_wait3A_1583] : memref<8x64xi32, #tpu.memory_space<vmem>> -> memref<1x64xi32, #tpu.memory_space<vmem>>
    %dma_wait3A_1585 = tpu.memref_squeeze %dma_wait3A_1584 : memref<1x64xi32, #tpu.memory_space<vmem>> -> memref<64xi32, #tpu.memory_space<vmem>>
    %dma_wait3A_1586 = arith.constant 0 : i32
    %dma_wait3A_1587 = arith.constant 0 : i32
    %dma_wait3A_1588 = arith.constant 0 : i32
    %dma_wait3A_1589 = tpu.memref_slice %arg2[%dma_wait3A_1586, %dma_wait3A_1587, %dma_wait3A_1588] : memref<7813x4x128xf32, #tpu.memory_space<hbm>> -> memref<7813x4x128xf32, #tpu.memory_space<hbm>>
    tpu.wait_indirect_dma semaphore(%arg10 : memref<!tpu.dma_semaphore, #tpu.memory_space<semaphore_mem>>) src(%dma_wait3A_1589 : memref<7813x4x128xf32, #tpu.memory_space<hbm>>) dst(%dma_wait3A_1582 : memref<64x4x128xf32, #tpu.memory_space<vmem>>)
    %iota3A_1590 = tpu.iota {dimensions = array<i32: 0>} : vector<16xi32>
    %add3A_1591 = arith.constant 0 : i32
    %add3A_1592 = vector.broadcast %add3A_1591 : i32 to vector<16xi32>
    %add3A_1593 = arith.addi %add3A_1592, %iota3A_1590 : vector<16xi32>
    %get3A_1594 = arith.constant 256 : index
    %get3A_1595 = tpu.vector_load %arg7[%get3A_1594] {strides = array<i32>} : memref<512xi32, #tpu.memory_space<vmem>>, vector<16xi32>,
    %broadcast_in_dim3A_1596 = arith.constant 0 : i32
    %broadcast_in_dim3A_1597 = vector.broadcast %broadcast_in_dim3A_1596 : i32 to vector<16xi32>
    %gather3A_1598 = arith.constant 0 : i32
    %gather3A_1599 = arith.constant 0 : i32
    %gather3A_1600 = arith.constant 0 : i32
    %gather3A_1601 = arith.constant 0 : i32
    %gather3A_1602 = tpu.memref_slice %arg8[%gather3A_1598, %gather3A_1599, %gather3A_1600, %gather3A_1601] : memref<2x64x4x128xf32, #tpu.memory_space<vmem>> -> memref<1x64x4x128xf32, #tpu.memory_space<vmem>>
    %gather3A_1603 = tpu.memref_squeeze %gather3A_1602 : memref<1x64x4x128xf32, #tpu.memory_space<vmem>> -> memref<64x4x128xf32, #tpu.memory_space<vmem>>
    %gather3A_1604 = tpu.vector_load_idx %gather3A_1603[%add3A_1593, %broadcast_in_dim3A_1597, %get3A_1595] : memref<64x4x128xf32, #tpu.memory_space<vmem>>[vector<16xi32>, vector<16xi32>, vector<16xi32>], vector<16xf32>,
    %swap3A_1605 = arith.constant 0 : i32
    %swap3A_1606 = arith.index_cast %swap3A_1605 : i32 to index
    %swap3A_1607 = arith.constant 256 : index
    %swap3A_1608 = tpu.vector_load %arg9[%swap3A_1606, %swap3A_1607] {strides = array<i32>} : memref<4x512xf32, #tpu.memory_space<vmem>>, vector<16xf32>,
    tpu.vector_store %arg9[%swap3A_1606, %swap3A_1607], %gather3A_1604 {strides = array<i32>} : memref<4x512xf32, #tpu.memory_space<vmem>>, vector<16xf32>,
    %broadcast_in_dim3A_1609 = arith.constant 1 : i32
    %broadcast_in_dim3A_1610 = vector.broadcast %broadcast_in_dim3A_1609 : i32 to vector<16xi32>
    %gather3A_1611 = arith.constant 0 : i32
    %gather3A_1612 = arith.constant 0 : i32
    %gather3A_1613 = arith.constant 0 : i32
    %gather3A_1614 = arith.constant 0 : i32
    %gather3A_1615 = tpu.memref_slice %arg8[%gather3A_1611, %gather3A_1612, %gather3A_1613, %gather3A_1614] : memref<2x64x4x128xf32, #tpu.memory_space<vmem>> -> memref<1x64x4x128xf32, #tpu.memory_space<vmem>>
    %gather3A_1616 = tpu.memref_squeeze %gather3A_1615 : memref<1x64x4x128xf32, #tpu.memory_space<vmem>> -> memref<64x4x128xf32, #tpu.memory_space<vmem>>
    %gather3A_1617 = tpu.vector_load_idx %gather3A_1616[%add3A_1593, %broadcast_in_dim3A_1610, %get3A_1595] : memref<64x4x128xf32, #tpu.memory_space<vmem>>[vector<16xi32>, vector<16xi32>, vector<16xi32>], vector<16xf32>,
    %swap3A_1618 = arith.constant 1 : i32
    %swap3A_1619 = arith.index_cast %swap3A_1618 : i32 to index
    %swap3A_1620 = arith.constant 256 : index
    %swap3A_1621 = tpu.vector_load %arg9[%swap3A_1619, %swap3A_1620] {strides = array<i32>} : memref<4x512xf32, #tpu.memory_space<vmem>>, vector<16xf32>,
    tpu.vector_store %arg9[%swap3A_1619, %swap3A_1620], %gather3A_1617 {strides = array<i32>} : memref<4x512xf32, #tpu.memory_space<vmem>>, vector<16xf32>,
    %broadcast_in_dim3A_1622 = arith.constant 2 : i32
    %broadcast_in_dim3A_1623 = vector.broadcast %broadcast_in_dim3A_1622 : i32 to vector<16xi32>
    %gather3A_1624 = arith.constant 0 : i32
    %gather3A_1625 = arith.constant 0 : i32
    %gather3A_1626 = arith.constant 0 : i32
    %gather3A_1627 = arith.constant 0 : i32
    %gather3A_1628 = tpu.memref_slice %arg8[%gather3A_1624, %gather3A_1625, %gather3A_1626, %gather3A_1627] : memref<2x64x4x128xf32, #tpu.memory_space<vmem>> -> memref<1x64x4x128xf32, #tpu.memory_space<vmem>>
    %gather3A_1629 = tpu.memref_squeeze %gather3A_1628 : memref<1x64x4x128xf32, #tpu.memory_space<vmem>> -> memref<64x4x128xf32, #tpu.memory_space<vmem>>
    %gather3A_1630 = tpu.vector_load_idx %gather3A_1629[%add3A_1593, %broadcast_in_dim3A_1623, %get3A_1595] : memref<64x4x128xf32, #tpu.memory_space<vmem>>[vector<16xi32>, vector<16xi32>, vector<16xi32>], vector<16xf32>,
    %swap3A_1631 = arith.constant 2 : i32
    %swap3A_1632 = arith.index_cast %swap3A_1631 : i32 to index
    %swap3A_1633 = arith.constant 256 : index
    %swap3A_1634 = tpu.vector_load %arg9[%swap3A_1632, %swap3A_1633] {strides = array<i32>} : memref<4x512xf32, #tpu.memory_space<vmem>>, vector<16xf32>,
    tpu.vector_store %arg9[%swap3A_1632, %swap3A_1633], %gather3A_1630 {strides = array<i32>} : memref<4x512xf32, #tpu.memory_space<vmem>>, vector<16xf32>,
    %broadcast_in_dim3A_1635 = arith.constant 3 : i32
    %broadcast_in_dim3A_1636 = vector.broadcast %broadcast_in_dim3A_1635 : i32 to vector<16xi32>
    %gather3A_1637 = arith.constant 0 : i32
    %gather3A_1638 = arith.constant 0 : i32
    %gather3A_1639 = arith.constant 0 : i32
    %gather3A_1640 = arith.constant 0 : i32
    %gather3A_1641 = tpu.memref_slice %arg8[%gather3A_1637, %gather3A_1638, %gather3A_1639, %gather3A_1640] : memref<2x64x4x128xf32, #tpu.memory_space<vmem>> -> memref<1x64x4x128xf32, #tpu.memory_space<vmem>>
    %gather3A_1642 = tpu.memref_squeeze %gather3A_1641 : memref<1x64x4x128xf32, #tpu.memory_space<vmem>> -> memref<64x4x128xf32, #tpu.memory_space<vmem>>
    %gather3A_1643 = tpu.vector_load_idx %gather3A_1642[%add3A_1593, %broadcast_in_dim3A_1636, %get3A_1595] : memref<64x4x128xf32, #tpu.memory_space<vmem>>[vector<16xi32>, vector<16xi32>, vector<16xi32>], vector<16xf32>,
    %swap3A_1644 = arith.constant 3 : i32
    %swap3A_1645 = arith.index_cast %swap3A_1644 : i32 to index
    %swap3A_1646 = arith.constant 256 : index
    %swap3A_1647 = tpu.vector_load %arg9[%swap3A_1645, %swap3A_1646] {strides = array<i32>} : memref<4x512xf32, #tpu.memory_space<vmem>>, vector<16xf32>,
    tpu.vector_store %arg9[%swap3A_1645, %swap3A_1646], %gather3A_1643 {strides = array<i32>} : memref<4x512xf32, #tpu.memory_space<vmem>>, vector<16xf32>,
    %iota3A_1648 = tpu.iota {dimensions = array<i32: 0>} : vector<16xi32>
    %add3A_1649 = arith.constant 16 : i32
    %add3A_1650 = vector.broadcast %add3A_1649 : i32 to vector<16xi32>
    %add3A_1651 = arith.addi %add3A_1650, %iota3A_1648 : vector<16xi32>
    %get3A_1652 = arith.constant 272 : index
    %get3A_1653 = tpu.vector_load %arg7[%get3A_1652] {strides = array<i32>} : memref<512xi32, #tpu.memory_space<vmem>>, vector<16xi32>,
    %broadcast_in_dim3A_1654 = arith.constant 0 : i32
    %broadcast_in_dim3A_1655 = vector.broadcast %broadcast_in_dim3A_1654 : i32 to vector<16xi32>
    %gather3A_1656 = arith.constant 0 : i32
    %gather3A_1657 = arith.constant 0 : i32
    %gather3A_1658 = arith.constant 0 : i32
    %gather3A_1659 = arith.constant 0 : i32
    %gather3A_1660 = tpu.memref_slice %arg8[%gather3A_1656, %gather3A_1657, %gather3A_1658, %gather3A_1659] : memref<2x64x4x128xf32, #tpu.memory_space<vmem>> -> memref<1x64x4x128xf32, #tpu.memory_space<vmem>>
    %gather3A_1661 = tpu.memref_squeeze %gather3A_1660 : memref<1x64x4x128xf32, #tpu.memory_space<vmem>> -> memref<64x4x128xf32, #tpu.memory_space<vmem>>
    %gather3A_1662 = tpu.vector_load_idx %gather3A_1661[%add3A_1651, %broadcast_in_dim3A_1655, %get3A_1653] : memref<64x4x128xf32, #tpu.memory_space<vmem>>[vector<16xi32>, vector<16xi32>, vector<16xi32>], vector<16xf32>,
    %swap3A_1663 = arith.constant 0 : i32
    %swap3A_1664 = arith.index_cast %swap3A_1663 : i32 to index
    %swap3A_1665 = arith.constant 272 : index
    %swap3A_1666 = tpu.vector_load %arg9[%swap3A_1664, %swap3A_1665] {strides = array<i32>} : memref<4x512xf32, #tpu.memory_space<vmem>>, vector<16xf32>,
    tpu.vector_store %arg9[%swap3A_1664, %swap3A_1665], %gather3A_1662 {strides = array<i32>} : memref<4x512xf32, #tpu.memory_space<vmem>>, vector<16xf32>,
    %broadcast_in_dim3A_1667 = arith.constant 1 : i32
    %broadcast_in_dim3A_1668 = vector.broadcast %broadcast_in_dim3A_1667 : i32 to vector<16xi32>
    %gather3A_1669 = arith.constant 0 : i32
    %gather3A_1670 = arith.constant 0 : i32
    %gather3A_1671 = arith.constant 0 : i32
    %gather3A_1672 = arith.constant 0 : i32
    %gather3A_1673 = tpu.memref_slice %arg8[%gather3A_1669, %gather3A_1670, %gather3A_1671, %gather3A_1672] : memref<2x64x4x128xf32, #tpu.memory_space<vmem>> -> memref<1x64x4x128xf32, #tpu.memory_space<vmem>>
    %gather3A_1674 = tpu.memref_squeeze %gather3A_1673 : memref<1x64x4x128xf32, #tpu.memory_space<vmem>> -> memref<64x4x128xf32, #tpu.memory_space<vmem>>
    %gather3A_1675 = tpu.vector_load_idx %gather3A_1674[%add3A_1651, %broadcast_in_dim3A_1668, %get3A_1653] : memref<64x4x128xf32, #tpu.memory_space<vmem>>[vector<16xi32>, vector<16xi32>, vector<16xi32>], vector<16xf32>,
    %swap3A_1676 = arith.constant 1 : i32
    %swap3A_1677 = arith.index_cast %swap3A_1676 : i32 to index
    %swap3A_1678 = arith.constant 272 : index
    %swap3A_1679 = tpu.vector_load %arg9[%swap3A_1677, %swap3A_1678] {strides = array<i32>} : memref<4x512xf32, #tpu.memory_space<vmem>>, vector<16xf32>,
    tpu.vector_store %arg9[%swap3A_1677, %swap3A_1678], %gather3A_1675 {strides = array<i32>} : memref<4x512xf32, #tpu.memory_space<vmem>>, vector<16xf32>,
    %broadcast_in_dim3A_1680 = arith.constant 2 : i32
    %broadcast_in_dim3A_1681 = vector.broadcast %broadcast_in_dim3A_1680 : i32 to vector<16xi32>
    %gather3A_1682 = arith.constant 0 : i32
    %gather3A_1683 = arith.constant 0 : i32
    %gather3A_1684 = arith.constant 0 : i32
    %gather3A_1685 = arith.constant 0 : i32
    %gather3A_1686 = tpu.memref_slice %arg8[%gather3A_1682, %gather3A_1683, %gather3A_1684, %gather3A_1685] : memref<2x64x4x128xf32, #tpu.memory_space<vmem>> -> memref<1x64x4x128xf32, #tpu.memory_space<vmem>>
    %gather3A_1687 = tpu.memref_squeeze %gather3A_1686 : memref<1x64x4x128xf32, #tpu.memory_space<vmem>> -> memref<64x4x128xf32, #tpu.memory_space<vmem>>
    %gather3A_1688 = tpu.vector_load_idx %gather3A_1687[%add3A_1651, %broadcast_in_dim3A_1681, %get3A_1653] : memref<64x4x128xf32, #tpu.memory_space<vmem>>[vector<16xi32>, vector<16xi32>, vector<16xi32>], vector<16xf32>,
    %swap3A_1689 = arith.constant 2 : i32
    %swap3A_1690 = arith.index_cast %swap3A_1689 : i32 to index
    %swap3A_1691 = arith.constant 272 : index
    %swap3A_1692 = tpu.vector_load %arg9[%swap3A_1690, %swap3A_1691] {strides = array<i32>} : memref<4x512xf32, #tpu.memory_space<vmem>>, vector<16xf32>,
    tpu.vector_store %arg9[%swap3A_1690, %swap3A_1691], %gather3A_1688 {strides = array<i32>} : memref<4x512xf32, #tpu.memory_space<vmem>>, vector<16xf32>,
    %broadcast_in_dim3A_1693 = arith.constant 3 : i32
    %broadcast_in_dim3A_1694 = vector.broadcast %broadcast_in_dim3A_1693 : i32 to vector<16xi32>
    %gather3A_1695 = arith.constant 0 : i32
    %gather3A_1696 = arith.constant 0 : i32
    %gather3A_1697 = arith.constant 0 : i32
    %gather3A_1698 = arith.constant 0 : i32
    %gather3A_1699 = tpu.memref_slice %arg8[%gather3A_1695, %gather3A_1696, %gather3A_1697, %gather3A_1698] : memref<2x64x4x128xf32, #tpu.memory_space<vmem>> -> memref<1x64x4x128xf32, #tpu.memory_space<vmem>>
    %gather3A_1700 = tpu.memref_squeeze %gather3A_1699 : memref<1x64x4x128xf32, #tpu.memory_space<vmem>> -> memref<64x4x128xf32, #tpu.memory_space<vmem>>
    %gather3A_1701 = tpu.vector_load_idx %gather3A_1700[%add3A_1651, %broadcast_in_dim3A_1694, %get3A_1653] : memref<64x4x128xf32, #tpu.memory_space<vmem>>[vector<16xi32>, vector<16xi32>, vector<16xi32>], vector<16xf32>,
    %swap3A_1702 = arith.constant 3 : i32
    %swap3A_1703 = arith.index_cast %swap3A_1702 : i32 to index
    %swap3A_1704 = arith.constant 272 : index
    %swap3A_1705 = tpu.vector_load %arg9[%swap3A_1703, %swap3A_1704] {strides = array<i32>} : memref<4x512xf32, #tpu.memory_space<vmem>>, vector<16xf32>,
    tpu.vector_store %arg9[%swap3A_1703, %swap3A_1704], %gather3A_1701 {strides = array<i32>} : memref<4x512xf32, #tpu.memory_space<vmem>>, vector<16xf32>,
    %iota3A_1706 = tpu.iota {dimensions = array<i32: 0>} : vector<16xi32>
    %add3A_1707 = arith.constant 32 : i32
    %add3A_1708 = vector.broadcast %add3A_1707 : i32 to vector<16xi32>
    %add3A_1709 = arith.addi %add3A_1708, %iota3A_1706 : vector<16xi32>
    %get3A_1710 = arith.constant 288 : index
    %get3A_1711 = tpu.vector_load %arg7[%get3A_1710] {strides = array<i32>} : memref<512xi32, #tpu.memory_space<vmem>>, vector<16xi32>,
    %broadcast_in_dim3A_1712 = arith.constant 0 : i32
    %broadcast_in_dim3A_1713 = vector.broadcast %broadcast_in_dim3A_1712 : i32 to vector<16xi32>
    %gather3A_1714 = arith.constant 0 : i32
    %gather3A_1715 = arith.constant 0 : i32
    %gather3A_1716 = arith.constant 0 : i32
    %gather3A_1717 = arith.constant 0 : i32
    %gather3A_1718 = tpu.memref_slice %arg8[%gather3A_1714, %gather3A_1715, %gather3A_1716, %gather3A_1717] : memref<2x64x4x128xf32, #tpu.memory_space<vmem>> -> memref<1x64x4x128xf32, #tpu.memory_space<vmem>>
    %gather3A_1719 = tpu.memref_squeeze %gather3A_1718 : memref<1x64x4x128xf32, #tpu.memory_space<vmem>> -> memref<64x4x128xf32, #tpu.memory_space<vmem>>
    %gather3A_1720 = tpu.vector_load_idx %gather3A_1719[%add3A_1709, %broadcast_in_dim3A_1713, %get3A_1711] : memref<64x4x128xf32, #tpu.memory_space<vmem>>[vector<16xi32>, vector<16xi32>, vector<16xi32>], vector<16xf32>,
    %swap3A_1721 = arith.constant 0 : i32
    %swap3A_1722 = arith.index_cast %swap3A_1721 : i32 to index
    %swap3A_1723 = arith.constant 288 : index
    %swap3A_1724 = tpu.vector_load %arg9[%swap3A_1722, %swap3A_1723] {strides = array<i32>} : memref<4x512xf32, #tpu.memory_space<vmem>>, vector<16xf32>,
    tpu.vector_store %arg9[%swap3A_1722, %swap3A_1723], %gather3A_1720 {strides = array<i32>} : memref<4x512xf32, #tpu.memory_space<vmem>>, vector<16xf32>,
    %broadcast_in_dim3A_1725 = arith.constant 1 : i32
    %broadcast_in_dim3A_1726 = vector.broadcast %broadcast_in_dim3A_1725 : i32 to vector<16xi32>
    %gather3A_1727 = arith.constant 0 : i32
    %gather3A_1728 = arith.constant 0 : i32
    %gather3A_1729 = arith.constant 0 : i32
    %gather3A_1730 = arith.constant 0 : i32
    %gather3A_1731 = tpu.memref_slice %arg8[%gather3A_1727, %gather3A_1728, %gather3A_1729, %gather3A_1730] : memref<2x64x4x128xf32, #tpu.memory_space<vmem>> -> memref<1x64x4x128xf32, #tpu.memory_space<vmem>>
    %gather3A_1732 = tpu.memref_squeeze %gather3A_1731 : memref<1x64x4x128xf32, #tpu.memory_space<vmem>> -> memref<64x4x128xf32, #tpu.memory_space<vmem>>
    %gather3A_1733 = tpu.vector_load_idx %gather3A_1732[%add3A_1709, %broadcast_in_dim3A_1726, %get3A_1711] : memref<64x4x128xf32, #tpu.memory_space<vmem>>[vector<16xi32>, vector<16xi32>, vector<16xi32>], vector<16xf32>,
    %swap3A_1734 = arith.constant 1 : i32
    %swap3A_1735 = arith.index_cast %swap3A_1734 : i32 to index
    %swap3A_1736 = arith.constant 288 : index
    %swap3A_1737 = tpu.vector_load %arg9[%swap3A_1735, %swap3A_1736] {strides = array<i32>} : memref<4x512xf32, #tpu.memory_space<vmem>>, vector<16xf32>,
    tpu.vector_store %arg9[%swap3A_1735, %swap3A_1736], %gather3A_1733 {strides = array<i32>} : memref<4x512xf32, #tpu.memory_space<vmem>>, vector<16xf32>,
    %broadcast_in_dim3A_1738 = arith.constant 2 : i32
    %broadcast_in_dim3A_1739 = vector.broadcast %broadcast_in_dim3A_1738 : i32 to vector<16xi32>
    %gather3A_1740 = arith.constant 0 : i32
    %gather3A_1741 = arith.constant 0 : i32
    %gather3A_1742 = arith.constant 0 : i32
    %gather3A_1743 = arith.constant 0 : i32
    %gather3A_1744 = tpu.memref_slice %arg8[%gather3A_1740, %gather3A_1741, %gather3A_1742, %gather3A_1743] : memref<2x64x4x128xf32, #tpu.memory_space<vmem>> -> memref<1x64x4x128xf32, #tpu.memory_space<vmem>>
    %gather3A_1745 = tpu.memref_squeeze %gather3A_1744 : memref<1x64x4x128xf32, #tpu.memory_space<vmem>> -> memref<64x4x128xf32, #tpu.memory_space<vmem>>
    %gather3A_1746 = tpu.vector_load_idx %gather3A_1745[%add3A_1709, %broadcast_in_dim3A_1739, %get3A_1711] : memref<64x4x128xf32, #tpu.memory_space<vmem>>[vector<16xi32>, vector<16xi32>, vector<16xi32>], vector<16xf32>,
    %swap3A_1747 = arith.constant 2 : i32
    %swap3A_1748 = arith.index_cast %swap3A_1747 : i32 to index
    %swap3A_1749 = arith.constant 288 : index
    %swap3A_1750 = tpu.vector_load %arg9[%swap3A_1748, %swap3A_1749] {strides = array<i32>} : memref<4x512xf32, #tpu.memory_space<vmem>>, vector<16xf32>,
    tpu.vector_store %arg9[%swap3A_1748, %swap3A_1749], %gather3A_1746 {strides = array<i32>} : memref<4x512xf32, #tpu.memory_space<vmem>>, vector<16xf32>,
    %broadcast_in_dim3A_1751 = arith.constant 3 : i32
    %broadcast_in_dim3A_1752 = vector.broadcast %broadcast_in_dim3A_1751 : i32 to vector<16xi32>
    %gather3A_1753 = arith.constant 0 : i32
    %gather3A_1754 = arith.constant 0 : i32
    %gather3A_1755 = arith.constant 0 : i32
    %gather3A_1756 = arith.constant 0 : i32
    %gather3A_1757 = tpu.memref_slice %arg8[%gather3A_1753, %gather3A_1754, %gather3A_1755, %gather3A_1756] : memref<2x64x4x128xf32, #tpu.memory_space<vmem>> -> memref<1x64x4x128xf32, #tpu.memory_space<vmem>>
    %gather3A_1758 = tpu.memref_squeeze %gather3A_1757 : memref<1x64x4x128xf32, #tpu.memory_space<vmem>> -> memref<64x4x128xf32, #tpu.memory_space<vmem>>
    %gather3A_1759 = tpu.vector_load_idx %gather3A_1758[%add3A_1709, %broadcast_in_dim3A_1752, %get3A_1711] : memref<64x4x128xf32, #tpu.memory_space<vmem>>[vector<16xi32>, vector<16xi32>, vector<16xi32>], vector<16xf32>,
    %swap3A_1760 = arith.constant 3 : i32
    %swap3A_1761 = arith.index_cast %swap3A_1760 : i32 to index
    %swap3A_1762 = arith.constant 288 : index
    %swap3A_1763 = tpu.vector_load %arg9[%swap3A_1761, %swap3A_1762] {strides = array<i32>} : memref<4x512xf32, #tpu.memory_space<vmem>>, vector<16xf32>,
    tpu.vector_store %arg9[%swap3A_1761, %swap3A_1762], %gather3A_1759 {strides = array<i32>} : memref<4x512xf32, #tpu.memory_space<vmem>>, vector<16xf32>,
    %iota3A_1764 = tpu.iota {dimensions = array<i32: 0>} : vector<16xi32>
    %add3A_1765 = arith.constant 48 : i32
    %add3A_1766 = vector.broadcast %add3A_1765 : i32 to vector<16xi32>
    %add3A_1767 = arith.addi %add3A_1766, %iota3A_1764 : vector<16xi32>
    %get3A_1768 = arith.constant 304 : index
    %get3A_1769 = tpu.vector_load %arg7[%get3A_1768] {strides = array<i32>} : memref<512xi32, #tpu.memory_space<vmem>>, vector<16xi32>,
    %broadcast_in_dim3A_1770 = arith.constant 0 : i32
    %broadcast_in_dim3A_1771 = vector.broadcast %broadcast_in_dim3A_1770 : i32 to vector<16xi32>
    %gather3A_1772 = arith.constant 0 : i32
    %gather3A_1773 = arith.constant 0 : i32
    %gather3A_1774 = arith.constant 0 : i32
    %gather3A_1775 = arith.constant 0 : i32
    %gather3A_1776 = tpu.memref_slice %arg8[%gather3A_1772, %gather3A_1773, %gather3A_1774, %gather3A_1775] : memref<2x64x4x128xf32, #tpu.memory_space<vmem>> -> memref<1x64x4x128xf32, #tpu.memory_space<vmem>>
    %gather3A_1777 = tpu.memref_squeeze %gather3A_1776 : memref<1x64x4x128xf32, #tpu.memory_space<vmem>> -> memref<64x4x128xf32, #tpu.memory_space<vmem>>
    %gather3A_1778 = tpu.vector_load_idx %gather3A_1777[%add3A_1767, %broadcast_in_dim3A_1771, %get3A_1769] : memref<64x4x128xf32, #tpu.memory_space<vmem>>[vector<16xi32>, vector<16xi32>, vector<16xi32>], vector<16xf32>,
    %swap3A_1779 = arith.constant 0 : i32
    %swap3A_1780 = arith.index_cast %swap3A_1779 : i32 to index
    %swap3A_1781 = arith.constant 304 : index
    %swap3A_1782 = tpu.vector_load %arg9[%swap3A_1780, %swap3A_1781] {strides = array<i32>} : memref<4x512xf32, #tpu.memory_space<vmem>>, vector<16xf32>,
    tpu.vector_store %arg9[%swap3A_1780, %swap3A_1781], %gather3A_1778 {strides = array<i32>} : memref<4x512xf32, #tpu.memory_space<vmem>>, vector<16xf32>,
    %broadcast_in_dim3A_1783 = arith.constant 1 : i32
    %broadcast_in_dim3A_1784 = vector.broadcast %broadcast_in_dim3A_1783 : i32 to vector<16xi32>
    %gather3A_1785 = arith.constant 0 : i32
    %gather3A_1786 = arith.constant 0 : i32
    %gather3A_1787 = arith.constant 0 : i32
    %gather3A_1788 = arith.constant 0 : i32
    %gather3A_1789 = tpu.memref_slice %arg8[%gather3A_1785, %gather3A_1786, %gather3A_1787, %gather3A_1788] : memref<2x64x4x128xf32, #tpu.memory_space<vmem>> -> memref<1x64x4x128xf32, #tpu.memory_space<vmem>>
    %gather3A_1790 = tpu.memref_squeeze %gather3A_1789 : memref<1x64x4x128xf32, #tpu.memory_space<vmem>> -> memref<64x4x128xf32, #tpu.memory_space<vmem>>
    %gather3A_1791 = tpu.vector_load_idx %gather3A_1790[%add3A_1767, %broadcast_in_dim3A_1784, %get3A_1769] : memref<64x4x128xf32, #tpu.memory_space<vmem>>[vector<16xi32>, vector<16xi32>, vector<16xi32>], vector<16xf32>,
    %swap3A_1792 = arith.constant 1 : i32
    %swap3A_1793 = arith.index_cast %swap3A_1792 : i32 to index
    %swap3A_1794 = arith.constant 304 : index
    %swap3A_1795 = tpu.vector_load %arg9[%swap3A_1793, %swap3A_1794] {strides = array<i32>} : memref<4x512xf32, #tpu.memory_space<vmem>>, vector<16xf32>,
    tpu.vector_store %arg9[%swap3A_1793, %swap3A_1794], %gather3A_1791 {strides = array<i32>} : memref<4x512xf32, #tpu.memory_space<vmem>>, vector<16xf32>,
    %broadcast_in_dim3A_1796 = arith.constant 2 : i32
    %broadcast_in_dim3A_1797 = vector.broadcast %broadcast_in_dim3A_1796 : i32 to vector<16xi32>
    %gather3A_1798 = arith.constant 0 : i32
    %gather3A_1799 = arith.constant 0 : i32
    %gather3A_1800 = arith.constant 0 : i32
    %gather3A_1801 = arith.constant 0 : i32
    %gather3A_1802 = tpu.memref_slice %arg8[%gather3A_1798, %gather3A_1799, %gather3A_1800, %gather3A_1801] : memref<2x64x4x128xf32, #tpu.memory_space<vmem>> -> memref<1x64x4x128xf32, #tpu.memory_space<vmem>>
    %gather3A_1803 = tpu.memref_squeeze %gather3A_1802 : memref<1x64x4x128xf32, #tpu.memory_space<vmem>> -> memref<64x4x128xf32, #tpu.memory_space<vmem>>
    %gather3A_1804 = tpu.vector_load_idx %gather3A_1803[%add3A_1767, %broadcast_in_dim3A_1797, %get3A_1769] : memref<64x4x128xf32, #tpu.memory_space<vmem>>[vector<16xi32>, vector<16xi32>, vector<16xi32>], vector<16xf32>,
    %swap3A_1805 = arith.constant 2 : i32
    %swap3A_1806 = arith.index_cast %swap3A_1805 : i32 to index
    %swap3A_1807 = arith.constant 304 : index
    %swap3A_1808 = tpu.vector_load %arg9[%swap3A_1806, %swap3A_1807] {strides = array<i32>} : memref<4x512xf32, #tpu.memory_space<vmem>>, vector<16xf32>,
    tpu.vector_store %arg9[%swap3A_1806, %swap3A_1807], %gather3A_1804 {strides = array<i32>} : memref<4x512xf32, #tpu.memory_space<vmem>>, vector<16xf32>,
    %broadcast_in_dim3A_1809 = arith.constant 3 : i32
    %broadcast_in_dim3A_1810 = vector.broadcast %broadcast_in_dim3A_1809 : i32 to vector<16xi32>
    %gather3A_1811 = arith.constant 0 : i32
    %gather3A_1812 = arith.constant 0 : i32
    %gather3A_1813 = arith.constant 0 : i32
    %gather3A_1814 = arith.constant 0 : i32
    %gather3A_1815 = tpu.memref_slice %arg8[%gather3A_1811, %gather3A_1812, %gather3A_1813, %gather3A_1814] : memref<2x64x4x128xf32, #tpu.memory_space<vmem>> -> memref<1x64x4x128xf32, #tpu.memory_space<vmem>>
    %gather3A_1816 = tpu.memref_squeeze %gather3A_1815 : memref<1x64x4x128xf32, #tpu.memory_space<vmem>> -> memref<64x4x128xf32, #tpu.memory_space<vmem>>
    %gather3A_1817 = tpu.vector_load_idx %gather3A_1816[%add3A_1767, %broadcast_in_dim3A_1810, %get3A_1769] : memref<64x4x128xf32, #tpu.memory_space<vmem>>[vector<16xi32>, vector<16xi32>, vector<16xi32>], vector<16xf32>,
    %swap3A_1818 = arith.constant 3 : i32
    %swap3A_1819 = arith.index_cast %swap3A_1818 : i32 to index
    %swap3A_1820 = arith.constant 304 : index
    %swap3A_1821 = tpu.vector_load %arg9[%swap3A_1819, %swap3A_1820] {strides = array<i32>} : memref<4x512xf32, #tpu.memory_space<vmem>>, vector<16xf32>,
    tpu.vector_store %arg9[%swap3A_1819, %swap3A_1820], %gather3A_1817 {strides = array<i32>} : memref<4x512xf32, #tpu.memory_space<vmem>>, vector<16xf32>,
    %dma_start3A_1822 = arith.constant 6 : i32
    %dma_start3A_1823 = arith.constant 0 : i32
    %dma_start3A_1824 = arith.constant 0 : i32
    %dma_start3A_1825 = arith.constant 0 : i32
    %dma_start3A_1826 = arith.constant 0 : i32
    %dma_start3A_1827 = tpu.memref_slice %arg8[%dma_start3A_1823, %dma_start3A_1824, %dma_start3A_1825, %dma_start3A_1826] : memref<2x64x4x128xf32, #tpu.memory_space<vmem>> -> memref<1x64x4x128xf32, #tpu.memory_space<vmem>>
    %dma_start3A_1828 = tpu.memref_squeeze %dma_start3A_1827 : memref<1x64x4x128xf32, #tpu.memory_space<vmem>> -> memref<64x4x128xf32, #tpu.memory_space<vmem>>
    %dma_start3A_1829 = arith.constant 0 : i32
    %dma_start3A_1830 = tpu.memref_slice %arg6[%dma_start3A_1822, %dma_start3A_1829] : memref<8x64xi32, #tpu.memory_space<vmem>> -> memref<1x64xi32, #tpu.memory_space<vmem>>
    %dma_start3A_1831 = tpu.memref_squeeze %dma_start3A_1830 : memref<1x64xi32, #tpu.memory_space<vmem>> -> memref<64xi32, #tpu.memory_space<vmem>>
    %dma_start3A_1832 = arith.constant 0 : i32
    %dma_start3A_1833 = arith.constant 0 : i32
    %dma_start3A_1834 = arith.constant 0 : i32
    %dma_start3A_1835 = tpu.memref_slice %arg2[%dma_start3A_1832, %dma_start3A_1833, %dma_start3A_1834] : memref<7813x4x128xf32, #tpu.memory_space<hbm>> -> memref<7813x4x128xf32, #tpu.memory_space<hbm>>
    tpu.enqueue_indirect_dma source(%dma_start3A_1835 : memref<7813x4x128xf32, #tpu.memory_space<hbm>>) target(%dma_start3A_1828 : memref<64x4x128xf32, #tpu.memory_space<vmem>>) offsets(%dma_start3A_1831 : memref<64xi32, #tpu.memory_space<vmem>>) semaphore(%arg10 : memref<!tpu.dma_semaphore, #tpu.memory_space<semaphore_mem>>)
    %dma_wait3A_1836 = arith.constant 5 : i32
    %dma_wait3A_1837 = arith.constant 1 : i32
    %dma_wait3A_1838 = arith.constant 0 : i32
    %dma_wait3A_1839 = arith.constant 0 : i32
    %dma_wait3A_1840 = arith.constant 0 : i32
    %dma_wait3A_1841 = tpu.memref_slice %arg8[%dma_wait3A_1837, %dma_wait3A_1838, %dma_wait3A_1839, %dma_wait3A_1840] : memref<2x64x4x128xf32, #tpu.memory_space<vmem>> -> memref<1x64x4x128xf32, #tpu.memory_space<vmem>>
    %dma_wait3A_1842 = tpu.memref_squeeze %dma_wait3A_1841 : memref<1x64x4x128xf32, #tpu.memory_space<vmem>> -> memref<64x4x128xf32, #tpu.memory_space<vmem>>
    %dma_wait3A_1843 = arith.constant 0 : i32
    %dma_wait3A_1844 = tpu.memref_slice %arg6[%dma_wait3A_1836, %dma_wait3A_1843] : memref<8x64xi32, #tpu.memory_space<vmem>> -> memref<1x64xi32, #tpu.memory_space<vmem>>
    %dma_wait3A_1845 = tpu.memref_squeeze %dma_wait3A_1844 : memref<1x64xi32, #tpu.memory_space<vmem>> -> memref<64xi32, #tpu.memory_space<vmem>>
    %dma_wait3A_1846 = arith.constant 0 : i32
    %dma_wait3A_1847 = arith.constant 0 : i32
    %dma_wait3A_1848 = arith.constant 0 : i32
    %dma_wait3A_1849 = tpu.memref_slice %arg2[%dma_wait3A_1846, %dma_wait3A_1847, %dma_wait3A_1848] : memref<7813x4x128xf32, #tpu.memory_space<hbm>> -> memref<7813x4x128xf32, #tpu.memory_space<hbm>>
    tpu.wait_indirect_dma semaphore(%arg11 : memref<!tpu.dma_semaphore, #tpu.memory_space<semaphore_mem>>) src(%dma_wait3A_1849 : memref<7813x4x128xf32, #tpu.memory_space<hbm>>) dst(%dma_wait3A_1842 : memref<64x4x128xf32, #tpu.memory_space<vmem>>)
    %iota3A_1850 = tpu.iota {dimensions = array<i32: 0>} : vector<16xi32>
    %add3A_1851 = arith.constant 0 : i32
    %add3A_1852 = vector.broadcast %add3A_1851 : i32 to vector<16xi32>
    %add3A_1853 = arith.addi %add3A_1852, %iota3A_1850 : vector<16xi32>
    %get3A_1854 = arith.constant 320 : index
    %get3A_1855 = tpu.vector_load %arg7[%get3A_1854] {strides = array<i32>} : memref<512xi32, #tpu.memory_space<vmem>>, vector<16xi32>,
    %broadcast_in_dim3A_1856 = arith.constant 0 : i32
    %broadcast_in_dim3A_1857 = vector.broadcast %broadcast_in_dim3A_1856 : i32 to vector<16xi32>
    %gather3A_1858 = arith.constant 1 : i32
    %gather3A_1859 = arith.constant 0 : i32
    %gather3A_1860 = arith.constant 0 : i32
    %gather3A_1861 = arith.constant 0 : i32
    %gather3A_1862 = tpu.memref_slice %arg8[%gather3A_1858, %gather3A_1859, %gather3A_1860, %gather3A_1861] : memref<2x64x4x128xf32, #tpu.memory_space<vmem>> -> memref<1x64x4x128xf32, #tpu.memory_space<vmem>>
    %gather3A_1863 = tpu.memref_squeeze %gather3A_1862 : memref<1x64x4x128xf32, #tpu.memory_space<vmem>> -> memref<64x4x128xf32, #tpu.memory_space<vmem>>
    %gather3A_1864 = tpu.vector_load_idx %gather3A_1863[%add3A_1853, %broadcast_in_dim3A_1857, %get3A_1855] : memref<64x4x128xf32, #tpu.memory_space<vmem>>[vector<16xi32>, vector<16xi32>, vector<16xi32>], vector<16xf32>,
    %swap3A_1865 = arith.constant 0 : i32
    %swap3A_1866 = arith.index_cast %swap3A_1865 : i32 to index
    %swap3A_1867 = arith.constant 320 : index
    %swap3A_1868 = tpu.vector_load %arg9[%swap3A_1866, %swap3A_1867] {strides = array<i32>} : memref<4x512xf32, #tpu.memory_space<vmem>>, vector<16xf32>,
    tpu.vector_store %arg9[%swap3A_1866, %swap3A_1867], %gather3A_1864 {strides = array<i32>} : memref<4x512xf32, #tpu.memory_space<vmem>>, vector<16xf32>,
    %broadcast_in_dim3A_1869 = arith.constant 1 : i32
    %broadcast_in_dim3A_1870 = vector.broadcast %broadcast_in_dim3A_1869 : i32 to vector<16xi32>
    %gather3A_1871 = arith.constant 1 : i32
    %gather3A_1872 = arith.constant 0 : i32
    %gather3A_1873 = arith.constant 0 : i32
    %gather3A_1874 = arith.constant 0 : i32
    %gather3A_1875 = tpu.memref_slice %arg8[%gather3A_1871, %gather3A_1872, %gather3A_1873, %gather3A_1874] : memref<2x64x4x128xf32, #tpu.memory_space<vmem>> -> memref<1x64x4x128xf32, #tpu.memory_space<vmem>>
    %gather3A_1876 = tpu.memref_squeeze %gather3A_1875 : memref<1x64x4x128xf32, #tpu.memory_space<vmem>> -> memref<64x4x128xf32, #tpu.memory_space<vmem>>
    %gather3A_1877 = tpu.vector_load_idx %gather3A_1876[%add3A_1853, %broadcast_in_dim3A_1870, %get3A_1855] : memref<64x4x128xf32, #tpu.memory_space<vmem>>[vector<16xi32>, vector<16xi32>, vector<16xi32>], vector<16xf32>,
    %swap3A_1878 = arith.constant 1 : i32
    %swap3A_1879 = arith.index_cast %swap3A_1878 : i32 to index
    %swap3A_1880 = arith.constant 320 : index
    %swap3A_1881 = tpu.vector_load %arg9[%swap3A_1879, %swap3A_1880] {strides = array<i32>} : memref<4x512xf32, #tpu.memory_space<vmem>>, vector<16xf32>,
    tpu.vector_store %arg9[%swap3A_1879, %swap3A_1880], %gather3A_1877 {strides = array<i32>} : memref<4x512xf32, #tpu.memory_space<vmem>>, vector<16xf32>,
    %broadcast_in_dim3A_1882 = arith.constant 2 : i32
    %broadcast_in_dim3A_1883 = vector.broadcast %broadcast_in_dim3A_1882 : i32 to vector<16xi32>
    %gather3A_1884 = arith.constant 1 : i32
    %gather3A_1885 = arith.constant 0 : i32
    %gather3A_1886 = arith.constant 0 : i32
    %gather3A_1887 = arith.constant 0 : i32
    %gather3A_1888 = tpu.memref_slice %arg8[%gather3A_1884, %gather3A_1885, %gather3A_1886, %gather3A_1887] : memref<2x64x4x128xf32, #tpu.memory_space<vmem>> -> memref<1x64x4x128xf32, #tpu.memory_space<vmem>>
    %gather3A_1889 = tpu.memref_squeeze %gather3A_1888 : memref<1x64x4x128xf32, #tpu.memory_space<vmem>> -> memref<64x4x128xf32, #tpu.memory_space<vmem>>
    %gather3A_1890 = tpu.vector_load_idx %gather3A_1889[%add3A_1853, %broadcast_in_dim3A_1883, %get3A_1855] : memref<64x4x128xf32, #tpu.memory_space<vmem>>[vector<16xi32>, vector<16xi32>, vector<16xi32>], vector<16xf32>,
    %swap3A_1891 = arith.constant 2 : i32
    %swap3A_1892 = arith.index_cast %swap3A_1891 : i32 to index
    %swap3A_1893 = arith.constant 320 : index
    %swap3A_1894 = tpu.vector_load %arg9[%swap3A_1892, %swap3A_1893] {strides = array<i32>} : memref<4x512xf32, #tpu.memory_space<vmem>>, vector<16xf32>,
    tpu.vector_store %arg9[%swap3A_1892, %swap3A_1893], %gather3A_1890 {strides = array<i32>} : memref<4x512xf32, #tpu.memory_space<vmem>>, vector<16xf32>,
    %broadcast_in_dim3A_1895 = arith.constant 3 : i32
    %broadcast_in_dim3A_1896 = vector.broadcast %broadcast_in_dim3A_1895 : i32 to vector<16xi32>
    %gather3A_1897 = arith.constant 1 : i32
    %gather3A_1898 = arith.constant 0 : i32
    %gather3A_1899 = arith.constant 0 : i32
    %gather3A_1900 = arith.constant 0 : i32
    %gather3A_1901 = tpu.memref_slice %arg8[%gather3A_1897, %gather3A_1898, %gather3A_1899, %gather3A_1900] : memref<2x64x4x128xf32, #tpu.memory_space<vmem>> -> memref<1x64x4x128xf32, #tpu.memory_space<vmem>>
    %gather3A_1902 = tpu.memref_squeeze %gather3A_1901 : memref<1x64x4x128xf32, #tpu.memory_space<vmem>> -> memref<64x4x128xf32, #tpu.memory_space<vmem>>
    %gather3A_1903 = tpu.vector_load_idx %gather3A_1902[%add3A_1853, %broadcast_in_dim3A_1896, %get3A_1855] : memref<64x4x128xf32, #tpu.memory_space<vmem>>[vector<16xi32>, vector<16xi32>, vector<16xi32>], vector<16xf32>,
    %swap3A_1904 = arith.constant 3 : i32
    %swap3A_1905 = arith.index_cast %swap3A_1904 : i32 to index
    %swap3A_1906 = arith.constant 320 : index
    %swap3A_1907 = tpu.vector_load %arg9[%swap3A_1905, %swap3A_1906] {strides = array<i32>} : memref<4x512xf32, #tpu.memory_space<vmem>>, vector<16xf32>,
    tpu.vector_store %arg9[%swap3A_1905, %swap3A_1906], %gather3A_1903 {strides = array<i32>} : memref<4x512xf32, #tpu.memory_space<vmem>>, vector<16xf32>,
    %iota3A_1908 = tpu.iota {dimensions = array<i32: 0>} : vector<16xi32>
    %add3A_1909 = arith.constant 16 : i32
    %add3A_1910 = vector.broadcast %add3A_1909 : i32 to vector<16xi32>
    %add3A_1911 = arith.addi %add3A_1910, %iota3A_1908 : vector<16xi32>
    %get3A_1912 = arith.constant 336 : index
    %get3A_1913 = tpu.vector_load %arg7[%get3A_1912] {strides = array<i32>} : memref<512xi32, #tpu.memory_space<vmem>>, vector<16xi32>,
    %broadcast_in_dim3A_1914 = arith.constant 0 : i32
    %broadcast_in_dim3A_1915 = vector.broadcast %broadcast_in_dim3A_1914 : i32 to vector<16xi32>
    %gather3A_1916 = arith.constant 1 : i32
    %gather3A_1917 = arith.constant 0 : i32
    %gather3A_1918 = arith.constant 0 : i32
    %gather3A_1919 = arith.constant 0 : i32
    %gather3A_1920 = tpu.memref_slice %arg8[%gather3A_1916, %gather3A_1917, %gather3A_1918, %gather3A_1919] : memref<2x64x4x128xf32, #tpu.memory_space<vmem>> -> memref<1x64x4x128xf32, #tpu.memory_space<vmem>>
    %gather3A_1921 = tpu.memref_squeeze %gather3A_1920 : memref<1x64x4x128xf32, #tpu.memory_space<vmem>> -> memref<64x4x128xf32, #tpu.memory_space<vmem>>
    %gather3A_1922 = tpu.vector_load_idx %gather3A_1921[%add3A_1911, %broadcast_in_dim3A_1915, %get3A_1913] : memref<64x4x128xf32, #tpu.memory_space<vmem>>[vector<16xi32>, vector<16xi32>, vector<16xi32>], vector<16xf32>,
    %swap3A_1923 = arith.constant 0 : i32
    %swap3A_1924 = arith.index_cast %swap3A_1923 : i32 to index
    %swap3A_1925 = arith.constant 336 : index
    %swap3A_1926 = tpu.vector_load %arg9[%swap3A_1924, %swap3A_1925] {strides = array<i32>} : memref<4x512xf32, #tpu.memory_space<vmem>>, vector<16xf32>,
    tpu.vector_store %arg9[%swap3A_1924, %swap3A_1925], %gather3A_1922 {strides = array<i32>} : memref<4x512xf32, #tpu.memory_space<vmem>>, vector<16xf32>,
    %broadcast_in_dim3A_1927 = arith.constant 1 : i32
    %broadcast_in_dim3A_1928 = vector.broadcast %broadcast_in_dim3A_1927 : i32 to vector<16xi32>
    %gather3A_1929 = arith.constant 1 : i32
    %gather3A_1930 = arith.constant 0 : i32
    %gather3A_1931 = arith.constant 0 : i32
    %gather3A_1932 = arith.constant 0 : i32
    %gather3A_1933 = tpu.memref_slice %arg8[%gather3A_1929, %gather3A_1930, %gather3A_1931, %gather3A_1932] : memref<2x64x4x128xf32, #tpu.memory_space<vmem>> -> memref<1x64x4x128xf32, #tpu.memory_space<vmem>>
    %gather3A_1934 = tpu.memref_squeeze %gather3A_1933 : memref<1x64x4x128xf32, #tpu.memory_space<vmem>> -> memref<64x4x128xf32, #tpu.memory_space<vmem>>
    %gather3A_1935 = tpu.vector_load_idx %gather3A_1934[%add3A_1911, %broadcast_in_dim3A_1928, %get3A_1913] : memref<64x4x128xf32, #tpu.memory_space<vmem>>[vector<16xi32>, vector<16xi32>, vector<16xi32>], vector<16xf32>,
    %swap3A_1936 = arith.constant 1 : i32
    %swap3A_1937 = arith.index_cast %swap3A_1936 : i32 to index
    %swap3A_1938 = arith.constant 336 : index
    %swap3A_1939 = tpu.vector_load %arg9[%swap3A_1937, %swap3A_1938] {strides = array<i32>} : memref<4x512xf32, #tpu.memory_space<vmem>>, vector<16xf32>,
    tpu.vector_store %arg9[%swap3A_1937, %swap3A_1938], %gather3A_1935 {strides = array<i32>} : memref<4x512xf32, #tpu.memory_space<vmem>>, vector<16xf32>,
    %broadcast_in_dim3A_1940 = arith.constant 2 : i32
    %broadcast_in_dim3A_1941 = vector.broadcast %broadcast_in_dim3A_1940 : i32 to vector<16xi32>
    %gather3A_1942 = arith.constant 1 : i32
    %gather3A_1943 = arith.constant 0 : i32
    %gather3A_1944 = arith.constant 0 : i32
    %gather3A_1945 = arith.constant 0 : i32
    %gather3A_1946 = tpu.memref_slice %arg8[%gather3A_1942, %gather3A_1943, %gather3A_1944, %gather3A_1945] : memref<2x64x4x128xf32, #tpu.memory_space<vmem>> -> memref<1x64x4x128xf32, #tpu.memory_space<vmem>>
    %gather3A_1947 = tpu.memref_squeeze %gather3A_1946 : memref<1x64x4x128xf32, #tpu.memory_space<vmem>> -> memref<64x4x128xf32, #tpu.memory_space<vmem>>
    %gather3A_1948 = tpu.vector_load_idx %gather3A_1947[%add3A_1911, %broadcast_in_dim3A_1941, %get3A_1913] : memref<64x4x128xf32, #tpu.memory_space<vmem>>[vector<16xi32>, vector<16xi32>, vector<16xi32>], vector<16xf32>,
    %swap3A_1949 = arith.constant 2 : i32
    %swap3A_1950 = arith.index_cast %swap3A_1949 : i32 to index
    %swap3A_1951 = arith.constant 336 : index
    %swap3A_1952 = tpu.vector_load %arg9[%swap3A_1950, %swap3A_1951] {strides = array<i32>} : memref<4x512xf32, #tpu.memory_space<vmem>>, vector<16xf32>,
    tpu.vector_store %arg9[%swap3A_1950, %swap3A_1951], %gather3A_1948 {strides = array<i32>} : memref<4x512xf32, #tpu.memory_space<vmem>>, vector<16xf32>,
    %broadcast_in_dim3A_1953 = arith.constant 3 : i32
    %broadcast_in_dim3A_1954 = vector.broadcast %broadcast_in_dim3A_1953 : i32 to vector<16xi32>
    %gather3A_1955 = arith.constant 1 : i32
    %gather3A_1956 = arith.constant 0 : i32
    %gather3A_1957 = arith.constant 0 : i32
    %gather3A_1958 = arith.constant 0 : i32
    %gather3A_1959 = tpu.memref_slice %arg8[%gather3A_1955, %gather3A_1956, %gather3A_1957, %gather3A_1958] : memref<2x64x4x128xf32, #tpu.memory_space<vmem>> -> memref<1x64x4x128xf32, #tpu.memory_space<vmem>>
    %gather3A_1960 = tpu.memref_squeeze %gather3A_1959 : memref<1x64x4x128xf32, #tpu.memory_space<vmem>> -> memref<64x4x128xf32, #tpu.memory_space<vmem>>
    %gather3A_1961 = tpu.vector_load_idx %gather3A_1960[%add3A_1911, %broadcast_in_dim3A_1954, %get3A_1913] : memref<64x4x128xf32, #tpu.memory_space<vmem>>[vector<16xi32>, vector<16xi32>, vector<16xi32>], vector<16xf32>,
    %swap3A_1962 = arith.constant 3 : i32
    %swap3A_1963 = arith.index_cast %swap3A_1962 : i32 to index
    %swap3A_1964 = arith.constant 336 : index
    %swap3A_1965 = tpu.vector_load %arg9[%swap3A_1963, %swap3A_1964] {strides = array<i32>} : memref<4x512xf32, #tpu.memory_space<vmem>>, vector<16xf32>,
    tpu.vector_store %arg9[%swap3A_1963, %swap3A_1964], %gather3A_1961 {strides = array<i32>} : memref<4x512xf32, #tpu.memory_space<vmem>>, vector<16xf32>,
    %iota3A_1966 = tpu.iota {dimensions = array<i32: 0>} : vector<16xi32>
    %add3A_1967 = arith.constant 32 : i32
    %add3A_1968 = vector.broadcast %add3A_1967 : i32 to vector<16xi32>
    %add3A_1969 = arith.addi %add3A_1968, %iota3A_1966 : vector<16xi32>
    %get3A_1970 = arith.constant 352 : index
    %get3A_1971 = tpu.vector_load %arg7[%get3A_1970] {strides = array<i32>} : memref<512xi32, #tpu.memory_space<vmem>>, vector<16xi32>,
    %broadcast_in_dim3A_1972 = arith.constant 0 : i32
    %broadcast_in_dim3A_1973 = vector.broadcast %broadcast_in_dim3A_1972 : i32 to vector<16xi32>
    %gather3A_1974 = arith.constant 1 : i32
    %gather3A_1975 = arith.constant 0 : i32
    %gather3A_1976 = arith.constant 0 : i32
    %gather3A_1977 = arith.constant 0 : i32
    %gather3A_1978 = tpu.memref_slice %arg8[%gather3A_1974, %gather3A_1975, %gather3A_1976, %gather3A_1977] : memref<2x64x4x128xf32, #tpu.memory_space<vmem>> -> memref<1x64x4x128xf32, #tpu.memory_space<vmem>>
    %gather3A_1979 = tpu.memref_squeeze %gather3A_1978 : memref<1x64x4x128xf32, #tpu.memory_space<vmem>> -> memref<64x4x128xf32, #tpu.memory_space<vmem>>
    %gather3A_1980 = tpu.vector_load_idx %gather3A_1979[%add3A_1969, %broadcast_in_dim3A_1973, %get3A_1971] : memref<64x4x128xf32, #tpu.memory_space<vmem>>[vector<16xi32>, vector<16xi32>, vector<16xi32>], vector<16xf32>,
    %swap3A_1981 = arith.constant 0 : i32
    %swap3A_1982 = arith.index_cast %swap3A_1981 : i32 to index
    %swap3A_1983 = arith.constant 352 : index
    %swap3A_1984 = tpu.vector_load %arg9[%swap3A_1982, %swap3A_1983] {strides = array<i32>} : memref<4x512xf32, #tpu.memory_space<vmem>>, vector<16xf32>,
    tpu.vector_store %arg9[%swap3A_1982, %swap3A_1983], %gather3A_1980 {strides = array<i32>} : memref<4x512xf32, #tpu.memory_space<vmem>>, vector<16xf32>,
    %broadcast_in_dim3A_1985 = arith.constant 1 : i32
    %broadcast_in_dim3A_1986 = vector.broadcast %broadcast_in_dim3A_1985 : i32 to vector<16xi32>
    %gather3A_1987 = arith.constant 1 : i32
    %gather3A_1988 = arith.constant 0 : i32
    %gather3A_1989 = arith.constant 0 : i32
    %gather3A_1990 = arith.constant 0 : i32
    %gather3A_1991 = tpu.memref_slice %arg8[%gather3A_1987, %gather3A_1988, %gather3A_1989, %gather3A_1990] : memref<2x64x4x128xf32, #tpu.memory_space<vmem>> -> memref<1x64x4x128xf32, #tpu.memory_space<vmem>>
    %gather3A_1992 = tpu.memref_squeeze %gather3A_1991 : memref<1x64x4x128xf32, #tpu.memory_space<vmem>> -> memref<64x4x128xf32, #tpu.memory_space<vmem>>
    %gather3A_1993 = tpu.vector_load_idx %gather3A_1992[%add3A_1969, %broadcast_in_dim3A_1986, %get3A_1971] : memref<64x4x128xf32, #tpu.memory_space<vmem>>[vector<16xi32>, vector<16xi32>, vector<16xi32>], vector<16xf32>,
    %swap3A_1994 = arith.constant 1 : i32
    %swap3A_1995 = arith.index_cast %swap3A_1994 : i32 to index
    %swap3A_1996 = arith.constant 352 : index
    %swap3A_1997 = tpu.vector_load %arg9[%swap3A_1995, %swap3A_1996] {strides = array<i32>} : memref<4x512xf32, #tpu.memory_space<vmem>>, vector<16xf32>,
    tpu.vector_store %arg9[%swap3A_1995, %swap3A_1996], %gather3A_1993 {strides = array<i32>} : memref<4x512xf32, #tpu.memory_space<vmem>>, vector<16xf32>,
    %broadcast_in_dim3A_1998 = arith.constant 2 : i32
    %broadcast_in_dim3A_1999 = vector.broadcast %broadcast_in_dim3A_1998 : i32 to vector<16xi32>
    %gather3A_2000 = arith.constant 1 : i32
    %gather3A_2001 = arith.constant 0 : i32
    %gather3A_2002 = arith.constant 0 : i32
    %gather3A_2003 = arith.constant 0 : i32
    %gather3A_2004 = tpu.memref_slice %arg8[%gather3A_2000, %gather3A_2001, %gather3A_2002, %gather3A_2003] : memref<2x64x4x128xf32, #tpu.memory_space<vmem>> -> memref<1x64x4x128xf32, #tpu.memory_space<vmem>>
    %gather3A_2005 = tpu.memref_squeeze %gather3A_2004 : memref<1x64x4x128xf32, #tpu.memory_space<vmem>> -> memref<64x4x128xf32, #tpu.memory_space<vmem>>
    %gather3A_2006 = tpu.vector_load_idx %gather3A_2005[%add3A_1969, %broadcast_in_dim3A_1999, %get3A_1971] : memref<64x4x128xf32, #tpu.memory_space<vmem>>[vector<16xi32>, vector<16xi32>, vector<16xi32>], vector<16xf32>,
    %swap3A_2007 = arith.constant 2 : i32
    %swap3A_2008 = arith.index_cast %swap3A_2007 : i32 to index
    %swap3A_2009 = arith.constant 352 : index
    %swap3A_2010 = tpu.vector_load %arg9[%swap3A_2008, %swap3A_2009] {strides = array<i32>} : memref<4x512xf32, #tpu.memory_space<vmem>>, vector<16xf32>,
    tpu.vector_store %arg9[%swap3A_2008, %swap3A_2009], %gather3A_2006 {strides = array<i32>} : memref<4x512xf32, #tpu.memory_space<vmem>>, vector<16xf32>,
    %broadcast_in_dim3A_2011 = arith.constant 3 : i32
    %broadcast_in_dim3A_2012 = vector.broadcast %broadcast_in_dim3A_2011 : i32 to vector<16xi32>
    %gather3A_2013 = arith.constant 1 : i32
    %gather3A_2014 = arith.constant 0 : i32
    %gather3A_2015 = arith.constant 0 : i32
    %gather3A_2016 = arith.constant 0 : i32
    %gather3A_2017 = tpu.memref_slice %arg8[%gather3A_2013, %gather3A_2014, %gather3A_2015, %gather3A_2016] : memref<2x64x4x128xf32, #tpu.memory_space<vmem>> -> memref<1x64x4x128xf32, #tpu.memory_space<vmem>>
    %gather3A_2018 = tpu.memref_squeeze %gather3A_2017 : memref<1x64x4x128xf32, #tpu.memory_space<vmem>> -> memref<64x4x128xf32, #tpu.memory_space<vmem>>
    %gather3A_2019 = tpu.vector_load_idx %gather3A_2018[%add3A_1969, %broadcast_in_dim3A_2012, %get3A_1971] : memref<64x4x128xf32, #tpu.memory_space<vmem>>[vector<16xi32>, vector<16xi32>, vector<16xi32>], vector<16xf32>,
    %swap3A_2020 = arith.constant 3 : i32
    %swap3A_2021 = arith.index_cast %swap3A_2020 : i32 to index
    %swap3A_2022 = arith.constant 352 : index
    %swap3A_2023 = tpu.vector_load %arg9[%swap3A_2021, %swap3A_2022] {strides = array<i32>} : memref<4x512xf32, #tpu.memory_space<vmem>>, vector<16xf32>,
    tpu.vector_store %arg9[%swap3A_2021, %swap3A_2022], %gather3A_2019 {strides = array<i32>} : memref<4x512xf32, #tpu.memory_space<vmem>>, vector<16xf32>,
    %iota3A_2024 = tpu.iota {dimensions = array<i32: 0>} : vector<16xi32>
    %add3A_2025 = arith.constant 48 : i32
    %add3A_2026 = vector.broadcast %add3A_2025 : i32 to vector<16xi32>
    %add3A_2027 = arith.addi %add3A_2026, %iota3A_2024 : vector<16xi32>
    %get3A_2028 = arith.constant 368 : index
    %get3A_2029 = tpu.vector_load %arg7[%get3A_2028] {strides = array<i32>} : memref<512xi32, #tpu.memory_space<vmem>>, vector<16xi32>,
    %broadcast_in_dim3A_2030 = arith.constant 0 : i32
    %broadcast_in_dim3A_2031 = vector.broadcast %broadcast_in_dim3A_2030 : i32 to vector<16xi32>
    %gather3A_2032 = arith.constant 1 : i32
    %gather3A_2033 = arith.constant 0 : i32
    %gather3A_2034 = arith.constant 0 : i32
    %gather3A_2035 = arith.constant 0 : i32
    %gather3A_2036 = tpu.memref_slice %arg8[%gather3A_2032, %gather3A_2033, %gather3A_2034, %gather3A_2035] : memref<2x64x4x128xf32, #tpu.memory_space<vmem>> -> memref<1x64x4x128xf32, #tpu.memory_space<vmem>>
    %gather3A_2037 = tpu.memref_squeeze %gather3A_2036 : memref<1x64x4x128xf32, #tpu.memory_space<vmem>> -> memref<64x4x128xf32, #tpu.memory_space<vmem>>
    %gather3A_2038 = tpu.vector_load_idx %gather3A_2037[%add3A_2027, %broadcast_in_dim3A_2031, %get3A_2029] : memref<64x4x128xf32, #tpu.memory_space<vmem>>[vector<16xi32>, vector<16xi32>, vector<16xi32>], vector<16xf32>,
    %swap3A_2039 = arith.constant 0 : i32
    %swap3A_2040 = arith.index_cast %swap3A_2039 : i32 to index
    %swap3A_2041 = arith.constant 368 : index
    %swap3A_2042 = tpu.vector_load %arg9[%swap3A_2040, %swap3A_2041] {strides = array<i32>} : memref<4x512xf32, #tpu.memory_space<vmem>>, vector<16xf32>,
    tpu.vector_store %arg9[%swap3A_2040, %swap3A_2041], %gather3A_2038 {strides = array<i32>} : memref<4x512xf32, #tpu.memory_space<vmem>>, vector<16xf32>,
    %broadcast_in_dim3A_2043 = arith.constant 1 : i32
    %broadcast_in_dim3A_2044 = vector.broadcast %broadcast_in_dim3A_2043 : i32 to vector<16xi32>
    %gather3A_2045 = arith.constant 1 : i32
    %gather3A_2046 = arith.constant 0 : i32
    %gather3A_2047 = arith.constant 0 : i32
    %gather3A_2048 = arith.constant 0 : i32
    %gather3A_2049 = tpu.memref_slice %arg8[%gather3A_2045, %gather3A_2046, %gather3A_2047, %gather3A_2048] : memref<2x64x4x128xf32, #tpu.memory_space<vmem>> -> memref<1x64x4x128xf32, #tpu.memory_space<vmem>>
    %gather3A_2050 = tpu.memref_squeeze %gather3A_2049 : memref<1x64x4x128xf32, #tpu.memory_space<vmem>> -> memref<64x4x128xf32, #tpu.memory_space<vmem>>
    %gather3A_2051 = tpu.vector_load_idx %gather3A_2050[%add3A_2027, %broadcast_in_dim3A_2044, %get3A_2029] : memref<64x4x128xf32, #tpu.memory_space<vmem>>[vector<16xi32>, vector<16xi32>, vector<16xi32>], vector<16xf32>,
    %swap3A_2052 = arith.constant 1 : i32
    %swap3A_2053 = arith.index_cast %swap3A_2052 : i32 to index
    %swap3A_2054 = arith.constant 368 : index
    %swap3A_2055 = tpu.vector_load %arg9[%swap3A_2053, %swap3A_2054] {strides = array<i32>} : memref<4x512xf32, #tpu.memory_space<vmem>>, vector<16xf32>,
    tpu.vector_store %arg9[%swap3A_2053, %swap3A_2054], %gather3A_2051 {strides = array<i32>} : memref<4x512xf32, #tpu.memory_space<vmem>>, vector<16xf32>,
    %broadcast_in_dim3A_2056 = arith.constant 2 : i32
    %broadcast_in_dim3A_2057 = vector.broadcast %broadcast_in_dim3A_2056 : i32 to vector<16xi32>
    %gather3A_2058 = arith.constant 1 : i32
    %gather3A_2059 = arith.constant 0 : i32
    %gather3A_2060 = arith.constant 0 : i32
    %gather3A_2061 = arith.constant 0 : i32
    %gather3A_2062 = tpu.memref_slice %arg8[%gather3A_2058, %gather3A_2059, %gather3A_2060, %gather3A_2061] : memref<2x64x4x128xf32, #tpu.memory_space<vmem>> -> memref<1x64x4x128xf32, #tpu.memory_space<vmem>>
    %gather3A_2063 = tpu.memref_squeeze %gather3A_2062 : memref<1x64x4x128xf32, #tpu.memory_space<vmem>> -> memref<64x4x128xf32, #tpu.memory_space<vmem>>
    %gather3A_2064 = tpu.vector_load_idx %gather3A_2063[%add3A_2027, %broadcast_in_dim3A_2057, %get3A_2029] : memref<64x4x128xf32, #tpu.memory_space<vmem>>[vector<16xi32>, vector<16xi32>, vector<16xi32>], vector<16xf32>,
    %swap3A_2065 = arith.constant 2 : i32
    %swap3A_2066 = arith.index_cast %swap3A_2065 : i32 to index
    %swap3A_2067 = arith.constant 368 : index
    %swap3A_2068 = tpu.vector_load %arg9[%swap3A_2066, %swap3A_2067] {strides = array<i32>} : memref<4x512xf32, #tpu.memory_space<vmem>>, vector<16xf32>,
    tpu.vector_store %arg9[%swap3A_2066, %swap3A_2067], %gather3A_2064 {strides = array<i32>} : memref<4x512xf32, #tpu.memory_space<vmem>>, vector<16xf32>,
    %broadcast_in_dim3A_2069 = arith.constant 3 : i32
    %broadcast_in_dim3A_2070 = vector.broadcast %broadcast_in_dim3A_2069 : i32 to vector<16xi32>
    %gather3A_2071 = arith.constant 1 : i32
    %gather3A_2072 = arith.constant 0 : i32
    %gather3A_2073 = arith.constant 0 : i32
    %gather3A_2074 = arith.constant 0 : i32
    %gather3A_2075 = tpu.memref_slice %arg8[%gather3A_2071, %gather3A_2072, %gather3A_2073, %gather3A_2074] : memref<2x64x4x128xf32, #tpu.memory_space<vmem>> -> memref<1x64x4x128xf32, #tpu.memory_space<vmem>>
    %gather3A_2076 = tpu.memref_squeeze %gather3A_2075 : memref<1x64x4x128xf32, #tpu.memory_space<vmem>> -> memref<64x4x128xf32, #tpu.memory_space<vmem>>
    %gather3A_2077 = tpu.vector_load_idx %gather3A_2076[%add3A_2027, %broadcast_in_dim3A_2070, %get3A_2029] : memref<64x4x128xf32, #tpu.memory_space<vmem>>[vector<16xi32>, vector<16xi32>, vector<16xi32>], vector<16xf32>,
    %swap3A_2078 = arith.constant 3 : i32
    %swap3A_2079 = arith.index_cast %swap3A_2078 : i32 to index
    %swap3A_2080 = arith.constant 368 : index
    %swap3A_2081 = tpu.vector_load %arg9[%swap3A_2079, %swap3A_2080] {strides = array<i32>} : memref<4x512xf32, #tpu.memory_space<vmem>>, vector<16xf32>,
    tpu.vector_store %arg9[%swap3A_2079, %swap3A_2080], %gather3A_2077 {strides = array<i32>} : memref<4x512xf32, #tpu.memory_space<vmem>>, vector<16xf32>,
    %dma_start3A_2082 = arith.constant 7 : i32
    %dma_start3A_2083 = arith.constant 1 : i32
    %dma_start3A_2084 = arith.constant 0 : i32
    %dma_start3A_2085 = arith.constant 0 : i32
    %dma_start3A_2086 = arith.constant 0 : i32
    %dma_start3A_2087 = tpu.memref_slice %arg8[%dma_start3A_2083, %dma_start3A_2084, %dma_start3A_2085, %dma_start3A_2086] : memref<2x64x4x128xf32, #tpu.memory_space<vmem>> -> memref<1x64x4x128xf32, #tpu.memory_space<vmem>>
    %dma_start3A_2088 = tpu.memref_squeeze %dma_start3A_2087 : memref<1x64x4x128xf32, #tpu.memory_space<vmem>> -> memref<64x4x128xf32, #tpu.memory_space<vmem>>
    %dma_start3A_2089 = arith.constant 0 : i32
    %dma_start3A_2090 = tpu.memref_slice %arg6[%dma_start3A_2082, %dma_start3A_2089] : memref<8x64xi32, #tpu.memory_space<vmem>> -> memref<1x64xi32, #tpu.memory_space<vmem>>
    %dma_start3A_2091 = tpu.memref_squeeze %dma_start3A_2090 : memref<1x64xi32, #tpu.memory_space<vmem>> -> memref<64xi32, #tpu.memory_space<vmem>>
    %dma_start3A_2092 = arith.constant 0 : i32
    %dma_start3A_2093 = arith.constant 0 : i32
    %dma_start3A_2094 = arith.constant 0 : i32
    %dma_start3A_2095 = tpu.memref_slice %arg2[%dma_start3A_2092, %dma_start3A_2093, %dma_start3A_2094] : memref<7813x4x128xf32, #tpu.memory_space<hbm>> -> memref<7813x4x128xf32, #tpu.memory_space<hbm>>
    tpu.enqueue_indirect_dma source(%dma_start3A_2095 : memref<7813x4x128xf32, #tpu.memory_space<hbm>>) target(%dma_start3A_2088 : memref<64x4x128xf32, #tpu.memory_space<vmem>>) offsets(%dma_start3A_2091 : memref<64xi32, #tpu.memory_space<vmem>>) semaphore(%arg11 : memref<!tpu.dma_semaphore, #tpu.memory_space<semaphore_mem>>)
    %dma_wait3A_2096 = arith.constant 6 : i32
    %dma_wait3A_2097 = arith.constant 0 : i32
    %dma_wait3A_2098 = arith.constant 0 : i32
    %dma_wait3A_2099 = arith.constant 0 : i32
    %dma_wait3A_2100 = arith.constant 0 : i32
    %dma_wait3A_2101 = tpu.memref_slice %arg8[%dma_wait3A_2097, %dma_wait3A_2098, %dma_wait3A_2099, %dma_wait3A_2100] : memref<2x64x4x128xf32, #tpu.memory_space<vmem>> -> memref<1x64x4x128xf32, #tpu.memory_space<vmem>>
    %dma_wait3A_2102 = tpu.memref_squeeze %dma_wait3A_2101 : memref<1x64x4x128xf32, #tpu.memory_space<vmem>> -> memref<64x4x128xf32, #tpu.memory_space<vmem>>
    %dma_wait3A_2103 = arith.constant 0 : i32
    %dma_wait3A_2104 = tpu.memref_slice %arg6[%dma_wait3A_2096, %dma_wait3A_2103] : memref<8x64xi32, #tpu.memory_space<vmem>> -> memref<1x64xi32, #tpu.memory_space<vmem>>
    %dma_wait3A_2105 = tpu.memref_squeeze %dma_wait3A_2104 : memref<1x64xi32, #tpu.memory_space<vmem>> -> memref<64xi32, #tpu.memory_space<vmem>>
    %dma_wait3A_2106 = arith.constant 0 : i32
    %dma_wait3A_2107 = arith.constant 0 : i32
    %dma_wait3A_2108 = arith.constant 0 : i32
    %dma_wait3A_2109 = tpu.memref_slice %arg2[%dma_wait3A_2106, %dma_wait3A_2107, %dma_wait3A_2108] : memref<7813x4x128xf32, #tpu.memory_space<hbm>> -> memref<7813x4x128xf32, #tpu.memory_space<hbm>>
    tpu.wait_indirect_dma semaphore(%arg10 : memref<!tpu.dma_semaphore, #tpu.memory_space<semaphore_mem>>) src(%dma_wait3A_2109 : memref<7813x4x128xf32, #tpu.memory_space<hbm>>) dst(%dma_wait3A_2102 : memref<64x4x128xf32, #tpu.memory_space<vmem>>)
    %iota3A_2110 = tpu.iota {dimensions = array<i32: 0>} : vector<16xi32>
    %add3A_2111 = arith.constant 0 : i32
    %add3A_2112 = vector.broadcast %add3A_2111 : i32 to vector<16xi32>
    %add3A_2113 = arith.addi %add3A_2112, %iota3A_2110 : vector<16xi32>
    %get3A_2114 = arith.constant 384 : index
    %get3A_2115 = tpu.vector_load %arg7[%get3A_2114] {strides = array<i32>} : memref<512xi32, #tpu.memory_space<vmem>>, vector<16xi32>,
    %broadcast_in_dim3A_2116 = arith.constant 0 : i32
    %broadcast_in_dim3A_2117 = vector.broadcast %broadcast_in_dim3A_2116 : i32 to vector<16xi32>
    %gather3A_2118 = arith.constant 0 : i32
    %gather3A_2119 = arith.constant 0 : i32
    %gather3A_2120 = arith.constant 0 : i32
    %gather3A_2121 = arith.constant 0 : i32
    %gather3A_2122 = tpu.memref_slice %arg8[%gather3A_2118, %gather3A_2119, %gather3A_2120, %gather3A_2121] : memref<2x64x4x128xf32, #tpu.memory_space<vmem>> -> memref<1x64x4x128xf32, #tpu.memory_space<vmem>>
    %gather3A_2123 = tpu.memref_squeeze %gather3A_2122 : memref<1x64x4x128xf32, #tpu.memory_space<vmem>> -> memref<64x4x128xf32, #tpu.memory_space<vmem>>
    %gather3A_2124 = tpu.vector_load_idx %gather3A_2123[%add3A_2113, %broadcast_in_dim3A_2117, %get3A_2115] : memref<64x4x128xf32, #tpu.memory_space<vmem>>[vector<16xi32>, vector<16xi32>, vector<16xi32>], vector<16xf32>,
    %swap3A_2125 = arith.constant 0 : i32
    %swap3A_2126 = arith.index_cast %swap3A_2125 : i32 to index
    %swap3A_2127 = arith.constant 384 : index
    %swap3A_2128 = tpu.vector_load %arg9[%swap3A_2126, %swap3A_2127] {strides = array<i32>} : memref<4x512xf32, #tpu.memory_space<vmem>>, vector<16xf32>,
    tpu.vector_store %arg9[%swap3A_2126, %swap3A_2127], %gather3A_2124 {strides = array<i32>} : memref<4x512xf32, #tpu.memory_space<vmem>>, vector<16xf32>,
    %broadcast_in_dim3A_2129 = arith.constant 1 : i32
    %broadcast_in_dim3A_2130 = vector.broadcast %broadcast_in_dim3A_2129 : i32 to vector<16xi32>
    %gather3A_2131 = arith.constant 0 : i32
    %gather3A_2132 = arith.constant 0 : i32
    %gather3A_2133 = arith.constant 0 : i32
    %gather3A_2134 = arith.constant 0 : i32
    %gather3A_2135 = tpu.memref_slice %arg8[%gather3A_2131, %gather3A_2132, %gather3A_2133, %gather3A_2134] : memref<2x64x4x128xf32, #tpu.memory_space<vmem>> -> memref<1x64x4x128xf32, #tpu.memory_space<vmem>>
    %gather3A_2136 = tpu.memref_squeeze %gather3A_2135 : memref<1x64x4x128xf32, #tpu.memory_space<vmem>> -> memref<64x4x128xf32, #tpu.memory_space<vmem>>
    %gather3A_2137 = tpu.vector_load_idx %gather3A_2136[%add3A_2113, %broadcast_in_dim3A_2130, %get3A_2115] : memref<64x4x128xf32, #tpu.memory_space<vmem>>[vector<16xi32>, vector<16xi32>, vector<16xi32>], vector<16xf32>,
    %swap3A_2138 = arith.constant 1 : i32
    %swap3A_2139 = arith.index_cast %swap3A_2138 : i32 to index
    %swap3A_2140 = arith.constant 384 : index
    %swap3A_2141 = tpu.vector_load %arg9[%swap3A_2139, %swap3A_2140] {strides = array<i32>} : memref<4x512xf32, #tpu.memory_space<vmem>>, vector<16xf32>,
    tpu.vector_store %arg9[%swap3A_2139, %swap3A_2140], %gather3A_2137 {strides = array<i32>} : memref<4x512xf32, #tpu.memory_space<vmem>>, vector<16xf32>,
    %broadcast_in_dim3A_2142 = arith.constant 2 : i32
    %broadcast_in_dim3A_2143 = vector.broadcast %broadcast_in_dim3A_2142 : i32 to vector<16xi32>
    %gather3A_2144 = arith.constant 0 : i32
    %gather3A_2145 = arith.constant 0 : i32
    %gather3A_2146 = arith.constant 0 : i32
    %gather3A_2147 = arith.constant 0 : i32
    %gather3A_2148 = tpu.memref_slice %arg8[%gather3A_2144, %gather3A_2145, %gather3A_2146, %gather3A_2147] : memref<2x64x4x128xf32, #tpu.memory_space<vmem>> -> memref<1x64x4x128xf32, #tpu.memory_space<vmem>>
    %gather3A_2149 = tpu.memref_squeeze %gather3A_2148 : memref<1x64x4x128xf32, #tpu.memory_space<vmem>> -> memref<64x4x128xf32, #tpu.memory_space<vmem>>
    %gather3A_2150 = tpu.vector_load_idx %gather3A_2149[%add3A_2113, %broadcast_in_dim3A_2143, %get3A_2115] : memref<64x4x128xf32, #tpu.memory_space<vmem>>[vector<16xi32>, vector<16xi32>, vector<16xi32>], vector<16xf32>,
    %swap3A_2151 = arith.constant 2 : i32
    %swap3A_2152 = arith.index_cast %swap3A_2151 : i32 to index
    %swap3A_2153 = arith.constant 384 : index
    %swap3A_2154 = tpu.vector_load %arg9[%swap3A_2152, %swap3A_2153] {strides = array<i32>} : memref<4x512xf32, #tpu.memory_space<vmem>>, vector<16xf32>,
    tpu.vector_store %arg9[%swap3A_2152, %swap3A_2153], %gather3A_2150 {strides = array<i32>} : memref<4x512xf32, #tpu.memory_space<vmem>>, vector<16xf32>,
    %broadcast_in_dim3A_2155 = arith.constant 3 : i32
    %broadcast_in_dim3A_2156 = vector.broadcast %broadcast_in_dim3A_2155 : i32 to vector<16xi32>
    %gather3A_2157 = arith.constant 0 : i32
    %gather3A_2158 = arith.constant 0 : i32
    %gather3A_2159 = arith.constant 0 : i32
    %gather3A_2160 = arith.constant 0 : i32
    %gather3A_2161 = tpu.memref_slice %arg8[%gather3A_2157, %gather3A_2158, %gather3A_2159, %gather3A_2160] : memref<2x64x4x128xf32, #tpu.memory_space<vmem>> -> memref<1x64x4x128xf32, #tpu.memory_space<vmem>>
    %gather3A_2162 = tpu.memref_squeeze %gather3A_2161 : memref<1x64x4x128xf32, #tpu.memory_space<vmem>> -> memref<64x4x128xf32, #tpu.memory_space<vmem>>
    %gather3A_2163 = tpu.vector_load_idx %gather3A_2162[%add3A_2113, %broadcast_in_dim3A_2156, %get3A_2115] : memref<64x4x128xf32, #tpu.memory_space<vmem>>[vector<16xi32>, vector<16xi32>, vector<16xi32>], vector<16xf32>,
    %swap3A_2164 = arith.constant 3 : i32
    %swap3A_2165 = arith.index_cast %swap3A_2164 : i32 to index
    %swap3A_2166 = arith.constant 384 : index
    %swap3A_2167 = tpu.vector_load %arg9[%swap3A_2165, %swap3A_2166] {strides = array<i32>} : memref<4x512xf32, #tpu.memory_space<vmem>>, vector<16xf32>,
    tpu.vector_store %arg9[%swap3A_2165, %swap3A_2166], %gather3A_2163 {strides = array<i32>} : memref<4x512xf32, #tpu.memory_space<vmem>>, vector<16xf32>,
    %iota3A_2168 = tpu.iota {dimensions = array<i32: 0>} : vector<16xi32>
    %add3A_2169 = arith.constant 16 : i32
    %add3A_2170 = vector.broadcast %add3A_2169 : i32 to vector<16xi32>
    %add3A_2171 = arith.addi %add3A_2170, %iota3A_2168 : vector<16xi32>
    %get3A_2172 = arith.constant 400 : index
    %get3A_2173 = tpu.vector_load %arg7[%get3A_2172] {strides = array<i32>} : memref<512xi32, #tpu.memory_space<vmem>>, vector<16xi32>,
    %broadcast_in_dim3A_2174 = arith.constant 0 : i32
    %broadcast_in_dim3A_2175 = vector.broadcast %broadcast_in_dim3A_2174 : i32 to vector<16xi32>
    %gather3A_2176 = arith.constant 0 : i32
    %gather3A_2177 = arith.constant 0 : i32
    %gather3A_2178 = arith.constant 0 : i32
    %gather3A_2179 = arith.constant 0 : i32
    %gather3A_2180 = tpu.memref_slice %arg8[%gather3A_2176, %gather3A_2177, %gather3A_2178, %gather3A_2179] : memref<2x64x4x128xf32, #tpu.memory_space<vmem>> -> memref<1x64x4x128xf32, #tpu.memory_space<vmem>>
    %gather3A_2181 = tpu.memref_squeeze %gather3A_2180 : memref<1x64x4x128xf32, #tpu.memory_space<vmem>> -> memref<64x4x128xf32, #tpu.memory_space<vmem>>
    %gather3A_2182 = tpu.vector_load_idx %gather3A_2181[%add3A_2171, %broadcast_in_dim3A_2175, %get3A_2173] : memref<64x4x128xf32, #tpu.memory_space<vmem>>[vector<16xi32>, vector<16xi32>, vector<16xi32>], vector<16xf32>,
    %swap3A_2183 = arith.constant 0 : i32
    %swap3A_2184 = arith.index_cast %swap3A_2183 : i32 to index
    %swap3A_2185 = arith.constant 400 : index
    %swap3A_2186 = tpu.vector_load %arg9[%swap3A_2184, %swap3A_2185] {strides = array<i32>} : memref<4x512xf32, #tpu.memory_space<vmem>>, vector<16xf32>,
    tpu.vector_store %arg9[%swap3A_2184, %swap3A_2185], %gather3A_2182 {strides = array<i32>} : memref<4x512xf32, #tpu.memory_space<vmem>>, vector<16xf32>,
    %broadcast_in_dim3A_2187 = arith.constant 1 : i32
    %broadcast_in_dim3A_2188 = vector.broadcast %broadcast_in_dim3A_2187 : i32 to vector<16xi32>
    %gather3A_2189 = arith.constant 0 : i32
    %gather3A_2190 = arith.constant 0 : i32
    %gather3A_2191 = arith.constant 0 : i32
    %gather3A_2192 = arith.constant 0 : i32
    %gather3A_2193 = tpu.memref_slice %arg8[%gather3A_2189, %gather3A_2190, %gather3A_2191, %gather3A_2192] : memref<2x64x4x128xf32, #tpu.memory_space<vmem>> -> memref<1x64x4x128xf32, #tpu.memory_space<vmem>>
    %gather3A_2194 = tpu.memref_squeeze %gather3A_2193 : memref<1x64x4x128xf32, #tpu.memory_space<vmem>> -> memref<64x4x128xf32, #tpu.memory_space<vmem>>
    %gather3A_2195 = tpu.vector_load_idx %gather3A_2194[%add3A_2171, %broadcast_in_dim3A_2188, %get3A_2173] : memref<64x4x128xf32, #tpu.memory_space<vmem>>[vector<16xi32>, vector<16xi32>, vector<16xi32>], vector<16xf32>,
    %swap3A_2196 = arith.constant 1 : i32
    %swap3A_2197 = arith.index_cast %swap3A_2196 : i32 to index
    %swap3A_2198 = arith.constant 400 : index
    %swap3A_2199 = tpu.vector_load %arg9[%swap3A_2197, %swap3A_2198] {strides = array<i32>} : memref<4x512xf32, #tpu.memory_space<vmem>>, vector<16xf32>,
    tpu.vector_store %arg9[%swap3A_2197, %swap3A_2198], %gather3A_2195 {strides = array<i32>} : memref<4x512xf32, #tpu.memory_space<vmem>>, vector<16xf32>,
    %broadcast_in_dim3A_2200 = arith.constant 2 : i32
    %broadcast_in_dim3A_2201 = vector.broadcast %broadcast_in_dim3A_2200 : i32 to vector<16xi32>
    %gather3A_2202 = arith.constant 0 : i32
    %gather3A_2203 = arith.constant 0 : i32
    %gather3A_2204 = arith.constant 0 : i32
    %gather3A_2205 = arith.constant 0 : i32
    %gather3A_2206 = tpu.memref_slice %arg8[%gather3A_2202, %gather3A_2203, %gather3A_2204, %gather3A_2205] : memref<2x64x4x128xf32, #tpu.memory_space<vmem>> -> memref<1x64x4x128xf32, #tpu.memory_space<vmem>>
    %gather3A_2207 = tpu.memref_squeeze %gather3A_2206 : memref<1x64x4x128xf32, #tpu.memory_space<vmem>> -> memref<64x4x128xf32, #tpu.memory_space<vmem>>
    %gather3A_2208 = tpu.vector_load_idx %gather3A_2207[%add3A_2171, %broadcast_in_dim3A_2201, %get3A_2173] : memref<64x4x128xf32, #tpu.memory_space<vmem>>[vector<16xi32>, vector<16xi32>, vector<16xi32>], vector<16xf32>,
    %swap3A_2209 = arith.constant 2 : i32
    %swap3A_2210 = arith.index_cast %swap3A_2209 : i32 to index
    %swap3A_2211 = arith.constant 400 : index
    %swap3A_2212 = tpu.vector_load %arg9[%swap3A_2210, %swap3A_2211] {strides = array<i32>} : memref<4x512xf32, #tpu.memory_space<vmem>>, vector<16xf32>,
    tpu.vector_store %arg9[%swap3A_2210, %swap3A_2211], %gather3A_2208 {strides = array<i32>} : memref<4x512xf32, #tpu.memory_space<vmem>>, vector<16xf32>,
    %broadcast_in_dim3A_2213 = arith.constant 3 : i32
    %broadcast_in_dim3A_2214 = vector.broadcast %broadcast_in_dim3A_2213 : i32 to vector<16xi32>
    %gather3A_2215 = arith.constant 0 : i32
    %gather3A_2216 = arith.constant 0 : i32
    %gather3A_2217 = arith.constant 0 : i32
    %gather3A_2218 = arith.constant 0 : i32
    %gather3A_2219 = tpu.memref_slice %arg8[%gather3A_2215, %gather3A_2216, %gather3A_2217, %gather3A_2218] : memref<2x64x4x128xf32, #tpu.memory_space<vmem>> -> memref<1x64x4x128xf32, #tpu.memory_space<vmem>>
    %gather3A_2220 = tpu.memref_squeeze %gather3A_2219 : memref<1x64x4x128xf32, #tpu.memory_space<vmem>> -> memref<64x4x128xf32, #tpu.memory_space<vmem>>
    %gather3A_2221 = tpu.vector_load_idx %gather3A_2220[%add3A_2171, %broadcast_in_dim3A_2214, %get3A_2173] : memref<64x4x128xf32, #tpu.memory_space<vmem>>[vector<16xi32>, vector<16xi32>, vector<16xi32>], vector<16xf32>,
    %swap3A_2222 = arith.constant 3 : i32
    %swap3A_2223 = arith.index_cast %swap3A_2222 : i32 to index
    %swap3A_2224 = arith.constant 400 : index
    %swap3A_2225 = tpu.vector_load %arg9[%swap3A_2223, %swap3A_2224] {strides = array<i32>} : memref<4x512xf32, #tpu.memory_space<vmem>>, vector<16xf32>,
    tpu.vector_store %arg9[%swap3A_2223, %swap3A_2224], %gather3A_2221 {strides = array<i32>} : memref<4x512xf32, #tpu.memory_space<vmem>>, vector<16xf32>,
    %iota3A_2226 = tpu.iota {dimensions = array<i32: 0>} : vector<16xi32>
    %add3A_2227 = arith.constant 32 : i32
    %add3A_2228 = vector.broadcast %add3A_2227 : i32 to vector<16xi32>
    %add3A_2229 = arith.addi %add3A_2228, %iota3A_2226 : vector<16xi32>
    %get3A_2230 = arith.constant 416 : index
    %get3A_2231 = tpu.vector_load %arg7[%get3A_2230] {strides = array<i32>} : memref<512xi32, #tpu.memory_space<vmem>>, vector<16xi32>,
    %broadcast_in_dim3A_2232 = arith.constant 0 : i32
    %broadcast_in_dim3A_2233 = vector.broadcast %broadcast_in_dim3A_2232 : i32 to vector<16xi32>
    %gather3A_2234 = arith.constant 0 : i32
    %gather3A_2235 = arith.constant 0 : i32
    %gather3A_2236 = arith.constant 0 : i32
    %gather3A_2237 = arith.constant 0 : i32
    %gather3A_2238 = tpu.memref_slice %arg8[%gather3A_2234, %gather3A_2235, %gather3A_2236, %gather3A_2237] : memref<2x64x4x128xf32, #tpu.memory_space<vmem>> -> memref<1x64x4x128xf32, #tpu.memory_space<vmem>>
    %gather3A_2239 = tpu.memref_squeeze %gather3A_2238 : memref<1x64x4x128xf32, #tpu.memory_space<vmem>> -> memref<64x4x128xf32, #tpu.memory_space<vmem>>
    %gather3A_2240 = tpu.vector_load_idx %gather3A_2239[%add3A_2229, %broadcast_in_dim3A_2233, %get3A_2231] : memref<64x4x128xf32, #tpu.memory_space<vmem>>[vector<16xi32>, vector<16xi32>, vector<16xi32>], vector<16xf32>,
    %swap3A_2241 = arith.constant 0 : i32
    %swap3A_2242 = arith.index_cast %swap3A_2241 : i32 to index
    %swap3A_2243 = arith.constant 416 : index
    %swap3A_2244 = tpu.vector_load %arg9[%swap3A_2242, %swap3A_2243] {strides = array<i32>} : memref<4x512xf32, #tpu.memory_space<vmem>>, vector<16xf32>,
    tpu.vector_store %arg9[%swap3A_2242, %swap3A_2243], %gather3A_2240 {strides = array<i32>} : memref<4x512xf32, #tpu.memory_space<vmem>>, vector<16xf32>,
    %broadcast_in_dim3A_2245 = arith.constant 1 : i32
    %broadcast_in_dim3A_2246 = vector.broadcast %broadcast_in_dim3A_2245 : i32 to vector<16xi32>
    %gather3A_2247 = arith.constant 0 : i32
    %gather3A_2248 = arith.constant 0 : i32
    %gather3A_2249 = arith.constant 0 : i32
    %gather3A_2250 = arith.constant 0 : i32
    %gather3A_2251 = tpu.memref_slice %arg8[%gather3A_2247, %gather3A_2248, %gather3A_2249, %gather3A_2250] : memref<2x64x4x128xf32, #tpu.memory_space<vmem>> -> memref<1x64x4x128xf32, #tpu.memory_space<vmem>>
    %gather3A_2252 = tpu.memref_squeeze %gather3A_2251 : memref<1x64x4x128xf32, #tpu.memory_space<vmem>> -> memref<64x4x128xf32, #tpu.memory_space<vmem>>
    %gather3A_2253 = tpu.vector_load_idx %gather3A_2252[%add3A_2229, %broadcast_in_dim3A_2246, %get3A_2231] : memref<64x4x128xf32, #tpu.memory_space<vmem>>[vector<16xi32>, vector<16xi32>, vector<16xi32>], vector<16xf32>,
    %swap3A_2254 = arith.constant 1 : i32
    %swap3A_2255 = arith.index_cast %swap3A_2254 : i32 to index
    %swap3A_2256 = arith.constant 416 : index
    %swap3A_2257 = tpu.vector_load %arg9[%swap3A_2255, %swap3A_2256] {strides = array<i32>} : memref<4x512xf32, #tpu.memory_space<vmem>>, vector<16xf32>,
    tpu.vector_store %arg9[%swap3A_2255, %swap3A_2256], %gather3A_2253 {strides = array<i32>} : memref<4x512xf32, #tpu.memory_space<vmem>>, vector<16xf32>,
    %broadcast_in_dim3A_2258 = arith.constant 2 : i32
    %broadcast_in_dim3A_2259 = vector.broadcast %broadcast_in_dim3A_2258 : i32 to vector<16xi32>
    %gather3A_2260 = arith.constant 0 : i32
    %gather3A_2261 = arith.constant 0 : i32
    %gather3A_2262 = arith.constant 0 : i32
    %gather3A_2263 = arith.constant 0 : i32
    %gather3A_2264 = tpu.memref_slice %arg8[%gather3A_2260, %gather3A_2261, %gather3A_2262, %gather3A_2263] : memref<2x64x4x128xf32, #tpu.memory_space<vmem>> -> memref<1x64x4x128xf32, #tpu.memory_space<vmem>>
    %gather3A_2265 = tpu.memref_squeeze %gather3A_2264 : memref<1x64x4x128xf32, #tpu.memory_space<vmem>> -> memref<64x4x128xf32, #tpu.memory_space<vmem>>
    %gather3A_2266 = tpu.vector_load_idx %gather3A_2265[%add3A_2229, %broadcast_in_dim3A_2259, %get3A_2231] : memref<64x4x128xf32, #tpu.memory_space<vmem>>[vector<16xi32>, vector<16xi32>, vector<16xi32>], vector<16xf32>,
    %swap3A_2267 = arith.constant 2 : i32
    %swap3A_2268 = arith.index_cast %swap3A_2267 : i32 to index
    %swap3A_2269 = arith.constant 416 : index
    %swap3A_2270 = tpu.vector_load %arg9[%swap3A_2268, %swap3A_2269] {strides = array<i32>} : memref<4x512xf32, #tpu.memory_space<vmem>>, vector<16xf32>,
    tpu.vector_store %arg9[%swap3A_2268, %swap3A_2269], %gather3A_2266 {strides = array<i32>} : memref<4x512xf32, #tpu.memory_space<vmem>>, vector<16xf32>,
    %broadcast_in_dim3A_2271 = arith.constant 3 : i32
    %broadcast_in_dim3A_2272 = vector.broadcast %broadcast_in_dim3A_2271 : i32 to vector<16xi32>
    %gather3A_2273 = arith.constant 0 : i32
    %gather3A_2274 = arith.constant 0 : i32
    %gather3A_2275 = arith.constant 0 : i32
    %gather3A_2276 = arith.constant 0 : i32
    %gather3A_2277 = tpu.memref_slice %arg8[%gather3A_2273, %gather3A_2274, %gather3A_2275, %gather3A_2276] : memref<2x64x4x128xf32, #tpu.memory_space<vmem>> -> memref<1x64x4x128xf32, #tpu.memory_space<vmem>>
    %gather3A_2278 = tpu.memref_squeeze %gather3A_2277 : memref<1x64x4x128xf32, #tpu.memory_space<vmem>> -> memref<64x4x128xf32, #tpu.memory_space<vmem>>
    %gather3A_2279 = tpu.vector_load_idx %gather3A_2278[%add3A_2229, %broadcast_in_dim3A_2272, %get3A_2231] : memref<64x4x128xf32, #tpu.memory_space<vmem>>[vector<16xi32>, vector<16xi32>, vector<16xi32>], vector<16xf32>,
    %swap3A_2280 = arith.constant 3 : i32
    %swap3A_2281 = arith.index_cast %swap3A_2280 : i32 to index
    %swap3A_2282 = arith.constant 416 : index
    %swap3A_2283 = tpu.vector_load %arg9[%swap3A_2281, %swap3A_2282] {strides = array<i32>} : memref<4x512xf32, #tpu.memory_space<vmem>>, vector<16xf32>,
    tpu.vector_store %arg9[%swap3A_2281, %swap3A_2282], %gather3A_2279 {strides = array<i32>} : memref<4x512xf32, #tpu.memory_space<vmem>>, vector<16xf32>,
    %iota3A_2284 = tpu.iota {dimensions = array<i32: 0>} : vector<16xi32>
    %add3A_2285 = arith.constant 48 : i32
    %add3A_2286 = vector.broadcast %add3A_2285 : i32 to vector<16xi32>
    %add3A_2287 = arith.addi %add3A_2286, %iota3A_2284 : vector<16xi32>
    %get3A_2288 = arith.constant 432 : index
    %get3A_2289 = tpu.vector_load %arg7[%get3A_2288] {strides = array<i32>} : memref<512xi32, #tpu.memory_space<vmem>>, vector<16xi32>,
    %broadcast_in_dim3A_2290 = arith.constant 0 : i32
    %broadcast_in_dim3A_2291 = vector.broadcast %broadcast_in_dim3A_2290 : i32 to vector<16xi32>
    %gather3A_2292 = arith.constant 0 : i32
    %gather3A_2293 = arith.constant 0 : i32
    %gather3A_2294 = arith.constant 0 : i32
    %gather3A_2295 = arith.constant 0 : i32
    %gather3A_2296 = tpu.memref_slice %arg8[%gather3A_2292, %gather3A_2293, %gather3A_2294, %gather3A_2295] : memref<2x64x4x128xf32, #tpu.memory_space<vmem>> -> memref<1x64x4x128xf32, #tpu.memory_space<vmem>>
    %gather3A_2297 = tpu.memref_squeeze %gather3A_2296 : memref<1x64x4x128xf32, #tpu.memory_space<vmem>> -> memref<64x4x128xf32, #tpu.memory_space<vmem>>
    %gather3A_2298 = tpu.vector_load_idx %gather3A_2297[%add3A_2287, %broadcast_in_dim3A_2291, %get3A_2289] : memref<64x4x128xf32, #tpu.memory_space<vmem>>[vector<16xi32>, vector<16xi32>, vector<16xi32>], vector<16xf32>,
    %swap3A_2299 = arith.constant 0 : i32
    %swap3A_2300 = arith.index_cast %swap3A_2299 : i32 to index
    %swap3A_2301 = arith.constant 432 : index
    %swap3A_2302 = tpu.vector_load %arg9[%swap3A_2300, %swap3A_2301] {strides = array<i32>} : memref<4x512xf32, #tpu.memory_space<vmem>>, vector<16xf32>,
    tpu.vector_store %arg9[%swap3A_2300, %swap3A_2301], %gather3A_2298 {strides = array<i32>} : memref<4x512xf32, #tpu.memory_space<vmem>>, vector<16xf32>,
    %broadcast_in_dim3A_2303 = arith.constant 1 : i32
    %broadcast_in_dim3A_2304 = vector.broadcast %broadcast_in_dim3A_2303 : i32 to vector<16xi32>
    %gather3A_2305 = arith.constant 0 : i32
    %gather3A_2306 = arith.constant 0 : i32
    %gather3A_2307 = arith.constant 0 : i32
    %gather3A_2308 = arith.constant 0 : i32
    %gather3A_2309 = tpu.memref_slice %arg8[%gather3A_2305, %gather3A_2306, %gather3A_2307, %gather3A_2308] : memref<2x64x4x128xf32, #tpu.memory_space<vmem>> -> memref<1x64x4x128xf32, #tpu.memory_space<vmem>>
    %gather3A_2310 = tpu.memref_squeeze %gather3A_2309 : memref<1x64x4x128xf32, #tpu.memory_space<vmem>> -> memref<64x4x128xf32, #tpu.memory_space<vmem>>
    %gather3A_2311 = tpu.vector_load_idx %gather3A_2310[%add3A_2287, %broadcast_in_dim3A_2304, %get3A_2289] : memref<64x4x128xf32, #tpu.memory_space<vmem>>[vector<16xi32>, vector<16xi32>, vector<16xi32>], vector<16xf32>,
    %swap3A_2312 = arith.constant 1 : i32
    %swap3A_2313 = arith.index_cast %swap3A_2312 : i32 to index
    %swap3A_2314 = arith.constant 432 : index
    %swap3A_2315 = tpu.vector_load %arg9[%swap3A_2313, %swap3A_2314] {strides = array<i32>} : memref<4x512xf32, #tpu.memory_space<vmem>>, vector<16xf32>,
    tpu.vector_store %arg9[%swap3A_2313, %swap3A_2314], %gather3A_2311 {strides = array<i32>} : memref<4x512xf32, #tpu.memory_space<vmem>>, vector<16xf32>,
    %broadcast_in_dim3A_2316 = arith.constant 2 : i32
    %broadcast_in_dim3A_2317 = vector.broadcast %broadcast_in_dim3A_2316 : i32 to vector<16xi32>
    %gather3A_2318 = arith.constant 0 : i32
    %gather3A_2319 = arith.constant 0 : i32
    %gather3A_2320 = arith.constant 0 : i32
    %gather3A_2321 = arith.constant 0 : i32
    %gather3A_2322 = tpu.memref_slice %arg8[%gather3A_2318, %gather3A_2319, %gather3A_2320, %gather3A_2321] : memref<2x64x4x128xf32, #tpu.memory_space<vmem>> -> memref<1x64x4x128xf32, #tpu.memory_space<vmem>>
    %gather3A_2323 = tpu.memref_squeeze %gather3A_2322 : memref<1x64x4x128xf32, #tpu.memory_space<vmem>> -> memref<64x4x128xf32, #tpu.memory_space<vmem>>
    %gather3A_2324 = tpu.vector_load_idx %gather3A_2323[%add3A_2287, %broadcast_in_dim3A_2317, %get3A_2289] : memref<64x4x128xf32, #tpu.memory_space<vmem>>[vector<16xi32>, vector<16xi32>, vector<16xi32>], vector<16xf32>,
    %swap3A_2325 = arith.constant 2 : i32
    %swap3A_2326 = arith.index_cast %swap3A_2325 : i32 to index
    %swap3A_2327 = arith.constant 432 : index
    %swap3A_2328 = tpu.vector_load %arg9[%swap3A_2326, %swap3A_2327] {strides = array<i32>} : memref<4x512xf32, #tpu.memory_space<vmem>>, vector<16xf32>,
    tpu.vector_store %arg9[%swap3A_2326, %swap3A_2327], %gather3A_2324 {strides = array<i32>} : memref<4x512xf32, #tpu.memory_space<vmem>>, vector<16xf32>,
    %broadcast_in_dim3A_2329 = arith.constant 3 : i32
    %broadcast_in_dim3A_2330 = vector.broadcast %broadcast_in_dim3A_2329 : i32 to vector<16xi32>
    %gather3A_2331 = arith.constant 0 : i32
    %gather3A_2332 = arith.constant 0 : i32
    %gather3A_2333 = arith.constant 0 : i32
    %gather3A_2334 = arith.constant 0 : i32
    %gather3A_2335 = tpu.memref_slice %arg8[%gather3A_2331, %gather3A_2332, %gather3A_2333, %gather3A_2334] : memref<2x64x4x128xf32, #tpu.memory_space<vmem>> -> memref<1x64x4x128xf32, #tpu.memory_space<vmem>>
    %gather3A_2336 = tpu.memref_squeeze %gather3A_2335 : memref<1x64x4x128xf32, #tpu.memory_space<vmem>> -> memref<64x4x128xf32, #tpu.memory_space<vmem>>
    %gather3A_2337 = tpu.vector_load_idx %gather3A_2336[%add3A_2287, %broadcast_in_dim3A_2330, %get3A_2289] : memref<64x4x128xf32, #tpu.memory_space<vmem>>[vector<16xi32>, vector<16xi32>, vector<16xi32>], vector<16xf32>,
    %swap3A_2338 = arith.constant 3 : i32
    %swap3A_2339 = arith.index_cast %swap3A_2338 : i32 to index
    %swap3A_2340 = arith.constant 432 : index
    %swap3A_2341 = tpu.vector_load %arg9[%swap3A_2339, %swap3A_2340] {strides = array<i32>} : memref<4x512xf32, #tpu.memory_space<vmem>>, vector<16xf32>,
    tpu.vector_store %arg9[%swap3A_2339, %swap3A_2340], %gather3A_2337 {strides = array<i32>} : memref<4x512xf32, #tpu.memory_space<vmem>>, vector<16xf32>,
    %dma_wait3A_2342 = arith.constant 7 : i32
    %dma_wait3A_2343 = arith.constant 1 : i32
    %dma_wait3A_2344 = arith.constant 0 : i32
    %dma_wait3A_2345 = arith.constant 0 : i32
    %dma_wait3A_2346 = arith.constant 0 : i32
    %dma_wait3A_2347 = tpu.memref_slice %arg8[%dma_wait3A_2343, %dma_wait3A_2344, %dma_wait3A_2345, %dma_wait3A_2346] : memref<2x64x4x128xf32, #tpu.memory_space<vmem>> -> memref<1x64x4x128xf32, #tpu.memory_space<vmem>>
    %dma_wait3A_2348 = tpu.memref_squeeze %dma_wait3A_2347 : memref<1x64x4x128xf32, #tpu.memory_space<vmem>> -> memref<64x4x128xf32, #tpu.memory_space<vmem>>
    %dma_wait3A_2349 = arith.constant 0 : i32
    %dma_wait3A_2350 = tpu.memref_slice %arg6[%dma_wait3A_2342, %dma_wait3A_2349] : memref<8x64xi32, #tpu.memory_space<vmem>> -> memref<1x64xi32, #tpu.memory_space<vmem>>
    %dma_wait3A_2351 = tpu.memref_squeeze %dma_wait3A_2350 : memref<1x64xi32, #tpu.memory_space<vmem>> -> memref<64xi32, #tpu.memory_space<vmem>>
    %dma_wait3A_2352 = arith.constant 0 : i32
    %dma_wait3A_2353 = arith.constant 0 : i32
    %dma_wait3A_2354 = arith.constant 0 : i32
    %dma_wait3A_2355 = tpu.memref_slice %arg2[%dma_wait3A_2352, %dma_wait3A_2353, %dma_wait3A_2354] : memref<7813x4x128xf32, #tpu.memory_space<hbm>> -> memref<7813x4x128xf32, #tpu.memory_space<hbm>>
    tpu.wait_indirect_dma semaphore(%arg11 : memref<!tpu.dma_semaphore, #tpu.memory_space<semaphore_mem>>) src(%dma_wait3A_2355 : memref<7813x4x128xf32, #tpu.memory_space<hbm>>) dst(%dma_wait3A_2348 : memref<64x4x128xf32, #tpu.memory_space<vmem>>)
    %iota3A_2356 = tpu.iota {dimensions = array<i32: 0>} : vector<16xi32>
    %add3A_2357 = arith.constant 0 : i32
    %add3A_2358 = vector.broadcast %add3A_2357 : i32 to vector<16xi32>
    %add3A_2359 = arith.addi %add3A_2358, %iota3A_2356 : vector<16xi32>
    %get3A_2360 = arith.constant 448 : index
    %get3A_2361 = tpu.vector_load %arg7[%get3A_2360] {strides = array<i32>} : memref<512xi32, #tpu.memory_space<vmem>>, vector<16xi32>,
    %broadcast_in_dim3A_2362 = arith.constant 0 : i32
    %broadcast_in_dim3A_2363 = vector.broadcast %broadcast_in_dim3A_2362 : i32 to vector<16xi32>
    %gather3A_2364 = arith.constant 1 : i32
    %gather3A_2365 = arith.constant 0 : i32
    %gather3A_2366 = arith.constant 0 : i32
    %gather3A_2367 = arith.constant 0 : i32
    %gather3A_2368 = tpu.memref_slice %arg8[%gather3A_2364, %gather3A_2365, %gather3A_2366, %gather3A_2367] : memref<2x64x4x128xf32, #tpu.memory_space<vmem>> -> memref<1x64x4x128xf32, #tpu.memory_space<vmem>>
    %gather3A_2369 = tpu.memref_squeeze %gather3A_2368 : memref<1x64x4x128xf32, #tpu.memory_space<vmem>> -> memref<64x4x128xf32, #tpu.memory_space<vmem>>
    %gather3A_2370 = tpu.vector_load_idx %gather3A_2369[%add3A_2359, %broadcast_in_dim3A_2363, %get3A_2361] : memref<64x4x128xf32, #tpu.memory_space<vmem>>[vector<16xi32>, vector<16xi32>, vector<16xi32>], vector<16xf32>,
    %swap3A_2371 = arith.constant 0 : i32
    %swap3A_2372 = arith.index_cast %swap3A_2371 : i32 to index
    %swap3A_2373 = arith.constant 448 : index
    %swap3A_2374 = tpu.vector_load %arg9[%swap3A_2372, %swap3A_2373] {strides = array<i32>} : memref<4x512xf32, #tpu.memory_space<vmem>>, vector<16xf32>,
    tpu.vector_store %arg9[%swap3A_2372, %swap3A_2373], %gather3A_2370 {strides = array<i32>} : memref<4x512xf32, #tpu.memory_space<vmem>>, vector<16xf32>,
    %broadcast_in_dim3A_2375 = arith.constant 1 : i32
    %broadcast_in_dim3A_2376 = vector.broadcast %broadcast_in_dim3A_2375 : i32 to vector<16xi32>
    %gather3A_2377 = arith.constant 1 : i32
    %gather3A_2378 = arith.constant 0 : i32
    %gather3A_2379 = arith.constant 0 : i32
    %gather3A_2380 = arith.constant 0 : i32
    %gather3A_2381 = tpu.memref_slice %arg8[%gather3A_2377, %gather3A_2378, %gather3A_2379, %gather3A_2380] : memref<2x64x4x128xf32, #tpu.memory_space<vmem>> -> memref<1x64x4x128xf32, #tpu.memory_space<vmem>>
    %gather3A_2382 = tpu.memref_squeeze %gather3A_2381 : memref<1x64x4x128xf32, #tpu.memory_space<vmem>> -> memref<64x4x128xf32, #tpu.memory_space<vmem>>
    %gather3A_2383 = tpu.vector_load_idx %gather3A_2382[%add3A_2359, %broadcast_in_dim3A_2376, %get3A_2361] : memref<64x4x128xf32, #tpu.memory_space<vmem>>[vector<16xi32>, vector<16xi32>, vector<16xi32>], vector<16xf32>,
    %swap3A_2384 = arith.constant 1 : i32
    %swap3A_2385 = arith.index_cast %swap3A_2384 : i32 to index
    %swap3A_2386 = arith.constant 448 : index
    %swap3A_2387 = tpu.vector_load %arg9[%swap3A_2385, %swap3A_2386] {strides = array<i32>} : memref<4x512xf32, #tpu.memory_space<vmem>>, vector<16xf32>,
    tpu.vector_store %arg9[%swap3A_2385, %swap3A_2386], %gather3A_2383 {strides = array<i32>} : memref<4x512xf32, #tpu.memory_space<vmem>>, vector<16xf32>,
    %broadcast_in_dim3A_2388 = arith.constant 2 : i32
    %broadcast_in_dim3A_2389 = vector.broadcast %broadcast_in_dim3A_2388 : i32 to vector<16xi32>
    %gather3A_2390 = arith.constant 1 : i32
    %gather3A_2391 = arith.constant 0 : i32
    %gather3A_2392 = arith.constant 0 : i32
    %gather3A_2393 = arith.constant 0 : i32
    %gather3A_2394 = tpu.memref_slice %arg8[%gather3A_2390, %gather3A_2391, %gather3A_2392, %gather3A_2393] : memref<2x64x4x128xf32, #tpu.memory_space<vmem>> -> memref<1x64x4x128xf32, #tpu.memory_space<vmem>>
    %gather3A_2395 = tpu.memref_squeeze %gather3A_2394 : memref<1x64x4x128xf32, #tpu.memory_space<vmem>> -> memref<64x4x128xf32, #tpu.memory_space<vmem>>
    %gather3A_2396 = tpu.vector_load_idx %gather3A_2395[%add3A_2359, %broadcast_in_dim3A_2389, %get3A_2361] : memref<64x4x128xf32, #tpu.memory_space<vmem>>[vector<16xi32>, vector<16xi32>, vector<16xi32>], vector<16xf32>,
    %swap3A_2397 = arith.constant 2 : i32
    %swap3A_2398 = arith.index_cast %swap3A_2397 : i32 to index
    %swap3A_2399 = arith.constant 448 : index
    %swap3A_2400 = tpu.vector_load %arg9[%swap3A_2398, %swap3A_2399] {strides = array<i32>} : memref<4x512xf32, #tpu.memory_space<vmem>>, vector<16xf32>,
    tpu.vector_store %arg9[%swap3A_2398, %swap3A_2399], %gather3A_2396 {strides = array<i32>} : memref<4x512xf32, #tpu.memory_space<vmem>>, vector<16xf32>,
    %broadcast_in_dim3A_2401 = arith.constant 3 : i32
    %broadcast_in_dim3A_2402 = vector.broadcast %broadcast_in_dim3A_2401 : i32 to vector<16xi32>
    %gather3A_2403 = arith.constant 1 : i32
    %gather3A_2404 = arith.constant 0 : i32
    %gather3A_2405 = arith.constant 0 : i32
    %gather3A_2406 = arith.constant 0 : i32
    %gather3A_2407 = tpu.memref_slice %arg8[%gather3A_2403, %gather3A_2404, %gather3A_2405, %gather3A_2406] : memref<2x64x4x128xf32, #tpu.memory_space<vmem>> -> memref<1x64x4x128xf32, #tpu.memory_space<vmem>>
    %gather3A_2408 = tpu.memref_squeeze %gather3A_2407 : memref<1x64x4x128xf32, #tpu.memory_space<vmem>> -> memref<64x4x128xf32, #tpu.memory_space<vmem>>
    %gather3A_2409 = tpu.vector_load_idx %gather3A_2408[%add3A_2359, %broadcast_in_dim3A_2402, %get3A_2361] : memref<64x4x128xf32, #tpu.memory_space<vmem>>[vector<16xi32>, vector<16xi32>, vector<16xi32>], vector<16xf32>,
    %swap3A_2410 = arith.constant 3 : i32
    %swap3A_2411 = arith.index_cast %swap3A_2410 : i32 to index
    %swap3A_2412 = arith.constant 448 : index
    %swap3A_2413 = tpu.vector_load %arg9[%swap3A_2411, %swap3A_2412] {strides = array<i32>} : memref<4x512xf32, #tpu.memory_space<vmem>>, vector<16xf32>,
    tpu.vector_store %arg9[%swap3A_2411, %swap3A_2412], %gather3A_2409 {strides = array<i32>} : memref<4x512xf32, #tpu.memory_space<vmem>>, vector<16xf32>,
    %iota3A_2414 = tpu.iota {dimensions = array<i32: 0>} : vector<16xi32>
    %add3A_2415 = arith.constant 16 : i32
    %add3A_2416 = vector.broadcast %add3A_2415 : i32 to vector<16xi32>
    %add3A_2417 = arith.addi %add3A_2416, %iota3A_2414 : vector<16xi32>
    %get3A_2418 = arith.constant 464 : index
    %get3A_2419 = tpu.vector_load %arg7[%get3A_2418] {strides = array<i32>} : memref<512xi32, #tpu.memory_space<vmem>>, vector<16xi32>,
    %broadcast_in_dim3A_2420 = arith.constant 0 : i32
    %broadcast_in_dim3A_2421 = vector.broadcast %broadcast_in_dim3A_2420 : i32 to vector<16xi32>
    %gather3A_2422 = arith.constant 1 : i32
    %gather3A_2423 = arith.constant 0 : i32
    %gather3A_2424 = arith.constant 0 : i32
    %gather3A_2425 = arith.constant 0 : i32
    %gather3A_2426 = tpu.memref_slice %arg8[%gather3A_2422, %gather3A_2423, %gather3A_2424, %gather3A_2425] : memref<2x64x4x128xf32, #tpu.memory_space<vmem>> -> memref<1x64x4x128xf32, #tpu.memory_space<vmem>>
    %gather3A_2427 = tpu.memref_squeeze %gather3A_2426 : memref<1x64x4x128xf32, #tpu.memory_space<vmem>> -> memref<64x4x128xf32, #tpu.memory_space<vmem>>
    %gather3A_2428 = tpu.vector_load_idx %gather3A_2427[%add3A_2417, %broadcast_in_dim3A_2421, %get3A_2419] : memref<64x4x128xf32, #tpu.memory_space<vmem>>[vector<16xi32>, vector<16xi32>, vector<16xi32>], vector<16xf32>,
    %swap3A_2429 = arith.constant 0 : i32
    %swap3A_2430 = arith.index_cast %swap3A_2429 : i32 to index
    %swap3A_2431 = arith.constant 464 : index
    %swap3A_2432 = tpu.vector_load %arg9[%swap3A_2430, %swap3A_2431] {strides = array<i32>} : memref<4x512xf32, #tpu.memory_space<vmem>>, vector<16xf32>,
    tpu.vector_store %arg9[%swap3A_2430, %swap3A_2431], %gather3A_2428 {strides = array<i32>} : memref<4x512xf32, #tpu.memory_space<vmem>>, vector<16xf32>,
    %broadcast_in_dim3A_2433 = arith.constant 1 : i32
    %broadcast_in_dim3A_2434 = vector.broadcast %broadcast_in_dim3A_2433 : i32 to vector<16xi32>
    %gather3A_2435 = arith.constant 1 : i32
    %gather3A_2436 = arith.constant 0 : i32
    %gather3A_2437 = arith.constant 0 : i32
    %gather3A_2438 = arith.constant 0 : i32
    %gather3A_2439 = tpu.memref_slice %arg8[%gather3A_2435, %gather3A_2436, %gather3A_2437, %gather3A_2438] : memref<2x64x4x128xf32, #tpu.memory_space<vmem>> -> memref<1x64x4x128xf32, #tpu.memory_space<vmem>>
    %gather3A_2440 = tpu.memref_squeeze %gather3A_2439 : memref<1x64x4x128xf32, #tpu.memory_space<vmem>> -> memref<64x4x128xf32, #tpu.memory_space<vmem>>
    %gather3A_2441 = tpu.vector_load_idx %gather3A_2440[%add3A_2417, %broadcast_in_dim3A_2434, %get3A_2419] : memref<64x4x128xf32, #tpu.memory_space<vmem>>[vector<16xi32>, vector<16xi32>, vector<16xi32>], vector<16xf32>,
    %swap3A_2442 = arith.constant 1 : i32
    %swap3A_2443 = arith.index_cast %swap3A_2442 : i32 to index
    %swap3A_2444 = arith.constant 464 : index
    %swap3A_2445 = tpu.vector_load %arg9[%swap3A_2443, %swap3A_2444] {strides = array<i32>} : memref<4x512xf32, #tpu.memory_space<vmem>>, vector<16xf32>,
    tpu.vector_store %arg9[%swap3A_2443, %swap3A_2444], %gather3A_2441 {strides = array<i32>} : memref<4x512xf32, #tpu.memory_space<vmem>>, vector<16xf32>,
    %broadcast_in_dim3A_2446 = arith.constant 2 : i32
    %broadcast_in_dim3A_2447 = vector.broadcast %broadcast_in_dim3A_2446 : i32 to vector<16xi32>
    %gather3A_2448 = arith.constant 1 : i32
    %gather3A_2449 = arith.constant 0 : i32
    %gather3A_2450 = arith.constant 0 : i32
    %gather3A_2451 = arith.constant 0 : i32
    %gather3A_2452 = tpu.memref_slice %arg8[%gather3A_2448, %gather3A_2449, %gather3A_2450, %gather3A_2451] : memref<2x64x4x128xf32, #tpu.memory_space<vmem>> -> memref<1x64x4x128xf32, #tpu.memory_space<vmem>>
    %gather3A_2453 = tpu.memref_squeeze %gather3A_2452 : memref<1x64x4x128xf32, #tpu.memory_space<vmem>> -> memref<64x4x128xf32, #tpu.memory_space<vmem>>
    %gather3A_2454 = tpu.vector_load_idx %gather3A_2453[%add3A_2417, %broadcast_in_dim3A_2447, %get3A_2419] : memref<64x4x128xf32, #tpu.memory_space<vmem>>[vector<16xi32>, vector<16xi32>, vector<16xi32>], vector<16xf32>,
    %swap3A_2455 = arith.constant 2 : i32
    %swap3A_2456 = arith.index_cast %swap3A_2455 : i32 to index
    %swap3A_2457 = arith.constant 464 : index
    %swap3A_2458 = tpu.vector_load %arg9[%swap3A_2456, %swap3A_2457] {strides = array<i32>} : memref<4x512xf32, #tpu.memory_space<vmem>>, vector<16xf32>,
    tpu.vector_store %arg9[%swap3A_2456, %swap3A_2457], %gather3A_2454 {strides = array<i32>} : memref<4x512xf32, #tpu.memory_space<vmem>>, vector<16xf32>,
    %broadcast_in_dim3A_2459 = arith.constant 3 : i32
    %broadcast_in_dim3A_2460 = vector.broadcast %broadcast_in_dim3A_2459 : i32 to vector<16xi32>
    %gather3A_2461 = arith.constant 1 : i32
    %gather3A_2462 = arith.constant 0 : i32
    %gather3A_2463 = arith.constant 0 : i32
    %gather3A_2464 = arith.constant 0 : i32
    %gather3A_2465 = tpu.memref_slice %arg8[%gather3A_2461, %gather3A_2462, %gather3A_2463, %gather3A_2464] : memref<2x64x4x128xf32, #tpu.memory_space<vmem>> -> memref<1x64x4x128xf32, #tpu.memory_space<vmem>>
    %gather3A_2466 = tpu.memref_squeeze %gather3A_2465 : memref<1x64x4x128xf32, #tpu.memory_space<vmem>> -> memref<64x4x128xf32, #tpu.memory_space<vmem>>
    %gather3A_2467 = tpu.vector_load_idx %gather3A_2466[%add3A_2417, %broadcast_in_dim3A_2460, %get3A_2419] : memref<64x4x128xf32, #tpu.memory_space<vmem>>[vector<16xi32>, vector<16xi32>, vector<16xi32>], vector<16xf32>,
    %swap3A_2468 = arith.constant 3 : i32
    %swap3A_2469 = arith.index_cast %swap3A_2468 : i32 to index
    %swap3A_2470 = arith.constant 464 : index
    %swap3A_2471 = tpu.vector_load %arg9[%swap3A_2469, %swap3A_2470] {strides = array<i32>} : memref<4x512xf32, #tpu.memory_space<vmem>>, vector<16xf32>,
    tpu.vector_store %arg9[%swap3A_2469, %swap3A_2470], %gather3A_2467 {strides = array<i32>} : memref<4x512xf32, #tpu.memory_space<vmem>>, vector<16xf32>,
    %iota3A_2472 = tpu.iota {dimensions = array<i32: 0>} : vector<16xi32>
    %add3A_2473 = arith.constant 32 : i32
    %add3A_2474 = vector.broadcast %add3A_2473 : i32 to vector<16xi32>
    %add3A_2475 = arith.addi %add3A_2474, %iota3A_2472 : vector<16xi32>
    %get3A_2476 = arith.constant 480 : index
    %get3A_2477 = tpu.vector_load %arg7[%get3A_2476] {strides = array<i32>} : memref<512xi32, #tpu.memory_space<vmem>>, vector<16xi32>,
    %broadcast_in_dim3A_2478 = arith.constant 0 : i32
    %broadcast_in_dim3A_2479 = vector.broadcast %broadcast_in_dim3A_2478 : i32 to vector<16xi32>
    %gather3A_2480 = arith.constant 1 : i32
    %gather3A_2481 = arith.constant 0 : i32
    %gather3A_2482 = arith.constant 0 : i32
    %gather3A_2483 = arith.constant 0 : i32
    %gather3A_2484 = tpu.memref_slice %arg8[%gather3A_2480, %gather3A_2481, %gather3A_2482, %gather3A_2483] : memref<2x64x4x128xf32, #tpu.memory_space<vmem>> -> memref<1x64x4x128xf32, #tpu.memory_space<vmem>>
    %gather3A_2485 = tpu.memref_squeeze %gather3A_2484 : memref<1x64x4x128xf32, #tpu.memory_space<vmem>> -> memref<64x4x128xf32, #tpu.memory_space<vmem>>
    %gather3A_2486 = tpu.vector_load_idx %gather3A_2485[%add3A_2475, %broadcast_in_dim3A_2479, %get3A_2477] : memref<64x4x128xf32, #tpu.memory_space<vmem>>[vector<16xi32>, vector<16xi32>, vector<16xi32>], vector<16xf32>,
    %swap3A_2487 = arith.constant 0 : i32
    %swap3A_2488 = arith.index_cast %swap3A_2487 : i32 to index
    %swap3A_2489 = arith.constant 480 : index
    %swap3A_2490 = tpu.vector_load %arg9[%swap3A_2488, %swap3A_2489] {strides = array<i32>} : memref<4x512xf32, #tpu.memory_space<vmem>>, vector<16xf32>,
    tpu.vector_store %arg9[%swap3A_2488, %swap3A_2489], %gather3A_2486 {strides = array<i32>} : memref<4x512xf32, #tpu.memory_space<vmem>>, vector<16xf32>,
    %broadcast_in_dim3A_2491 = arith.constant 1 : i32
    %broadcast_in_dim3A_2492 = vector.broadcast %broadcast_in_dim3A_2491 : i32 to vector<16xi32>
    %gather3A_2493 = arith.constant 1 : i32
    %gather3A_2494 = arith.constant 0 : i32
    %gather3A_2495 = arith.constant 0 : i32
    %gather3A_2496 = arith.constant 0 : i32
    %gather3A_2497 = tpu.memref_slice %arg8[%gather3A_2493, %gather3A_2494, %gather3A_2495, %gather3A_2496] : memref<2x64x4x128xf32, #tpu.memory_space<vmem>> -> memref<1x64x4x128xf32, #tpu.memory_space<vmem>>
    %gather3A_2498 = tpu.memref_squeeze %gather3A_2497 : memref<1x64x4x128xf32, #tpu.memory_space<vmem>> -> memref<64x4x128xf32, #tpu.memory_space<vmem>>
    %gather3A_2499 = tpu.vector_load_idx %gather3A_2498[%add3A_2475, %broadcast_in_dim3A_2492, %get3A_2477] : memref<64x4x128xf32, #tpu.memory_space<vmem>>[vector<16xi32>, vector<16xi32>, vector<16xi32>], vector<16xf32>,
    %swap3A_2500 = arith.constant 1 : i32
    %swap3A_2501 = arith.index_cast %swap3A_2500 : i32 to index
    %swap3A_2502 = arith.constant 480 : index
    %swap3A_2503 = tpu.vector_load %arg9[%swap3A_2501, %swap3A_2502] {strides = array<i32>} : memref<4x512xf32, #tpu.memory_space<vmem>>, vector<16xf32>,
    tpu.vector_store %arg9[%swap3A_2501, %swap3A_2502], %gather3A_2499 {strides = array<i32>} : memref<4x512xf32, #tpu.memory_space<vmem>>, vector<16xf32>,
    %broadcast_in_dim3A_2504 = arith.constant 2 : i32
    %broadcast_in_dim3A_2505 = vector.broadcast %broadcast_in_dim3A_2504 : i32 to vector<16xi32>
    %gather3A_2506 = arith.constant 1 : i32
    %gather3A_2507 = arith.constant 0 : i32
    %gather3A_2508 = arith.constant 0 : i32
    %gather3A_2509 = arith.constant 0 : i32
    %gather3A_2510 = tpu.memref_slice %arg8[%gather3A_2506, %gather3A_2507, %gather3A_2508, %gather3A_2509] : memref<2x64x4x128xf32, #tpu.memory_space<vmem>> -> memref<1x64x4x128xf32, #tpu.memory_space<vmem>>
    %gather3A_2511 = tpu.memref_squeeze %gather3A_2510 : memref<1x64x4x128xf32, #tpu.memory_space<vmem>> -> memref<64x4x128xf32, #tpu.memory_space<vmem>>
    %gather3A_2512 = tpu.vector_load_idx %gather3A_2511[%add3A_2475, %broadcast_in_dim3A_2505, %get3A_2477] : memref<64x4x128xf32, #tpu.memory_space<vmem>>[vector<16xi32>, vector<16xi32>, vector<16xi32>], vector<16xf32>,
    %swap3A_2513 = arith.constant 2 : i32
    %swap3A_2514 = arith.index_cast %swap3A_2513 : i32 to index
    %swap3A_2515 = arith.constant 480 : index
    %swap3A_2516 = tpu.vector_load %arg9[%swap3A_2514, %swap3A_2515] {strides = array<i32>} : memref<4x512xf32, #tpu.memory_space<vmem>>, vector<16xf32>,
    tpu.vector_store %arg9[%swap3A_2514, %swap3A_2515], %gather3A_2512 {strides = array<i32>} : memref<4x512xf32, #tpu.memory_space<vmem>>, vector<16xf32>,
    %broadcast_in_dim3A_2517 = arith.constant 3 : i32
    %broadcast_in_dim3A_2518 = vector.broadcast %broadcast_in_dim3A_2517 : i32 to vector<16xi32>
    %gather3A_2519 = arith.constant 1 : i32
    %gather3A_2520 = arith.constant 0 : i32
    %gather3A_2521 = arith.constant 0 : i32
    %gather3A_2522 = arith.constant 0 : i32
    %gather3A_2523 = tpu.memref_slice %arg8[%gather3A_2519, %gather3A_2520, %gather3A_2521, %gather3A_2522] : memref<2x64x4x128xf32, #tpu.memory_space<vmem>> -> memref<1x64x4x128xf32, #tpu.memory_space<vmem>>
    %gather3A_2524 = tpu.memref_squeeze %gather3A_2523 : memref<1x64x4x128xf32, #tpu.memory_space<vmem>> -> memref<64x4x128xf32, #tpu.memory_space<vmem>>
    %gather3A_2525 = tpu.vector_load_idx %gather3A_2524[%add3A_2475, %broadcast_in_dim3A_2518, %get3A_2477] : memref<64x4x128xf32, #tpu.memory_space<vmem>>[vector<16xi32>, vector<16xi32>, vector<16xi32>], vector<16xf32>,
    %swap3A_2526 = arith.constant 3 : i32
    %swap3A_2527 = arith.index_cast %swap3A_2526 : i32 to index
    %swap3A_2528 = arith.constant 480 : index
    %swap3A_2529 = tpu.vector_load %arg9[%swap3A_2527, %swap3A_2528] {strides = array<i32>} : memref<4x512xf32, #tpu.memory_space<vmem>>, vector<16xf32>,
    tpu.vector_store %arg9[%swap3A_2527, %swap3A_2528], %gather3A_2525 {strides = array<i32>} : memref<4x512xf32, #tpu.memory_space<vmem>>, vector<16xf32>,
    %iota3A_2530 = tpu.iota {dimensions = array<i32: 0>} : vector<16xi32>
    %add3A_2531 = arith.constant 48 : i32
    %add3A_2532 = vector.broadcast %add3A_2531 : i32 to vector<16xi32>
    %add3A_2533 = arith.addi %add3A_2532, %iota3A_2530 : vector<16xi32>
    %get3A_2534 = arith.constant 496 : index
    %get3A_2535 = tpu.vector_load %arg7[%get3A_2534] {strides = array<i32>} : memref<512xi32, #tpu.memory_space<vmem>>, vector<16xi32>,
    %broadcast_in_dim3A_2536 = arith.constant 0 : i32
    %broadcast_in_dim3A_2537 = vector.broadcast %broadcast_in_dim3A_2536 : i32 to vector<16xi32>
    %gather3A_2538 = arith.constant 1 : i32
    %gather3A_2539 = arith.constant 0 : i32
    %gather3A_2540 = arith.constant 0 : i32
    %gather3A_2541 = arith.constant 0 : i32
    %gather3A_2542 = tpu.memref_slice %arg8[%gather3A_2538, %gather3A_2539, %gather3A_2540, %gather3A_2541] : memref<2x64x4x128xf32, #tpu.memory_space<vmem>> -> memref<1x64x4x128xf32, #tpu.memory_space<vmem>>
    %gather3A_2543 = tpu.memref_squeeze %gather3A_2542 : memref<1x64x4x128xf32, #tpu.memory_space<vmem>> -> memref<64x4x128xf32, #tpu.memory_space<vmem>>
    %gather3A_2544 = tpu.vector_load_idx %gather3A_2543[%add3A_2533, %broadcast_in_dim3A_2537, %get3A_2535] : memref<64x4x128xf32, #tpu.memory_space<vmem>>[vector<16xi32>, vector<16xi32>, vector<16xi32>], vector<16xf32>,
    %swap3A_2545 = arith.constant 0 : i32
    %swap3A_2546 = arith.index_cast %swap3A_2545 : i32 to index
    %swap3A_2547 = arith.constant 496 : index
    %swap3A_2548 = tpu.vector_load %arg9[%swap3A_2546, %swap3A_2547] {strides = array<i32>} : memref<4x512xf32, #tpu.memory_space<vmem>>, vector<16xf32>,
    tpu.vector_store %arg9[%swap3A_2546, %swap3A_2547], %gather3A_2544 {strides = array<i32>} : memref<4x512xf32, #tpu.memory_space<vmem>>, vector<16xf32>,
    %broadcast_in_dim3A_2549 = arith.constant 1 : i32
    %broadcast_in_dim3A_2550 = vector.broadcast %broadcast_in_dim3A_2549 : i32 to vector<16xi32>
    %gather3A_2551 = arith.constant 1 : i32
    %gather3A_2552 = arith.constant 0 : i32
    %gather3A_2553 = arith.constant 0 : i32
    %gather3A_2554 = arith.constant 0 : i32
    %gather3A_2555 = tpu.memref_slice %arg8[%gather3A_2551, %gather3A_2552, %gather3A_2553, %gather3A_2554] : memref<2x64x4x128xf32, #tpu.memory_space<vmem>> -> memref<1x64x4x128xf32, #tpu.memory_space<vmem>>
    %gather3A_2556 = tpu.memref_squeeze %gather3A_2555 : memref<1x64x4x128xf32, #tpu.memory_space<vmem>> -> memref<64x4x128xf32, #tpu.memory_space<vmem>>
    %gather3A_2557 = tpu.vector_load_idx %gather3A_2556[%add3A_2533, %broadcast_in_dim3A_2550, %get3A_2535] : memref<64x4x128xf32, #tpu.memory_space<vmem>>[vector<16xi32>, vector<16xi32>, vector<16xi32>], vector<16xf32>,
    %swap3A_2558 = arith.constant 1 : i32
    %swap3A_2559 = arith.index_cast %swap3A_2558 : i32 to index
    %swap3A_2560 = arith.constant 496 : index
    %swap3A_2561 = tpu.vector_load %arg9[%swap3A_2559, %swap3A_2560] {strides = array<i32>} : memref<4x512xf32, #tpu.memory_space<vmem>>, vector<16xf32>,
    tpu.vector_store %arg9[%swap3A_2559, %swap3A_2560], %gather3A_2557 {strides = array<i32>} : memref<4x512xf32, #tpu.memory_space<vmem>>, vector<16xf32>,
    %broadcast_in_dim3A_2562 = arith.constant 2 : i32
    %broadcast_in_dim3A_2563 = vector.broadcast %broadcast_in_dim3A_2562 : i32 to vector<16xi32>
    %gather3A_2564 = arith.constant 1 : i32
    %gather3A_2565 = arith.constant 0 : i32
    %gather3A_2566 = arith.constant 0 : i32
    %gather3A_2567 = arith.constant 0 : i32
    %gather3A_2568 = tpu.memref_slice %arg8[%gather3A_2564, %gather3A_2565, %gather3A_2566, %gather3A_2567] : memref<2x64x4x128xf32, #tpu.memory_space<vmem>> -> memref<1x64x4x128xf32, #tpu.memory_space<vmem>>
    %gather3A_2569 = tpu.memref_squeeze %gather3A_2568 : memref<1x64x4x128xf32, #tpu.memory_space<vmem>> -> memref<64x4x128xf32, #tpu.memory_space<vmem>>
    %gather3A_2570 = tpu.vector_load_idx %gather3A_2569[%add3A_2533, %broadcast_in_dim3A_2563, %get3A_2535] : memref<64x4x128xf32, #tpu.memory_space<vmem>>[vector<16xi32>, vector<16xi32>, vector<16xi32>], vector<16xf32>,
    %swap3A_2571 = arith.constant 2 : i32
    %swap3A_2572 = arith.index_cast %swap3A_2571 : i32 to index
    %swap3A_2573 = arith.constant 496 : index
    %swap3A_2574 = tpu.vector_load %arg9[%swap3A_2572, %swap3A_2573] {strides = array<i32>} : memref<4x512xf32, #tpu.memory_space<vmem>>, vector<16xf32>,
    tpu.vector_store %arg9[%swap3A_2572, %swap3A_2573], %gather3A_2570 {strides = array<i32>} : memref<4x512xf32, #tpu.memory_space<vmem>>, vector<16xf32>,
    %broadcast_in_dim3A_2575 = arith.constant 3 : i32
    %broadcast_in_dim3A_2576 = vector.broadcast %broadcast_in_dim3A_2575 : i32 to vector<16xi32>
    %gather3A_2577 = arith.constant 1 : i32
    %gather3A_2578 = arith.constant 0 : i32
    %gather3A_2579 = arith.constant 0 : i32
    %gather3A_2580 = arith.constant 0 : i32
    %gather3A_2581 = tpu.memref_slice %arg8[%gather3A_2577, %gather3A_2578, %gather3A_2579, %gather3A_2580] : memref<2x64x4x128xf32, #tpu.memory_space<vmem>> -> memref<1x64x4x128xf32, #tpu.memory_space<vmem>>
    %gather3A_2582 = tpu.memref_squeeze %gather3A_2581 : memref<1x64x4x128xf32, #tpu.memory_space<vmem>> -> memref<64x4x128xf32, #tpu.memory_space<vmem>>
    %gather3A_2583 = tpu.vector_load_idx %gather3A_2582[%add3A_2533, %broadcast_in_dim3A_2576, %get3A_2535] : memref<64x4x128xf32, #tpu.memory_space<vmem>>[vector<16xi32>, vector<16xi32>, vector<16xi32>], vector<16xf32>,
    %swap3A_2584 = arith.constant 3 : i32
    %swap3A_2585 = arith.index_cast %swap3A_2584 : i32 to index
    %swap3A_2586 = arith.constant 496 : index
    %swap3A_2587 = tpu.vector_load %arg9[%swap3A_2585, %swap3A_2586] {strides = array<i32>} : memref<4x512xf32, #tpu.memory_space<vmem>>, vector<16xf32>,
    tpu.vector_store %arg9[%swap3A_2585, %swap3A_2586], %gather3A_2583 {strides = array<i32>} : memref<4x512xf32, #tpu.memory_space<vmem>>, vector<16xf32>,
    "tpu.region"() ({
      %run_scoped3A = tpu.sem_alloc : memref<!tpu.dma_semaphore, #tpu.memory_space<semaphore_mem>>
      %dma_start3A_2588 = arith.constant 0 : i32
      %dma_start3A_2589 = tpu.memref_slice %arg4[%dma_start3A_2588, %mul3A_2] : memref<4x16384xf32, #tpu.memory_space<hbm>> -> memref<4x512xf32, #tpu.memory_space<hbm>>
      %dma_start3A_2590 = arith.constant 0 : i32
      %dma_start3A_2591 = tpu.memref_slice %arg4[%dma_start3A_2590, %mul3A_2] : memref<4x16384xf32, #tpu.memory_space<hbm>> -> memref<4x512xf32, #tpu.memory_space<hbm>>
      tpu.enqueue_dma source(%arg9 : memref<4x512xf32, #tpu.memory_space<vmem>>) target(%dma_start3A_2591 : memref<4x512xf32, #tpu.memory_space<hbm>>) target_semaphore(%run_scoped3A : memref<!tpu.dma_semaphore, #tpu.memory_space<semaphore_mem>>)
      %dma_wait3A_2592 = arith.constant 0 : i32
      %dma_wait3A_2593 = tpu.memref_slice %arg4[%dma_wait3A_2592, %mul3A_2] : memref<4x16384xf32, #tpu.memory_space<hbm>> -> memref<4x512xf32, #tpu.memory_space<hbm>>
      %dma_wait3A_2594 = arith.constant 0 : i32
      %dma_wait3A_2595 = tpu.memref_slice %arg4[%dma_wait3A_2594, %mul3A_2] : memref<4x16384xf32, #tpu.memory_space<hbm>> -> memref<4x512xf32, #tpu.memory_space<hbm>>
      tpu.wait_dma2 semaphore(%run_scoped3A : memref<!tpu.dma_semaphore, #tpu.memory_space<semaphore_mem>>) src(%arg9 : memref<4x512xf32, #tpu.memory_space<vmem>>) dst(%dma_wait3A_2595 : memref<4x512xf32, #tpu.memory_space<hbm>>)
      tpu.yield
    }) : () -> ()
    return
  }
}

</mosaic_0001>

<sc_bundles>
// kernel: _sc_gather.3.cloned.1.call-start
scs
__scs_entry_jumppad:
0x0: {  	(pc) =	sbr.rel $0x88, $3  }
0x1: {  	(tag) =	ssettag $0x0;
	lr =	simm.s32 $0x1  }
0x2: {  	[smem:$0x3F9F] =	sst lr;
	_ =	strace $0xD0000000  }
0x3: {  	_ = 	snop  }
0x4: {  	_ = 	snop  }
0x5: {  	_ = 	snop  }
0x6: {  	_ = 	snop  }
0x7: {  	_ = 	snop  }
__scs_overlays_trampoline_lowered:
0x8: {  	[smem:$0x3FAE] =	sst s0  }
0x9: {  	[smem:$0x3FAF] =	sst s1  }
0xa: {  	[smem:$0x3FB0] =	sst s2  }
0xb: {  	[smem:$0x3FB1] =	sst s3  }
0xc: {  	[smem:$0x3FB2] =	sst s4  }
0xd: {  	[smem:$0x3FB3] =	sst s5  }
0xe: {  	[smem:$0x3FB4] =	sst s6  }
0xf: {  	[smem:$0x3FB5] =	sst s7  }
0x10: {  	[smem:$0x3FB6] =	sst s8  }
0x11: {  	[smem:$0x3FB7] =	sst s9;
	s0 =	simm.s32 @!p0 $0x0  }
0x12: {  	s1 =	sld [smem:$0x3F9D];
	s0 =	simm.s32 @p0 $0x1  }
0x13: {  	[smem:$0x3FB8] =	sst s0;
	s0 =	simm.s32 @!p1 $0x0  }
0x14: {  	s2 =	sld [smem:$0x3F9C];
	s0 =	simm.s32 @p1 $0x1  }
0x15: {  	[smem:$0x3FB9] =	sst s0;
	s0 =	simm.s32 @!p2 $0x0  }
0x16: {  	s3 =	sld [smem:$0x3FDB];
	s0 =	simm.s32 @p2 $0x1  }
0x17: {  	s4 =	simm.s32 $0x1BF5;
	[smem:$0x3FBB] =	sst s0  }
0x18: {  	s0 =	sld [smem:$0x3F9E];
	_ =	swait.ge [sflag:s4], $0x0  }
0x19: {  	s7 =	sld [smem:$0x3F9F]  }
0x1a: {  	s8 =	sadd.s32 $0xFFFFE003, lr  }
0x1b: {  	s9 =	sadd.s32 $0xFFFFFEF7, lr;
	s5 =	simm.s32 $0xFFFFFFFF;
	p2 =	slt.u32 s8, $0xFFFFF086  }
0x1c: {  	p1 =	slt.u32 s9, $0xF7A;
	s5 =	simm.s32 @!p2 $0x0  }
0x1d: {  	s5 =	simm.s32 @p1 $0x1;
	p0 =	seq.s32 s7, s2  }
0x1e: {  	s7 =	smul.u32 @!p0 $0xF7A, s2;
	p2 =	seq.s32 @!p0 s5, $0x0  }
0x1f: {  	s9 =	smul.u32 $0xF7A, s1;
	s8 =	simm.s32 @!p0 $0x1BF5;
	p2 =	por !p2, p0  }
0x20: {  	[sflag:s8] =	ssyncset.s32 @!p0 $0xFFFFF086;
	s6 =	sadd.s32 @!p0 s3, s7;
	s7 =	simm.s32 @!p0 $0x108  }
0x21: {  	s3 =	sadd.s32 s3, s9;
	s6 =	sadd.s32 @!p0 $0x88, s6;
	s7 =	simm.s32 @p2 $0x1082  }
0x22: {  	[simem:s7], [sflag:s8] =	dma.local @!p0 [hbm:s6], $0xF7A  }
0x23: {  	s9 =	sor.u32 $0xD0000000, s2;
	s6 =	simm.s32 $0x108;
	_ =	swait.ge @!p0 [sflag:s8], $0x0  }
0x24: {  	s3 =	sadd.s32 $0x88, s3;
	s6 =	simm.s32 @!p1 $0x1082;
	[sflag:s4] =	ssyncset.s32 $0xFFFFF086  }
0x25: {  	[simem:s6], [sflag:s4] =	dma.local [hbm:s3], $0xF7A  }
0x26: {  	[smem:$0x3F9F] =	sst s1;
	(tag) =	ssettag s2;
	_ =	strace s9  }
0x27: {  	s1 =	sld [smem:$0x3FAF]  }
0x28: {  	s2 =	sld [smem:$0x3FB0]  }
0x29: {  	s4 =	sld [smem:$0x3FB2]  }
0x2a: {  	p0 =	seq.s32 s5, $0x0;
	s5 =	sld [smem:$0x3FB3]  }
0x2b: {  	s6 =	sld [smem:$0x3FB4]  }
0x2c: {  	s7 =	sld [smem:$0x3FB5]  }
0x2d: {  	s3 =	simm.s32 $0x108;
	s8 =	sld [smem:$0x3FB6]  }
0x2e: {  	s3 =	simm.s32 @!p0 $0x1082;
	s9 =	sld [smem:$0x3FB7]  }
0x2f: {  	lr =	sadd.s32 s0, s3;
	s0 =	sld [smem:$0x3FAE]  }
0x30: {  	s3 =	sld [smem:$0x3FB1]  }
0x31: {  	[smem:$0x3FBA] =	sst s10  }
0x32: {  	s10 =	sld [smem:$0x3FB8];
	_ =	sdelay $0x3  }
0x33: {  	p0 =	seq.s32 s10, $0x1;
	s10 =	sld [smem:$0x3FBA];
	_ =	sdelay $0x3  }
0x34: {  	[smem:$0x3FBA] =	sst s10  }
0x35: {  	s10 =	sld [smem:$0x3FB9];
	_ =	sdelay $0x3  }
0x36: {  	p1 =	seq.s32 s10, $0x1;
	s10 =	sld [smem:$0x3FBA];
	_ =	sdelay $0x3  }
0x37: {  	[smem:$0x3FBA] =	sst s10  }
0x38: {  	s10 =	sld [smem:$0x3FBB]  }
0x39: {  	_ = 	snop;
	(pc) =	sbr.ind lr, $3  }
0x3a: {  	_ = 	snop  }
0x3b: {  	_ = 	snop  }
0x3c: {  	p2 =	seq.s32 s10, $0x1;
	s10 =	sld [smem:$0x3FBA]  }
0x3d: {  	_ =	shalt  }
0x3e: {  	_ =	shalt  }
0x3f: {  	_ =	shalt  }
0x40: {  	_ =	shalt  }
0x41: {  	_ =	shalt  }
0x42: {  	_ =	shalt  }
0x43: {  	_ =	shalt  }
0x44: {  	_ =	shalt  }
0x45: {  	_ =	shalt  }
0x46: {  	_ =	shalt  }
0x47: {  	_ =	shalt  }
0x48: {  	_ =	shalt  }
0x49: {  	_ =	shalt  }
0x4a: {  	_ =	shalt  }
0x4b: {  	_ =	shalt  }
0x4c: {  	_ =	shalt  }
0x4d: {  	_ =	shalt  }
0x4e: {  	_ =	shalt  }
0x4f: {  	_ =	shalt  }
0x50: {  	_ =	shalt  }
0x51: {  	_ =	shalt  }
0x52: {  	_ =	shalt  }
0x53: {  	_ =	shalt  }
0x54: {  	_ =	shalt  }
0x55: {  	_ =	shalt  }
0x56: {  	_ =	shalt  }
0x57: {  	_ =	shalt  }
0x58: {  	_ =	shalt  }
0x59: {  	_ =	shalt  }
0x5a: {  	_ =	shalt  }
0x5b: {  	_ =	shalt  }
0x5c: {  	_ =	shalt  }
0x5d: {  	_ =	shalt  }
0x5e: {  	_ =	shalt  }
0x5f: {  	_ =	shalt  }
0x60: {  	_ =	shalt  }
0x61: {  	_ =	shalt  }
0x62: {  	_ =	shalt  }
0x63: {  	_ =	shalt  }
0x64: {  	_ =	shalt  }
0x65: {  	_ =	shalt  }
0x66: {  	_ =	shalt  }
0x67: {  	_ =	shalt  }
0x68: {  	_ =	shalt  }
0x69: {  	_ =	shalt  }
0x6a: {  	_ =	shalt  }
0x6b: {  	_ =	shalt  }
0x6c: {  	_ =	shalt  }
0x6d: {  	_ =	shalt  }
0x6e: {  	_ =	shalt  }
0x6f: {  	_ =	shalt  }
0x70: {  	_ =	shalt  }
0x71: {  	_ =	shalt  }
0x72: {  	_ =	shalt  }
0x73: {  	_ =	shalt  }
0x74: {  	_ =	shalt  }
0x75: {  	_ =	shalt  }
0x76: {  	_ =	shalt  }
0x77: {  	_ =	shalt  }
0x78: {  	_ =	shalt  }
0x79: {  	_ =	shalt  }
0x7a: {  	_ =	shalt  }
0x7b: {  	_ =	shalt  }
0x7c: {  	_ =	shalt  }
0x7d: {  	_ =	shalt  }
0x7e: {  	_ =	shalt  }
0x7f: {  	_ =	shalt  }
0x80: {  	_ =	shalt  }
0x81: {  	_ =	shalt  }
0x82: {  	_ =	shalt  }
0x83: {  	_ =	shalt  }
0x84: {  	_ =	shalt  }
0x85: {  	_ =	shalt  }
0x86: {  	_ =	shalt  }
0x87: {  	_ =	shalt  }
.Lfunc_end0:
.L_simem_size_0:
called_computation_lowered:
.L_overlay_start_0:
0x88: {  	s2 =	sld [smem:$0x3FD9]  }
0x89: {  	s3 =	sld [smem:$0x3FFE];
	_ =	sdelay $0x1  }
0x8a: {  	s1 =	srdreg.scid  }
0x8b: {  	s0 =	sand.u32 $0x1, s1  }
0x8c: {  	s18 =	sshll.u32 s0, $0xA;
	s2 =	sadd.s32 s3, s2  }
0x8d: {  	s2 =	sadd.s32 s2, s18  }
0x8e: {  	[smem:$0x3FC6] =	sst s2  }
0x8f: {  	_ = 	snop  }
0x90: {  	s2 =	sld [smem:$0x3FC9]  }
0x91: {  	s19 =	sld [smem:$0x3FC8]  }
0x92: {  	s4 =	sld [smem:$0x3FD0];
	(tm) =	ssettm $0x1  }
0x93: {  	s5 =	sld [smem:$0x3FFB];
	_ =	sdelay $0x3  }
0x94: {  	_ =	strace s5  }
0x95: {  	s5 =	sld [smem:$0x3FFC];
	_ =	sdelay $0x3  }
0x96: {  	_ =	strace s5  }
0x97: {  	s5 =	sld [smem:$0x3FFD];
	_ =	sdelay $0x3  }
0x98: {  	_ =	strace s5  }
0x99: {  	_ =	strace $0x8FFFFFFF  }
0x9a: {  	s20 =	sld [smem:$0x3FDB];
	_ =	sdelay $0x1  }
0x9b: {  	s6 =	simm.s32 $_scs_section_size  }
0x9c: {  	s7 =	simm.s32 $_size__tile_overlayer_lowered;
	s8 =	simm.s32 $_tile_overlayer_lowered  }
0x9d: {  	s23 =	simm.s32 $0x1BFF;
	s22 =	sshll.u32 s8, $0x1;
	s5 =	sadd.s32 s6, s20  }
0x9e: {  	s9 =	simm.s32 $0x0;
	s21 =	sshll.u32 s7, $0x1;
	s7 =	sadd.s32 s22, s5  }
0x9f: {  	[timem:s9], [sflag:s23] =	dma.local [hbm:s7], s21  }
0xa0: {  	_ =	swait.ge [sflag:s23], s21  }
0xa1: {  	s6 =	ssub.s32 $0x0, s21;
	[sflag:s23] =	ssyncset.done $0x0  }
0xa2: {  	[sflag:s23] =	ssyncadd.s32 s6;
	_ =	sdelay $0x1  }
0xa3: {  	s24 =	simm.s32 $0x1B8B  }
0xa4: {  	_ =	swait.ge [sflag:s24], $0x1  }
0xa5: {  	[sflag:s24] =	ssyncset.done $0x0  }
0xa6: {  	s25 =	simm.s32 $0x1B8E;
	[sflag:s24] =	ssyncadd.s32 $0xFFFFFFFF  }
0xa7: {  	s26 =	simm.s32 $execute0_lowered;
	[smem:$0x3FD2] =	sst s25  }
0xa8: {  	s6 =	sshll.u32 s26, $0x1;
	_ =	strace $0x80000046;
	[dreg:$0x1] =	wrdreg $0xFFFFFFFF  }
0xa9: {  	s28 =	simm.s32 $_size_execute0_lowered;
	s5 =	sadd.s32 s5, s6;
	[dreg:$0x0] =	wrdreg $0x0  }
0xaa: {  	s6 =	sshll.u32 s28, $0x1;
	[dreg:$0x2] =	wrdreg s5  }
0xab: {  	[dreg:$0x3] =	wrdreg s6  }
0xac: {  	[dreg:$0x4] =	wrdreg $0xC0  }
0xad: {  	_ =	task [dreg:s9], $0x5FFFF  }
0xae: {  	[dreg:$0x1] =	wrdreg $0xFFFFFFFF  }
0xaf: {  	[dreg:$0x0] =	wrdreg $0x60  }
0xb0: {  	[dreg:$0x2] =	wrdreg s2  }
0xb1: {  	[dreg:$0x3] =	wrdreg s19  }
0xb2: {  	[dreg:$0x4] =	wrdreg s4  }
0xb3: {  	[dreg:$0x5] =	wrdreg $0x9  }
0xb4: {  	_ =	task.clear_ibuf [dreg:s9], $0x6FFFF;
	_ =	strace $0x90000046  }
0xb5: {  	s29 =	simm.s32 $0x9;
	_ =	strace $0x80000048  }
0xb6: {  	_ =	swait.ge [sflag:s29], $0x1  }
0xb7: {  	[sflag:s29] =	ssyncadd.s32 $0xFFFFFFFF  }
0xb8: {  	_ =	strace $0x90000048  }
0xb9: {  	_ =	sfence  }
0xba: {  	s30 =	sld [smem:$0x0];
	_ =	sdelay $0x2  }
0xbb: {  	s31 =	sshll.u32 s1, $0xD;
	s1 =	sshrl.u32 s1, $0x2  }
0xbc: {  	s3 =	sand.u32 $0x4000, s31;
	s1 =	sadd.s32 s1, s30  }
0xbd: {  	s0 =	sor.u32 s3, s0;
	s1 =	sshll.u32 s1, $0x11  }
0xbe: {  	s0 =	sor.u32 s1, s0  }
0xbf: {  	s0 =	sadd.s32 $0x8F2B, s0  }
0xc0: {  	[sflag:s0] =	ssyncadd.remote.s32 $0x1  }
0xc1: {  	_ =	sfence.sel $0xFFFF  }
0xc2: {  	[dreg:$0x0] =	wrdreg $0xFFFFFFFF;
	(pc) =	sbr.abs _section_cstart, $3  }
0xc3: {  	[dreg:$0x1] =	wrdreg $0xFFFFFFFF  }
0xc4: {  	_ =	task.clear_ibuf [dreg:s9], $0x2FFFF;
	_ =	strace $0x9FFFFFFF  }
0xc5: {  	(tm) =	ssettm $0x7FFFFFFF  }
tec
execute0_lowered:
.L_overlay_start_1:
0x0: {  	(tag) =	ssettag $0x1  }
0x1: {  	s1 =	rddreg [dreg:$0x0]  }
0x2: {  	s4 =	rddreg [dreg:$0x1]  }
0x3: {  	s0 =	srdreg.scid;
	s5 =	rddreg [dreg:$0x2]  }
0x4: {  	s2 =	simm.s32 $0x0;
	s3 =	stileid.u32;
	s10 =	simm.s32 $0x800  }
0x5: {  	s11 =	simm.s32 $0x280;
	s12 =	simm.s32 $0x8800;
	s13 =	simm.s32 $0x1  }
0x6: {  	s14 =	simm.s32 $0x300;
	s15 =	simm.s32 $0x2;
	s16 =	simm.s32 $0x380  }
0x7: {  	v0 =	vlaneseq.u32;
	s17 =	simm.s32 $0x400;
	s18 =	simm.s32 $0x480;
	s19 =	simm.s32 $0x500  }
0x8: {  	s20 =	simm.s32 $0x580;
	s6 =	sand.u32 $0x1, s0;
	s0 =	rddreg [dreg:$0x3];
	v0 =	vmul.u32 $0x200, v0  }
0x9: {  	s21 =	simm.s32 $0x10800;
	[smem:$0x7FF] =	sst s2;
	s30 =	sshll.u32 s3, $0x7  }
0xa: {  	s31 =	sshll.u32 s3, $0x9;
	s7 =	ssub.s32 $0x2, s6;
	_ =	strace $0x80000047;
	v1 =	vor.u32 $0x80, v0;
	v2 =	vor.u32 $0x100, v0;
	v3 =	vor.u32 $0x180, v0  }
0xb: {  	s9 =	sshll.u32 s6, $0x6;
	s6 =	sshll.u32 s6, $0x8;
	s8 =	sshrl.u32 s7, $0x1;
	v4 =	vor.u32 $0x2000, v0;
	v5 =	vor.u32 $0x2080, v0;
	v6 =	vor.u32 $0x2100, v0  }
0xc: {  	s4 =	sadd.s32 s4, s9;
	s5 =	sadd.s32 s5, s6;
	s9 =	simm.s32 $0x200;
	v7 =	vor.u32 $0x2180, v0;
	v8 =	vor.u32 $0x4000, v0;
	v9 =	vor.u32 $0x4080, v0  }
0xd: {  	v10 =	vor.u32 $0x4100, v0;
	v11 =	vor.u32 $0x4180, v0;
	v12 =	vor.u32 $0x6000, v0;
	s7 =	ssub.s32 s7, s8;
	s4 =	sadd.s32 s30, s4;
	s5 =	sadd.s32 s31, s5  }
0xe: {  	v13 =	vor.u32 $0x6080, v0;
	v14 =	vor.u32 $0x6100, v0;
	v15 =	vor.u32 $0x6180, v0;
	s8 =	simm.s32 $0x40;
	s6 =	smax.u32 s7, $0x1;
	s7 =	simm.s32 $0x3  }
.LBB2_1:
0xf: {  	[tilespmem:s2], [sflag:$0x3] =	stream.linear.gather [hbm4b:s4+s2], $0x200, $0x38;
	[tilespmem:$0x11000] =	vst v63  }
0x10: {  	_ =	swait.ge [sflag:s7], $0x200  }
0x11: {  	[sflag:s7] =	ssyncset.done $0x0  }
0x12: {  	[sflag:s7] =	ssyncadd.s32 $0xFFFFFE00  }
0x13: {  	v16 =	vld [tilespmem:$0x0];
	_ =	sdelay $0x1  }
0x14: {  	v17 =	vld [tilespmem:$0x10];
	_ =	sdelay $0x1  }
0x15: {  	v18 =	vld [tilespmem:$0x20]  }
0x16: {  	v19 =	vshra.s32 v16, $0x7  }
0x17: {  	v48 =	vld [tilespmem:$0x30];
	v16 =	vand.u32 $0x7F, v16;
	[tilespmem:$0x200] =	vst v19  }
0x18: {  	[tilespmem:$0x600] =	vst v16;
	v16 =	vshra.s32 v17, $0x7  }
0x19: {  	[tilespmem:$0x210] =	vst v16;
	v16 =	vand.u32 $0x7F, v17;
	v17 =	vld [tilespmem:$0x40]  }
0x1a: {  	[tilespmem:$0x610] =	vst v16;
	v16 =	vshra.s32 v18, $0x7  }
0x1b: {  	v49 =	vld [tilespmem:$0x50];
	[tilespmem:$0x220] =	vst v16;
	v16 =	vand.u32 $0x7F, v18  }
0x1c: {  	[tilespmem:$0x620] =	vst v16;
	v16 =	vshra.s32 v48, $0x7  }
0x1d: {  	v50 =	vld [tilespmem:$0x60];
	[tilespmem:$0x230] =	vst v16;
	v16 =	vand.u32 $0x7F, v48  }
0x1e: {  	[tilespmem:$0x630] =	vst v16;
	v16 =	vshra.s32 v17, $0x7  }
0x1f: {  	[tilespmem:$0x280] =	vst v16;
	v16 =	vand.u32 $0x7F, v17;
	v17 =	vld [tilespmem:$0x70]  }
0x20: {  	[tilespmem:$0x640] =	vst v16;
	v16 =	vshra.s32 v49, $0x7  }
0x21: {  	v51 =	vld [tilespmem:$0x80];
	[tilespmem:$0x290] =	vst v16;
	v16 =	vand.u32 $0x7F, v49  }
0x22: {  	[tilespmem:$0x650] =	vst v16;
	v16 =	vshra.s32 v50, $0x7  }
0x23: {  	v52 =	vld [tilespmem:$0x90];
	[tilespmem:$0x2A0] =	vst v16;
	v16 =	vand.u32 $0x7F, v50  }
0x24: {  	[tilespmem:$0x660] =	vst v16;
	v16 =	vshra.s32 v17, $0x7  }
0x25: {  	[tilespmem:$0x2B0] =	vst v16;
	v16 =	vand.u32 $0x7F, v17;
	v17 =	vld [tilespmem:$0xA0]  }
0x26: {  	[tilespmem:$0x670] =	vst v16;
	v16 =	vshra.s32 v51, $0x7  }
0x27: {  	v53 =	vld [tilespmem:$0xB0];
	[tilespmem:$0x300] =	vst v16;
	v16 =	vand.u32 $0x7F, v51  }
0x28: {  	[tilespmem:$0x680] =	vst v16;
	v16 =	vshra.s32 v52, $0x7  }
0x29: {  	v54 =	vld [tilespmem:$0xC0];
	[tilespmem:$0x310] =	vst v16;
	v16 =	vand.u32 $0x7F, v52  }
0x2a: {  	[tilespmem:$0x690] =	vst v16;
	v16 =	vshra.s32 v17, $0x7  }
0x2b: {  	[tilespmem:$0x320] =	vst v16;
	v16 =	vand.u32 $0x7F, v17;
	v17 =	vld [tilespmem:$0xD0]  }
0x2c: {  	[tilespmem:$0x6A0] =	vst v16;
	v16 =	vshra.s32 v53, $0x7  }
0x2d: {  	v55 =	vld [tilespmem:$0xE0];
	[tilespmem:$0x330] =	vst v16;
	v16 =	vand.u32 $0x7F, v53  }
0x2e: {  	[tilespmem:$0x6B0] =	vst v16;
	v16 =	vshra.s32 v54, $0x7  }
0x2f: {  	v56 =	vld [tilespmem:$0xF0];
	[tilespmem:$0x380] =	vst v16;
	v16 =	vand.u32 $0x7F, v54  }
0x30: {  	[tilespmem:$0x6C0] =	vst v16;
	v16 =	vshra.s32 v17, $0x7  }
0x31: {  	[tilespmem:$0x390] =	vst v16;
	v16 =	vand.u32 $0x7F, v17;
	v17 =	vld [tilespmem:$0x100]  }
0x32: {  	[tilespmem:$0x6D0] =	vst v16;
	v16 =	vshra.s32 v55, $0x7  }
0x33: {  	v57 =	vld [tilespmem:$0x110];
	[tilespmem:$0x3A0] =	vst v16;
	v16 =	vand.u32 $0x7F, v55  }
0x34: {  	[tilespmem:$0x6E0] =	vst v16;
	v16 =	vshra.s32 v56, $0x7  }
0x35: {  	v58 =	vld [tilespmem:$0x120];
	[tilespmem:$0x3B0] =	vst v16;
	v16 =	vand.u32 $0x7F, v56  }
0x36: {  	[tilespmem:$0x6F0] =	vst v16;
	v16 =	vshra.s32 v17, $0x7  }
0x37: {  	[tilespmem:$0x400] =	vst v16;
	v16 =	vand.u32 $0x7F, v17;
	v17 =	vld [tilespmem:$0x130]  }
0x38: {  	[tilespmem:$0x700] =	vst v16;
	v16 =	vshra.s32 v57, $0x7  }
0x39: {  	v59 =	vld [tilespmem:$0x140];
	[tilespmem:$0x410] =	vst v16;
	v16 =	vand.u32 $0x7F, v57  }
0x3a: {  	[tilespmem:$0x710] =	vst v16;
	v16 =	vshra.s32 v58, $0x7  }
0x3b: {  	v60 =	vld [tilespmem:$0x150];
	[tilespmem:$0x420] =	vst v16;
	v16 =	vand.u32 $0x7F, v58  }
0x3c: {  	[tilespmem:$0x720] =	vst v16;
	v16 =	vshra.s32 v17, $0x7  }
0x3d: {  	[tilespmem:$0x430] =	vst v16;
	v16 =	vand.u32 $0x7F, v17;
	v17 =	vld [tilespmem:$0x160]  }
0x3e: {  	[tilespmem:$0x730] =	vst v16;
	v16 =	vshra.s32 v59, $0x7  }
0x3f: {  	v61 =	vld [tilespmem:$0x170];
	[tilespmem:$0x480] =	vst v16;
	v16 =	vand.u32 $0x7F, v59  }
0x40: {  	[tilespmem:$0x740] =	vst v16;
	v16 =	vshra.s32 v60, $0x7  }
0x41: {  	v62 =	vld [tilespmem:$0x180];
	[tilespmem:$0x490] =	vst v16;
	v16 =	vand.u32 $0x7F, v60  }
0x42: {  	[tilespmem:$0x750] =	vst v16;
	v16 =	vshra.s32 v17, $0x7  }
0x43: {  	[tilespmem:$0x4A0] =	vst v16;
	v16 =	vand.u32 $0x7F, v17;
	v17 =	vld [tilespmem:$0x190]  }
0x44: {  	[tilespmem:$0x760] =	vst v16;
	v16 =	vshra.s32 v61, $0x7  }
0x45: {  	v63 =	vld [tilespmem:$0x1A0];
	[tilespmem:$0x4B0] =	vst v16;
	v16 =	vand.u32 $0x7F, v61  }
0x46: {  	[tilespmem:$0x770] =	vst v16;
	v16 =	vshra.s32 v62, $0x7  }
0x47: {  	v21 =	vld [tilespmem:$0x1B0];
	[tilespmem:$0x500] =	vst v16;
	v16 =	vand.u32 $0x7F, v62  }
0x48: {  	[tilespmem:$0x780] =	vst v16;
	v16 =	vshra.s32 v17, $0x7  }
0x49: {  	[tilespmem:$0x510] =	vst v16;
	v16 =	vand.u32 $0x7F, v17;
	v17 =	vld [tilespmem:$0x1C0]  }
0x4a: {  	[tilespmem:$0x790] =	vst v16;
	v16 =	vshra.s32 v63, $0x7  }
0x4b: {  	v22 =	vld [tilespmem:$0x1D0];
	[tilespmem:$0x520] =	vst v16;
	v16 =	vand.u32 $0x7F, v63  }
0x4c: {  	[tilespmem:$0x7A0] =	vst v16;
	v16 =	vshra.s32 v21, $0x7  }
0x4d: {  	v23 =	vld [tilespmem:$0x1E0];
	[tilespmem:$0x530] =	vst v16;
	v16 =	vand.u32 $0x7F, v21  }
0x4e: {  	[tilespmem:$0x7B0] =	vst v16;
	v16 =	vshra.s32 v17, $0x7  }
0x4f: {  	[tilespmem:$0x580] =	vst v16;
	v16 =	vand.u32 $0x7F, v17;
	v17 =	vld [tilespmem:$0x1F0]  }
0x50: {  	[tilespmem:$0x7C0] =	vst v16;
	v16 =	vshra.s32 v22, $0x7  }
0x51: {  	[tilespmem:$0x590] =	vst v16;
	v16 =	vand.u32 $0x7F, v22  }
0x52: {  	[tilespmem:$0x7D0] =	vst v16;
	v16 =	vshra.s32 v23, $0x7  }
0x53: {  	[tilespmem:$0x5A0] =	vst v16;
	v16 =	vand.u32 $0x7F, v23  }
0x54: {  	[tilespmem:$0x7E0] =	vst v16;
	v16 =	vshra.s32 v17, $0x7  }
0x55: {  	[tilespmem:$0x5B0] =	vst v16;
	v16 =	vand.u32 $0x7F, v17  }
0x56: {  	[tilespmem:$0x7F0] =	vst v16  }
0x57: {  	[tilespmem:s10], [sflag:$0x1] =	stream.indirect.gather [hbm4b:s1+s8], $0x200, s9, s8, $0xb8;
	[tilespmem:$0x11000] =	vst v63  }
0x58: {  	_ = 	snop  }
0x59: {  	[tilespmem:s12], [sflag:$0x2] =	stream.indirect.gather [hbm4b:s1+s8], $0x200, s11, s8, $0xb8;
	[tilespmem:$0x11000] =	vst v63  }
0x5a: {  	_ =	swait.ge [sflag:s13], $0x8000  }
0x5b: {  	[sflag:s13] =	ssyncset.done $0x0  }
0x5c: {  	[sflag:s13] =	ssyncadd.s32 $0xFFFF8000  }
0x5d: {  	v16 =	vld [tilespmem:$0x600];
	_ =	sdelay $0x4  }
0x5e: {  	v17 =	vadd.s32 v0, v16;
	_ =	sdelay $0x4  }
0x5f: {  	v17 =	vld.idx.msk [tilespmem:v17+s10+$0x0], $0xffff  }
0x60: {  	v24 =	vadd.s32 v1, v16;
	_ =	sdelay $0x3  }
0x61: {  	[tilespmem:$0x10800] =	vst v17  }
0x62: {  	v17 =	vld.idx.msk [tilespmem:v24+s10+$0x0], $0xffff  }
0x63: {  	v25 =	vadd.s32 v2, v16;
	_ =	sdelay $0x3  }
0x64: {  	[tilespmem:$0x10880] =	vst v17  }
0x65: {  	v17 =	vld.idx.msk [tilespmem:v25+s10+$0x0], $0xffff  }
0x66: {  	v16 =	vadd.s32 v3, v16  }
0x67: {  	v26 =	vld [tilespmem:$0x610];
	_ =	sdelay $0x2  }
0x68: {  	[tilespmem:$0x10900] =	vst v17  }
0x69: {  	v16 =	vld.idx.msk [tilespmem:v16+s10+$0x0], $0xffff  }
0x6a: {  	v17 =	vadd.s32 v4, v26;
	_ =	sdelay $0x3  }
0x6b: {  	[tilespmem:$0x10980] =	vst v16  }
0x6c: {  	v16 =	vld.idx.msk [tilespmem:v17+s10+$0x0], $0xffff  }
0x6d: {  	v17 =	vadd.s32 v5, v26;
	_ =	sdelay $0x3  }
0x6e: {  	[tilespmem:$0x10810] =	vst v16  }
0x6f: {  	v16 =	vld.idx.msk [tilespmem:v17+s10+$0x0], $0xffff  }
0x70: {  	v17 =	vadd.s32 v6, v26;
	_ =	sdelay $0x3  }
0x71: {  	[tilespmem:$0x10890] =	vst v16  }
0x72: {  	v16 =	vld.idx.msk [tilespmem:v17+s10+$0x0], $0xffff  }
0x73: {  	v17 =	vadd.s32 v7, v26  }
0x74: {  	v27 =	vld [tilespmem:$0x620];
	_ =	sdelay $0x2  }
0x75: {  	[tilespmem:$0x10910] =	vst v16  }
0x76: {  	v16 =	vld.idx.msk [tilespmem:v17+s10+$0x0], $0xffff  }
0x77: {  	v17 =	vadd.s32 v8, v27;
	_ =	sdelay $0x3  }
0x78: {  	[tilespmem:$0x10990] =	vst v16  }
0x79: {  	v16 =	vld.idx.msk [tilespmem:v17+s10+$0x0], $0xffff  }
0x7a: {  	v17 =	vadd.s32 v9, v27;
	_ =	sdelay $0x3  }
0x7b: {  	[tilespmem:$0x10820] =	vst v16  }
0x7c: {  	v16 =	vld.idx.msk [tilespmem:v17+s10+$0x0], $0xffff  }
0x7d: {  	v17 =	vadd.s32 v10, v27;
	_ =	sdelay $0x3  }
0x7e: {  	[tilespmem:$0x108A0] =	vst v16  }
0x7f: {  	v16 =	vld.idx.msk [tilespmem:v17+s10+$0x0], $0xffff  }
0x80: {  	v17 =	vadd.s32 v11, v27  }
0x81: {  	v28 =	vld [tilespmem:$0x630];
	_ =	sdelay $0x2  }
0x82: {  	[tilespmem:$0x10920] =	vst v16  }
0x83: {  	v16 =	vld.idx.msk [tilespmem:v17+s10+$0x0], $0xffff  }
0x84: {  	v17 =	vadd.s32 v12, v28;
	_ =	sdelay $0x3  }
0x85: {  	[tilespmem:$0x109A0] =	vst v16  }
0x86: {  	v16 =	vld.idx.msk [tilespmem:v17+s10+$0x0], $0xffff  }
0x87: {  	v17 =	vadd.s32 v13, v28;
	_ =	sdelay $0x3  }
0x88: {  	[tilespmem:$0x10830] =	vst v16  }
0x89: {  	v16 =	vld.idx.msk [tilespmem:v17+s10+$0x0], $0xffff  }
0x8a: {  	v17 =	vadd.s32 v14, v28;
	_ =	sdelay $0x3  }
0x8b: {  	[tilespmem:$0x108B0] =	vst v16  }
0x8c: {  	v16 =	vld.idx.msk [tilespmem:v17+s10+$0x0], $0xffff  }
0x8d: {  	v17 =	vadd.s32 v15, v28;
	_ =	sdelay $0x3  }
0x8e: {  	[tilespmem:$0x10930] =	vst v16  }
0x8f: {  	v16 =	vld.idx.msk [tilespmem:v17+s10+$0x0], $0xffff;
	_ =	sdelay $0x4  }
0x90: {  	[tilespmem:$0x109B0] =	vst v16  }
0x91: {  	[tilespmem:s10], [sflag:$0x1] =	stream.indirect.gather [hbm4b:s1+s8], $0x200, s14, s8, $0xb8;
	[tilespmem:$0x11000] =	vst v63  }
0x92: {  	_ =	swait.ge [sflag:s15], $0x8000  }
0x93: {  	[sflag:s15] =	ssyncset.done $0x0  }
0x94: {  	[sflag:s15] =	ssyncadd.s32 $0xFFFF8000  }
0x95: {  	v16 =	vld [tilespmem:$0x640];
	_ =	sdelay $0x4  }
0x96: {  	v17 =	vadd.s32 v0, v16;
	_ =	sdelay $0x4  }
0x97: {  	v17 =	vld.idx.msk [tilespmem:v17+s12+$0x0], $0xffff  }
0x98: {  	v29 =	vadd.s32 v1, v16;
	_ =	sdelay $0x3  }
0x99: {  	[tilespmem:$0x10840] =	vst v17  }
0x9a: {  	v17 =	vld.idx.msk [tilespmem:v29+s12+$0x0], $0xffff  }
0x9b: {  	v30 =	vadd.s32 v2, v16;
	_ =	sdelay $0x3  }
0x9c: {  	[tilespmem:$0x108C0] =	vst v17  }
0x9d: {  	v17 =	vld.idx.msk [tilespmem:v30+s12+$0x0], $0xffff  }
0x9e: {  	v16 =	vadd.s32 v3, v16  }
0x9f: {  	v31 =	vld [tilespmem:$0x650];
	_ =	sdelay $0x2  }
0xa0: {  	[tilespmem:$0x10940] =	vst v17  }
0xa1: {  	v16 =	vld.idx.msk [tilespmem:v16+s12+$0x0], $0xffff  }
0xa2: {  	v17 =	vadd.s32 v4, v31;
	_ =	sdelay $0x3  }
0xa3: {  	[tilespmem:$0x109C0] =	vst v16  }
0xa4: {  	v16 =	vld.idx.msk [tilespmem:v17+s12+$0x0], $0xffff  }
0xa5: {  	v17 =	vadd.s32 v5, v31;
	_ =	sdelay $0x3  }
0xa6: {  	[tilespmem:$0x10850] =	vst v16  }
0xa7: {  	v16 =	vld.idx.msk [tilespmem:v17+s12+$0x0], $0xffff  }
0xa8: {  	v17 =	vadd.s32 v6, v31;
	_ =	sdelay $0x3  }
0xa9: {  	[tilespmem:$0x108D0] =	vst v16  }
0xaa: {  	v16 =	vld.idx.msk [tilespmem:v17+s12+$0x0], $0xffff  }
0xab: {  	v17 =	vadd.s32 v7, v31  }
0xac: {  	v32 =	vld [tilespmem:$0x660];
	_ =	sdelay $0x2  }
0xad: {  	[tilespmem:$0x10950] =	vst v16  }
0xae: {  	v16 =	vld.idx.msk [tilespmem:v17+s12+$0x0], $0xffff  }
0xaf: {  	v17 =	vadd.s32 v8, v32;
	_ =	sdelay $0x3  }
0xb0: {  	[tilespmem:$0x109D0] =	vst v16  }
0xb1: {  	v16 =	vld.idx.msk [tilespmem:v17+s12+$0x0], $0xffff  }
0xb2: {  	v17 =	vadd.s32 v9, v32;
	_ =	sdelay $0x3  }
0xb3: {  	[tilespmem:$0x10860] =	vst v16  }
0xb4: {  	v16 =	vld.idx.msk [tilespmem:v17+s12+$0x0], $0xffff  }
0xb5: {  	v17 =	vadd.s32 v10, v32;
	_ =	sdelay $0x3  }
0xb6: {  	[tilespmem:$0x108E0] =	vst v16  }
0xb7: {  	v16 =	vld.idx.msk [tilespmem:v17+s12+$0x0], $0xffff  }
0xb8: {  	v17 =	vadd.s32 v11, v32  }
0xb9: {  	v33 =	vld [tilespmem:$0x670];
	_ =	sdelay $0x2  }
0xba: {  	[tilespmem:$0x10960] =	vst v16  }
0xbb: {  	v16 =	vld.idx.msk [tilespmem:v17+s12+$0x0], $0xffff  }
0xbc: {  	v17 =	vadd.s32 v12, v33;
	_ =	sdelay $0x3  }
0xbd: {  	[tilespmem:$0x109E0] =	vst v16  }
0xbe: {  	v16 =	vld.idx.msk [tilespmem:v17+s12+$0x0], $0xffff  }
0xbf: {  	v17 =	vadd.s32 v13, v33;
	_ =	sdelay $0x3  }
0xc0: {  	[tilespmem:$0x10870] =	vst v16  }
0xc1: {  	v16 =	vld.idx.msk [tilespmem:v17+s12+$0x0], $0xffff  }
0xc2: {  	v17 =	vadd.s32 v14, v33;
	_ =	sdelay $0x3  }
0xc3: {  	[tilespmem:$0x108F0] =	vst v16  }
0xc4: {  	v16 =	vld.idx.msk [tilespmem:v17+s12+$0x0], $0xffff  }
0xc5: {  	v17 =	vadd.s32 v15, v33;
	_ =	sdelay $0x3  }
0xc6: {  	[tilespmem:$0x10970] =	vst v16  }
0xc7: {  	v16 =	vld.idx.msk [tilespmem:v17+s12+$0x0], $0xffff;
	_ =	sdelay $0x4  }
0xc8: {  	[tilespmem:$0x109F0] =	vst v16  }
0xc9: {  	[tilespmem:s12], [sflag:$0x2] =	stream.indirect.gather [hbm4b:s1+s8], $0x200, s16, s8, $0xb8;
	[tilespmem:$0x11000] =	vst v63  }
0xca: {  	_ =	swait.ge [sflag:s13], $0x8000  }
0xcb: {  	[sflag:s13] =	ssyncset.done $0x0  }
0xcc: {  	[sflag:s13] =	ssyncadd.s32 $0xFFFF8000  }
0xcd: {  	v16 =	vld [tilespmem:$0x680];
	_ =	sdelay $0x4  }
0xce: {  	v17 =	vadd.s32 v0, v16;
	_ =	sdelay $0x4  }
0xcf: {  	v17 =	vld.idx.msk [tilespmem:v17+s10+$0x0], $0xffff  }
0xd0: {  	v34 =	vadd.s32 v1, v16;
	_ =	sdelay $0x3  }
0xd1: {  	[tilespmem:$0x10A00] =	vst v17  }
0xd2: {  	v17 =	vld.idx.msk [tilespmem:v34+s10+$0x0], $0xffff  }
0xd3: {  	v35 =	vadd.s32 v2, v16;
	_ =	sdelay $0x3  }
0xd4: {  	[tilespmem:$0x10A80] =	vst v17  }
0xd5: {  	v17 =	vld.idx.msk [tilespmem:v35+s10+$0x0], $0xffff  }
0xd6: {  	v16 =	vadd.s32 v3, v16  }
0xd7: {  	v36 =	vld [tilespmem:$0x690];
	_ =	sdelay $0x2  }
0xd8: {  	[tilespmem:$0x10B00] =	vst v17  }
0xd9: {  	v16 =	vld.idx.msk [tilespmem:v16+s10+$0x0], $0xffff  }
0xda: {  	v17 =	vadd.s32 v4, v36;
	_ =	sdelay $0x3  }
0xdb: {  	[tilespmem:$0x10B80] =	vst v16  }
0xdc: {  	v16 =	vld.idx.msk [tilespmem:v17+s10+$0x0], $0xffff  }
0xdd: {  	v17 =	vadd.s32 v5, v36;
	_ =	sdelay $0x3  }
0xde: {  	[tilespmem:$0x10A10] =	vst v16  }
0xdf: {  	v16 =	vld.idx.msk [tilespmem:v17+s10+$0x0], $0xffff  }
0xe0: {  	v17 =	vadd.s32 v6, v36;
	_ =	sdelay $0x3  }
0xe1: {  	[tilespmem:$0x10A90] =	vst v16  }
0xe2: {  	v16 =	vld.idx.msk [tilespmem:v17+s10+$0x0], $0xffff  }
0xe3: {  	v17 =	vadd.s32 v7, v36  }
0xe4: {  	v37 =	vld [tilespmem:$0x6A0];
	_ =	sdelay $0x2  }
0xe5: {  	[tilespmem:$0x10B10] =	vst v16  }
0xe6: {  	v16 =	vld.idx.msk [tilespmem:v17+s10+$0x0], $0xffff  }
0xe7: {  	v17 =	vadd.s32 v8, v37;
	_ =	sdelay $0x3  }
0xe8: {  	[tilespmem:$0x10B90] =	vst v16  }
0xe9: {  	v16 =	vld.idx.msk [tilespmem:v17+s10+$0x0], $0xffff  }
0xea: {  	v17 =	vadd.s32 v9, v37;
	_ =	sdelay $0x3  }
0xeb: {  	[tilespmem:$0x10A20] =	vst v16  }
0xec: {  	v16 =	vld.idx.msk [tilespmem:v17+s10+$0x0], $0xffff  }
0xed: {  	v17 =	vadd.s32 v10, v37;
	_ =	sdelay $0x3  }
0xee: {  	[tilespmem:$0x10AA0] =	vst v16  }
0xef: {  	v16 =	vld.idx.msk [tilespmem:v17+s10+$0x0], $0xffff  }
0xf0: {  	v17 =	vadd.s32 v11, v37  }
0xf1: {  	v38 =	vld [tilespmem:$0x6B0];
	_ =	sdelay $0x2  }
0xf2: {  	[tilespmem:$0x10B20] =	vst v16  }
0xf3: {  	v16 =	vld.idx.msk [tilespmem:v17+s10+$0x0], $0xffff  }
0xf4: {  	v17 =	vadd.s32 v12, v38;
	_ =	sdelay $0x3  }
0xf5: {  	[tilespmem:$0x10BA0] =	vst v16  }
0xf6: {  	v16 =	vld.idx.msk [tilespmem:v17+s10+$0x0], $0xffff  }
0xf7: {  	v17 =	vadd.s32 v13, v38;
	_ =	sdelay $0x3  }
0xf8: {  	[tilespmem:$0x10A30] =	vst v16  }
0xf9: {  	v16 =	vld.idx.msk [tilespmem:v17+s10+$0x0], $0xffff  }
0xfa: {  	v17 =	vadd.s32 v14, v38;
	_ =	sdelay $0x3  }
0xfb: {  	[tilespmem:$0x10AB0] =	vst v16  }
0xfc: {  	v16 =	vld.idx.msk [tilespmem:v17+s10+$0x0], $0xffff  }
0xfd: {  	v17 =	vadd.s32 v15, v38;
	_ =	sdelay $0x3  }
0xfe: {  	[tilespmem:$0x10B30] =	vst v16  }
0xff: {  	v16 =	vld.idx.msk [tilespmem:v17+s10+$0x0], $0xffff;
	_ =	sdelay $0x4  }
0x100: {  	[tilespmem:$0x10BB0] =	vst v16  }
0x101: {  	[tilespmem:s10], [sflag:$0x1] =	stream.indirect.gather [hbm4b:s1+s8], $0x200, s17, s8, $0xb8;
	[tilespmem:$0x11000] =	vst v63  }
0x102: {  	_ =	swait.ge [sflag:s15], $0x8000  }
0x103: {  	[sflag:s15] =	ssyncset.done $0x0  }
0x104: {  	[sflag:s15] =	ssyncadd.s32 $0xFFFF8000  }
0x105: {  	v16 =	vld [tilespmem:$0x6C0];
	_ =	sdelay $0x4  }
0x106: {  	v17 =	vadd.s32 v0, v16;
	_ =	sdelay $0x4  }
0x107: {  	v17 =	vld.idx.msk [tilespmem:v17+s12+$0x0], $0xffff  }
0x108: {  	v39 =	vadd.s32 v1, v16;
	_ =	sdelay $0x3  }
0x109: {  	[tilespmem:$0x10A40] =	vst v17  }
0x10a: {  	v17 =	vld.idx.msk [tilespmem:v39+s12+$0x0], $0xffff  }
0x10b: {  	v40 =	vadd.s32 v2, v16;
	_ =	sdelay $0x3  }
0x10c: {  	[tilespmem:$0x10AC0] =	vst v17  }
0x10d: {  	v17 =	vld.idx.msk [tilespmem:v40+s12+$0x0], $0xffff  }
0x10e: {  	v16 =	vadd.s32 v3, v16  }
0x10f: {  	v41 =	vld [tilespmem:$0x6D0];
	_ =	sdelay $0x2  }
0x110: {  	[tilespmem:$0x10B40] =	vst v17  }
0x111: {  	v16 =	vld.idx.msk [tilespmem:v16+s12+$0x0], $0xffff  }
0x112: {  	v17 =	vadd.s32 v4, v41;
	_ =	sdelay $0x3  }
0x113: {  	[tilespmem:$0x10BC0] =	vst v16  }
0x114: {  	v16 =	vld.idx.msk [tilespmem:v17+s12+$0x0], $0xffff  }
0x115: {  	v17 =	vadd.s32 v5, v41;
	_ =	sdelay $0x3  }
0x116: {  	[tilespmem:$0x10A50] =	vst v16  }
0x117: {  	v16 =	vld.idx.msk [tilespmem:v17+s12+$0x0], $0xffff  }
0x118: {  	v17 =	vadd.s32 v6, v41;
	_ =	sdelay $0x3  }
0x119: {  	[tilespmem:$0x10AD0] =	vst v16  }
0x11a: {  	v16 =	vld.idx.msk [tilespmem:v17+s12+$0x0], $0xffff  }
0x11b: {  	v17 =	vadd.s32 v7, v41  }
0x11c: {  	v42 =	vld [tilespmem:$0x6E0];
	_ =	sdelay $0x2  }
0x11d: {  	[tilespmem:$0x10B50] =	vst v16  }
0x11e: {  	v16 =	vld.idx.msk [tilespmem:v17+s12+$0x0], $0xffff  }
0x11f: {  	v17 =	vadd.s32 v8, v42;
	_ =	sdelay $0x3  }
0x120: {  	[tilespmem:$0x10BD0] =	vst v16  }
0x121: {  	v16 =	vld.idx.msk [tilespmem:v17+s12+$0x0], $0xffff  }
0x122: {  	v17 =	vadd.s32 v9, v42;
	_ =	sdelay $0x3  }
0x123: {  	[tilespmem:$0x10A60] =	vst v16  }
0x124: {  	v16 =	vld.idx.msk [tilespmem:v17+s12+$0x0], $0xffff  }
0x125: {  	v17 =	vadd.s32 v10, v42;
	_ =	sdelay $0x3  }
0x126: {  	[tilespmem:$0x10AE0] =	vst v16  }
0x127: {  	v16 =	vld.idx.msk [tilespmem:v17+s12+$0x0], $0xffff  }
0x128: {  	v17 =	vadd.s32 v11, v42  }
0x129: {  	v43 =	vld [tilespmem:$0x6F0];
	_ =	sdelay $0x2  }
0x12a: {  	[tilespmem:$0x10B60] =	vst v16  }
0x12b: {  	v16 =	vld.idx.msk [tilespmem:v17+s12+$0x0], $0xffff  }
0x12c: {  	v17 =	vadd.s32 v12, v43;
	_ =	sdelay $0x3  }
0x12d: {  	[tilespmem:$0x10BE0] =	vst v16  }
0x12e: {  	v16 =	vld.idx.msk [tilespmem:v17+s12+$0x0], $0xffff  }
0x12f: {  	v17 =	vadd.s32 v13, v43;
	_ =	sdelay $0x3  }
0x130: {  	[tilespmem:$0x10A70] =	vst v16  }
0x131: {  	v16 =	vld.idx.msk [tilespmem:v17+s12+$0x0], $0xffff  }
0x132: {  	v17 =	vadd.s32 v14, v43;
	_ =	sdelay $0x3  }
0x133: {  	[tilespmem:$0x10AF0] =	vst v16  }
0x134: {  	v16 =	vld.idx.msk [tilespmem:v17+s12+$0x0], $0xffff  }
0x135: {  	v17 =	vadd.s32 v15, v43;
	_ =	sdelay $0x3  }
0x136: {  	[tilespmem:$0x10B70] =	vst v16  }
0x137: {  	v16 =	vld.idx.msk [tilespmem:v17+s12+$0x0], $0xffff;
	_ =	sdelay $0x4  }
0x138: {  	[tilespmem:$0x10BF0] =	vst v16  }
0x139: {  	[tilespmem:s12], [sflag:$0x2] =	stream.indirect.gather [hbm4b:s1+s8], $0x200, s18, s8, $0xb8;
	[tilespmem:$0x11000] =	vst v63  }
0x13a: {  	_ =	swait.ge [sflag:s13], $0x8000  }
0x13b: {  	[sflag:s13] =	ssyncset.done $0x0  }
0x13c: {  	[sflag:s13] =	ssyncadd.s32 $0xFFFF8000  }
0x13d: {  	v16 =	vld [tilespmem:$0x700];
	_ =	sdelay $0x4  }
0x13e: {  	v17 =	vadd.s32 v0, v16;
	_ =	sdelay $0x4  }
0x13f: {  	v17 =	vld.idx.msk [tilespmem:v17+s10+$0x0], $0xffff  }
0x140: {  	v44 =	vadd.s32 v1, v16;
	_ =	sdelay $0x3  }
0x141: {  	[tilespmem:$0x10C00] =	vst v17  }
0x142: {  	v17 =	vld.idx.msk [tilespmem:v44+s10+$0x0], $0xffff  }
0x143: {  	v45 =	vadd.s32 v2, v16;
	_ =	sdelay $0x3  }
0x144: {  	[tilespmem:$0x10C80] =	vst v17  }
0x145: {  	v17 =	vld.idx.msk [tilespmem:v45+s10+$0x0], $0xffff  }
0x146: {  	v16 =	vadd.s32 v3, v16  }
0x147: {  	v46 =	vld [tilespmem:$0x710];
	_ =	sdelay $0x2  }
0x148: {  	[tilespmem:$0x10D00] =	vst v17  }
0x149: {  	v16 =	vld.idx.msk [tilespmem:v16+s10+$0x0], $0xffff  }
0x14a: {  	v17 =	vadd.s32 v4, v46;
	_ =	sdelay $0x3  }
0x14b: {  	[tilespmem:$0x10D80] =	vst v16  }
0x14c: {  	v16 =	vld.idx.msk [tilespmem:v17+s10+$0x0], $0xffff  }
0x14d: {  	v17 =	vadd.s32 v5, v46;
	_ =	sdelay $0x3  }
0x14e: {  	[tilespmem:$0x10C10] =	vst v16  }
0x14f: {  	v16 =	vld.idx.msk [tilespmem:v17+s10+$0x0], $0xffff  }
0x150: {  	v17 =	vadd.s32 v6, v46;
	_ =	sdelay $0x3  }
0x151: {  	[tilespmem:$0x10C90] =	vst v16  }
0x152: {  	v16 =	vld.idx.msk [tilespmem:v17+s10+$0x0], $0xffff  }
0x153: {  	v17 =	vadd.s32 v7, v46  }
0x154: {  	v47 =	vld [tilespmem:$0x720];
	_ =	sdelay $0x2  }
0x155: {  	[tilespmem:$0x10D10] =	vst v16  }
0x156: {  	v16 =	vld.idx.msk [tilespmem:v17+s10+$0x0], $0xffff  }
0x157: {  	v17 =	vadd.s32 v8, v47;
	_ =	sdelay $0x3  }
0x158: {  	[tilespmem:$0x10D90] =	vst v16  }
0x159: {  	v16 =	vld.idx.msk [tilespmem:v17+s10+$0x0], $0xffff  }
0x15a: {  	v17 =	vadd.s32 v9, v47;
	_ =	sdelay $0x3  }
0x15b: {  	[tilespmem:$0x10C20] =	vst v16  }
0x15c: {  	v16 =	vld.idx.msk [tilespmem:v17+s10+$0x0], $0xffff  }
0x15d: {  	v17 =	vadd.s32 v10, v47;
	_ =	sdelay $0x3  }
0x15e: {  	[tilespmem:$0x10CA0] =	vst v16  }
0x15f: {  	v16 =	vld.idx.msk [tilespmem:v17+s10+$0x0], $0xffff  }
0x160: {  	v17 =	vadd.s32 v11, v47  }
0x161: {  	v48 =	vld [tilespmem:$0x730];
	_ =	sdelay $0x2  }
0x162: {  	[tilespmem:$0x10D20] =	vst v16  }
0x163: {  	v16 =	vld.idx.msk [tilespmem:v17+s10+$0x0], $0xffff  }
0x164: {  	v17 =	vadd.s32 v12, v48;
	_ =	sdelay $0x3  }
0x165: {  	[tilespmem:$0x10DA0] =	vst v16  }
0x166: {  	v16 =	vld.idx.msk [tilespmem:v17+s10+$0x0], $0xffff  }
0x167: {  	v17 =	vadd.s32 v13, v48;
	_ =	sdelay $0x3  }
0x168: {  	[tilespmem:$0x10C30] =	vst v16  }
0x169: {  	v16 =	vld.idx.msk [tilespmem:v17+s10+$0x0], $0xffff  }
0x16a: {  	v17 =	vadd.s32 v14, v48;
	_ =	sdelay $0x3  }
0x16b: {  	[tilespmem:$0x10CB0] =	vst v16  }
0x16c: {  	v16 =	vld.idx.msk [tilespmem:v17+s10+$0x0], $0xffff  }
0x16d: {  	v17 =	vadd.s32 v15, v48;
	_ =	sdelay $0x3  }
0x16e: {  	[tilespmem:$0x10D30] =	vst v16  }
0x16f: {  	v16 =	vld.idx.msk [tilespmem:v17+s10+$0x0], $0xffff;
	_ =	sdelay $0x4  }
0x170: {  	[tilespmem:$0x10DB0] =	vst v16  }
0x171: {  	[tilespmem:s10], [sflag:$0x1] =	stream.indirect.gather [hbm4b:s1+s8], $0x200, s19, s8, $0xb8;
	[tilespmem:$0x11000] =	vst v63  }
0x172: {  	_ =	swait.ge [sflag:s15], $0x8000  }
0x173: {  	[sflag:s15] =	ssyncset.done $0x0  }
0x174: {  	[sflag:s15] =	ssyncadd.s32 $0xFFFF8000  }
0x175: {  	v16 =	vld [tilespmem:$0x740];
	_ =	sdelay $0x4  }
0x176: {  	v17 =	vadd.s32 v0, v16;
	_ =	sdelay $0x4  }
0x177: {  	v17 =	vld.idx.msk [tilespmem:v17+s12+$0x0], $0xffff  }
0x178: {  	v49 =	vadd.s32 v1, v16;
	_ =	sdelay $0x3  }
0x179: {  	[tilespmem:$0x10C40] =	vst v17  }
0x17a: {  	v17 =	vld.idx.msk [tilespmem:v49+s12+$0x0], $0xffff  }
0x17b: {  	v50 =	vadd.s32 v2, v16;
	_ =	sdelay $0x3  }
0x17c: {  	[tilespmem:$0x10CC0] =	vst v17  }
0x17d: {  	v17 =	vld.idx.msk [tilespmem:v50+s12+$0x0], $0xffff  }
0x17e: {  	v16 =	vadd.s32 v3, v16  }
0x17f: {  	v51 =	vld [tilespmem:$0x750];
	_ =	sdelay $0x2  }
0x180: {  	[tilespmem:$0x10D40] =	vst v17  }
0x181: {  	v16 =	vld.idx.msk [tilespmem:v16+s12+$0x0], $0xffff  }
0x182: {  	v17 =	vadd.s32 v4, v51;
	_ =	sdelay $0x3  }
0x183: {  	[tilespmem:$0x10DC0] =	vst v16  }
0x184: {  	v16 =	vld.idx.msk [tilespmem:v17+s12+$0x0], $0xffff  }
0x185: {  	v17 =	vadd.s32 v5, v51;
	_ =	sdelay $0x3  }
0x186: {  	[tilespmem:$0x10C50] =	vst v16  }
0x187: {  	v16 =	vld.idx.msk [tilespmem:v17+s12+$0x0], $0xffff  }
0x188: {  	v17 =	vadd.s32 v6, v51;
	_ =	sdelay $0x3  }
0x189: {  	[tilespmem:$0x10CD0] =	vst v16  }
0x18a: {  	v16 =	vld.idx.msk [tilespmem:v17+s12+$0x0], $0xffff  }
0x18b: {  	v17 =	vadd.s32 v7, v51  }
0x18c: {  	v52 =	vld [tilespmem:$0x760];
	_ =	sdelay $0x2  }
0x18d: {  	[tilespmem:$0x10D50] =	vst v16  }
0x18e: {  	v16 =	vld.idx.msk [tilespmem:v17+s12+$0x0], $0xffff  }
0x18f: {  	v17 =	vadd.s32 v8, v52;
	_ =	sdelay $0x3  }
0x190: {  	[tilespmem:$0x10DD0] =	vst v16  }
0x191: {  	v16 =	vld.idx.msk [tilespmem:v17+s12+$0x0], $0xffff  }
0x192: {  	v17 =	vadd.s32 v9, v52;
	_ =	sdelay $0x3  }
0x193: {  	[tilespmem:$0x10C60] =	vst v16  }
0x194: {  	v16 =	vld.idx.msk [tilespmem:v17+s12+$0x0], $0xffff  }
0x195: {  	v17 =	vadd.s32 v10, v52;
	_ =	sdelay $0x3  }
0x196: {  	[tilespmem:$0x10CE0] =	vst v16  }
0x197: {  	v16 =	vld.idx.msk [tilespmem:v17+s12+$0x0], $0xffff  }
0x198: {  	v17 =	vadd.s32 v11, v52  }
0x199: {  	v53 =	vld [tilespmem:$0x770];
	_ =	sdelay $0x2  }
0x19a: {  	[tilespmem:$0x10D60] =	vst v16  }
0x19b: {  	v16 =	vld.idx.msk [tilespmem:v17+s12+$0x0], $0xffff  }
0x19c: {  	v17 =	vadd.s32 v12, v53;
	_ =	sdelay $0x3  }
0x19d: {  	[tilespmem:$0x10DE0] =	vst v16  }
0x19e: {  	v16 =	vld.idx.msk [tilespmem:v17+s12+$0x0], $0xffff  }
0x19f: {  	v17 =	vadd.s32 v13, v53;
	_ =	sdelay $0x3  }
0x1a0: {  	[tilespmem:$0x10C70] =	vst v16  }
0x1a1: {  	v16 =	vld.idx.msk [tilespmem:v17+s12+$0x0], $0xffff  }
0x1a2: {  	v17 =	vadd.s32 v14, v53;
	_ =	sdelay $0x3  }
0x1a3: {  	[tilespmem:$0x10CF0] =	vst v16  }
0x1a4: {  	v16 =	vld.idx.msk [tilespmem:v17+s12+$0x0], $0xffff  }
0x1a5: {  	v17 =	vadd.s32 v15, v53;
	_ =	sdelay $0x3  }
0x1a6: {  	[tilespmem:$0x10D70] =	vst v16  }
0x1a7: {  	v16 =	vld.idx.msk [tilespmem:v17+s12+$0x0], $0xffff;
	_ =	sdelay $0x4  }
0x1a8: {  	[tilespmem:$0x10DF0] =	vst v16  }
0x1a9: {  	[tilespmem:s12], [sflag:$0x2] =	stream.indirect.gather [hbm4b:s1+s8], $0x200, s20, s8, $0xb8;
	[tilespmem:$0x11000] =	vst v63  }
0x1aa: {  	_ =	swait.ge [sflag:s13], $0x8000  }
0x1ab: {  	[sflag:s13] =	ssyncset.done $0x0  }
0x1ac: {  	[sflag:s13] =	ssyncadd.s32 $0xFFFF8000  }
0x1ad: {  	v16 =	vld [tilespmem:$0x780];
	_ =	sdelay $0x4  }
0x1ae: {  	v17 =	vadd.s32 v0, v16;
	_ =	sdelay $0x4  }
0x1af: {  	v17 =	vld.idx.msk [tilespmem:v17+s10+$0x0], $0xffff  }
0x1b0: {  	v54 =	vadd.s32 v1, v16;
	_ =	sdelay $0x3  }
0x1b1: {  	[tilespmem:$0x10E00] =	vst v17  }
0x1b2: {  	v17 =	vld.idx.msk [tilespmem:v54+s10+$0x0], $0xffff  }
0x1b3: {  	v55 =	vadd.s32 v2, v16;
	_ =	sdelay $0x3  }
0x1b4: {  	[tilespmem:$0x10E80] =	vst v17  }
0x1b5: {  	v17 =	vld.idx.msk [tilespmem:v55+s10+$0x0], $0xffff  }
0x1b6: {  	v16 =	vadd.s32 v3, v16  }
0x1b7: {  	v56 =	vld [tilespmem:$0x790];
	_ =	sdelay $0x2  }
0x1b8: {  	[tilespmem:$0x10F00] =	vst v17  }
0x1b9: {  	v16 =	vld.idx.msk [tilespmem:v16+s10+$0x0], $0xffff  }
0x1ba: {  	v17 =	vadd.s32 v4, v56;
	_ =	sdelay $0x3  }
0x1bb: {  	[tilespmem:$0x10F80] =	vst v16  }
0x1bc: {  	v16 =	vld.idx.msk [tilespmem:v17+s10+$0x0], $0xffff  }
0x1bd: {  	v17 =	vadd.s32 v5, v56;
	_ =	sdelay $0x3  }
0x1be: {  	[tilespmem:$0x10E10] =	vst v16  }
0x1bf: {  	v16 =	vld.idx.msk [tilespmem:v17+s10+$0x0], $0xffff  }
0x1c0: {  	v17 =	vadd.s32 v6, v56;
	_ =	sdelay $0x3  }
0x1c1: {  	[tilespmem:$0x10E90] =	vst v16  }
0x1c2: {  	v16 =	vld.idx.msk [tilespmem:v17+s10+$0x0], $0xffff  }
0x1c3: {  	v17 =	vadd.s32 v7, v56  }
0x1c4: {  	v57 =	vld [tilespmem:$0x7A0];
	_ =	sdelay $0x2  }
0x1c5: {  	[tilespmem:$0x10F10] =	vst v16  }
0x1c6: {  	v16 =	vld.idx.msk [tilespmem:v17+s10+$0x0], $0xffff  }
0x1c7: {  	v17 =	vadd.s32 v8, v57;
	_ =	sdelay $0x3  }
0x1c8: {  	[tilespmem:$0x10F90] =	vst v16  }
0x1c9: {  	v16 =	vld.idx.msk [tilespmem:v17+s10+$0x0], $0xffff  }
0x1ca: {  	v17 =	vadd.s32 v9, v57;
	_ =	sdelay $0x3  }
0x1cb: {  	[tilespmem:$0x10E20] =	vst v16  }
0x1cc: {  	v16 =	vld.idx.msk [tilespmem:v17+s10+$0x0], $0xffff  }
0x1cd: {  	v17 =	vadd.s32 v10, v57;
	_ =	sdelay $0x3  }
0x1ce: {  	[tilespmem:$0x10EA0] =	vst v16  }
0x1cf: {  	v16 =	vld.idx.msk [tilespmem:v17+s10+$0x0], $0xffff  }
0x1d0: {  	v17 =	vadd.s32 v11, v57  }
0x1d1: {  	v58 =	vld [tilespmem:$0x7B0];
	_ =	sdelay $0x2  }
0x1d2: {  	[tilespmem:$0x10F20] =	vst v16  }
0x1d3: {  	v16 =	vld.idx.msk [tilespmem:v17+s10+$0x0], $0xffff  }
0x1d4: {  	v17 =	vadd.s32 v12, v58;
	_ =	sdelay $0x3  }
0x1d5: {  	[tilespmem:$0x10FA0] =	vst v16  }
0x1d6: {  	v16 =	vld.idx.msk [tilespmem:v17+s10+$0x0], $0xffff  }
0x1d7: {  	v17 =	vadd.s32 v13, v58;
	_ =	sdelay $0x3  }
0x1d8: {  	[tilespmem:$0x10E30] =	vst v16  }
0x1d9: {  	v16 =	vld.idx.msk [tilespmem:v17+s10+$0x0], $0xffff  }
0x1da: {  	v17 =	vadd.s32 v14, v58;
	_ =	sdelay $0x3  }
0x1db: {  	[tilespmem:$0x10EB0] =	vst v16  }
0x1dc: {  	v16 =	vld.idx.msk [tilespmem:v17+s10+$0x0], $0xffff  }
0x1dd: {  	v17 =	vadd.s32 v15, v58;
	_ =	sdelay $0x3  }
0x1de: {  	[tilespmem:$0x10F30] =	vst v16  }
0x1df: {  	v16 =	vld.idx.msk [tilespmem:v17+s10+$0x0], $0xffff;
	_ =	sdelay $0x4  }
0x1e0: {  	[tilespmem:$0x10FB0] =	vst v16  }
0x1e1: {  	_ =	swait.ge [sflag:s15], $0x8000  }
0x1e2: {  	[sflag:s15] =	ssyncset.done $0x0  }
0x1e3: {  	[sflag:s15] =	ssyncadd.s32 $0xFFFF8000  }
0x1e4: {  	v16 =	vld [tilespmem:$0x7C0];
	_ =	sdelay $0x4  }
0x1e5: {  	v17 =	vadd.s32 v0, v16;
	_ =	sdelay $0x4  }
0x1e6: {  	v17 =	vld.idx.msk [tilespmem:v17+s12+$0x0], $0xffff  }
0x1e7: {  	v59 =	vadd.s32 v1, v16;
	_ =	sdelay $0x3  }
0x1e8: {  	[tilespmem:$0x10E40] =	vst v17  }
0x1e9: {  	v17 =	vld.idx.msk [tilespmem:v59+s12+$0x0], $0xffff  }
0x1ea: {  	v60 =	vadd.s32 v2, v16;
	_ =	sdelay $0x3  }
0x1eb: {  	[tilespmem:$0x10EC0] =	vst v17  }
0x1ec: {  	v17 =	vld.idx.msk [tilespmem:v60+s12+$0x0], $0xffff  }
0x1ed: {  	v16 =	vadd.s32 v3, v16  }
0x1ee: {  	v61 =	vld [tilespmem:$0x7D0];
	_ =	sdelay $0x2  }
0x1ef: {  	[tilespmem:$0x10F40] =	vst v17  }
0x1f0: {  	v16 =	vld.idx.msk [tilespmem:v16+s12+$0x0], $0xffff  }
0x1f1: {  	v17 =	vadd.s32 v4, v61;
	_ =	sdelay $0x3  }
0x1f2: {  	[tilespmem:$0x10FC0] =	vst v16  }
0x1f3: {  	v16 =	vld.idx.msk [tilespmem:v17+s12+$0x0], $0xffff  }
0x1f4: {  	v17 =	vadd.s32 v5, v61;
	_ =	sdelay $0x3  }
0x1f5: {  	[tilespmem:$0x10E50] =	vst v16  }
0x1f6: {  	v16 =	vld.idx.msk [tilespmem:v17+s12+$0x0], $0xffff  }
0x1f7: {  	v17 =	vadd.s32 v6, v61;
	_ =	sdelay $0x3  }
0x1f8: {  	[tilespmem:$0x10ED0] =	vst v16  }
0x1f9: {  	v16 =	vld.idx.msk [tilespmem:v17+s12+$0x0], $0xffff  }
0x1fa: {  	v17 =	vadd.s32 v7, v61  }
0x1fb: {  	v62 =	vld [tilespmem:$0x7E0];
	_ =	sdelay $0x2  }
0x1fc: {  	[tilespmem:$0x10F50] =	vst v16  }
0x1fd: {  	v16 =	vld.idx.msk [tilespmem:v17+s12+$0x0], $0xffff  }
0x1fe: {  	v17 =	vadd.s32 v8, v62;
	_ =	sdelay $0x3  }
0x1ff: {  	[tilespmem:$0x10FD0] =	vst v16  }
0x200: {  	v16 =	vld.idx.msk [tilespmem:v17+s12+$0x0], $0xffff  }
0x201: {  	v17 =	vadd.s32 v9, v62;
	_ =	sdelay $0x3  }
0x202: {  	[tilespmem:$0x10E60] =	vst v16  }
0x203: {  	v16 =	vld.idx.msk [tilespmem:v17+s12+$0x0], $0xffff  }
0x204: {  	v17 =	vadd.s32 v10, v62;
	_ =	sdelay $0x3  }
0x205: {  	[tilespmem:$0x10EE0] =	vst v16  }
0x206: {  	v16 =	vld.idx.msk [tilespmem:v17+s12+$0x0], $0xffff  }
0x207: {  	v17 =	vadd.s32 v11, v62  }
0x208: {  	v63 =	vld [tilespmem:$0x7F0];
	_ =	sdelay $0x2  }
0x209: {  	[tilespmem:$0x10F60] =	vst v16  }
0x20a: {  	v16 =	vld.idx.msk [tilespmem:v17+s12+$0x0], $0xffff  }
0x20b: {  	v17 =	vadd.s32 v12, v63;
	_ =	sdelay $0x3  }
0x20c: {  	[tilespmem:$0x10FE0] =	vst v16  }
0x20d: {  	v16 =	vld.idx.msk [tilespmem:v17+s12+$0x0], $0xffff  }
0x20e: {  	v17 =	vadd.s32 v13, v63;
	_ =	sdelay $0x3  }
0x20f: {  	[tilespmem:$0x10E70] =	vst v16  }
0x210: {  	v16 =	vld.idx.msk [tilespmem:v17+s12+$0x0], $0xffff  }
0x211: {  	v17 =	vadd.s32 v14, v63;
	_ =	sdelay $0x3  }
0x212: {  	[tilespmem:$0x10EF0] =	vst v16  }
0x213: {  	v16 =	vld.idx.msk [tilespmem:v17+s12+$0x0], $0xffff  }
0x214: {  	v17 =	vadd.s32 v15, v63;
	_ =	sdelay $0x3  }
0x215: {  	[tilespmem:$0x10F70] =	vst v16  }
0x216: {  	v16 =	vld.idx.msk [tilespmem:v17+s12+$0x0], $0xffff;
	_ =	sdelay $0x3  }
0x217: {  	p0 =	sne.s32 s6, $0x1  }
.Ltmp0:
0x218: {  	[tilespmem:$0x10FF0] =	vst v16;
	(pc) =	sbr.rel @p0 .LBB2_1-.Ltmp0, $4  }
0x219: {  	[hbm4b:s5+s2] =	stream.linear.scatter [tilespmem:s21], [sflag:$0x3], $0x800, $0x38;
	[tilespmem:$0x11000] =	vst v63  }
0x21a: {  	_ =	swait.ge [sflag:s7], $0x800  }
0x21b: {  	[sflag:s7] =	ssyncset.done $0x0  }
0x21c: {  	s6 =	sadd.s32 $0xFFFFFFFF, s6;
	[sflag:s7] =	ssyncadd.s32 $0xFFFFF800  }
0x21d: {  	_ =	sfence.sel $0x180000  }
0x21e: {  	[bflag:$0x0] =	sbarrier.arrive $0xFFFF  }
0x21f: {  	p0 =	sne.s32 s3, $0x0;
	_ =	strace $0x90000047  }
0x220: {  	s0 =	sadd.s32 @!p0 $0x100000, s0;
	[bflag:$0x2] =	sbarrier.arrive $0xFFFF  }
0x221: {  	[sflag:s0] =	ssyncadd.tile.s32 @!p0 $0x1;
	_ =	shalt  }
.Lfunc_end2:
_tile_overlayer_lowered:
.L_overlay_start_2:
0x222: {  	(tag) =	ssettag $0x2  }
0x223: {  	s0 =	rddreg [dreg:$0x0];
	s2 =	stileid.u32  }
0x224: {  	s1 =	rddreg [dreg:$0x1];
	p0 =	sne.s32 s2, $0x0  }
0x225: {  	s3 =	rddreg [dreg:$0x2];
	[bflag:$0x3] =	sbarrier.arrive $0xFFFF;
	s2 =	simm.s32 @!p0 $0x1C03  }
0x226: {  	[timem:s3], [sflag:s2] =	dma.local @!p0 [hbm:s0], s1  }
0x227: {  	s0 =	simm.s32 @!p0 $0x3  }
0x228: {  	_ =	swait.ge @!p0 [sflag:s0], s1  }
0x229: {  	s1 =	ssub.s32 @!p0 $0x0, s1;
	[sflag:s0] =	ssyncset.done @!p0 $0x0  }
0x22a: {  	[sflag:s0] =	ssyncadd.s32 @!p0 s1  }
0x22b: {  	[bflag:$0x3] =	sbarrier.arrive $0xFFFF  }
0x22c: {  	_ =	shalt  }

</sc_bundles>
